<compile_context>
chip_gen: v7x
topology: tpu7x:2x2x1
jax: 0.10.2.dev20260603
libtpu: 0.0.44.dev20260713+nightly
codegen_flags: <defaults>
</compile_context>

<pallas_src>
import functools

import jax
import jax.numpy as jnp
from jax import lax
from jax.experimental import pallas as pl
from jax.experimental.pallas import tpu as pltpu
from jax.experimental.pallas import tpu_sc as plsc

_NC = 2
_NS = 16
_LN = 16
_NW = _NC * _NS


def _table_body(emb_ref, w_ref, out_ref):
    logits = jnp.dot(emb_ref[...], w_ref[...],
                     preferred_element_type=jnp.float32)
    m = jnp.max(logits, axis=1, keepdims=True)
    lse = m + jnp.log(jnp.sum(jnp.exp(logits - m), axis=1, keepdims=True))
    nll = (lse - logits).astype(jnp.bfloat16)
    padded = jnp.pad(nll, ((0, 0), (0, 1024 - nll.shape[1])))
    out_ref[...] = padded.reshape(-1)


def _build_nll_table(emb16, w16):
    v, d = emb16.shape
    vmem = pltpu.MemorySpace.VMEM
    return pl.pallas_call(
        _table_body,
        in_specs=[
            pl.BlockSpec(memory_space=vmem),
            pl.BlockSpec(memory_space=vmem),
        ],
        out_specs=pl.BlockSpec(memory_space=vmem),
        out_shape=jax.ShapeDtypeStruct((v * 1024,), jnp.bfloat16),
    )(emb16, w16)


def _sc_gather_partials(table_words, xf, vocab, s_sz):
    total = xf.shape[0]
    c = total // _NW
    gw = 128
    ng = c // gw
    mesh = plsc.VectorSubcoreMesh(
        core_axis_name="c", subcore_axis_name="s",
        num_cores=_NC, num_subcores=_NS)

    @functools.partial(
        pl.kernel,
        out_type=jax.ShapeDtypeStruct((_NW, _LN), jnp.float32),
        mesh=mesh,
        scratch_types=[
            pltpu.VMEM((c + _LN,), jnp.int32),
            pltpu.VMEM((ng, gw), jnp.int32),
            pltpu.VMEM((ng, gw), jnp.int32),
            pltpu.VMEM((ng, gw), jnp.int32),
            pltpu.VMEM((_LN,), jnp.float32),
            pltpu.SemaphoreType.DMA,
        ],
    )
    def k(table_hbm, x_hbm, out_hbm, xv, idx_v, half_v, val_v, vec_v, sem):
        cid = lax.axis_index("c")
        sid = lax.axis_index("s")
        wid = sid * _NC + cid
        base = wid * c

        @pl.when(wid == _NW - 1)
        def _():
            pltpu.sync_copy(x_hbm.at[pl.ds(base, c)], xv.at[pl.ds(0, c)])

        @pl.when(wid != _NW - 1)
        def _():
            pltpu.sync_copy(x_hbm.at[pl.ds(base, c + 8)],
                            xv.at[pl.ds(0, c + 8)])

        lanes = lax.iota(jnp.int32, _LN)
        shift = jnp.where(lanes == _LN - 1, 0, lanes + 1)
        zeros = jnp.zeros((_LN,), jnp.int32)
        last = lanes == _LN - 1
        for j in range(ng):
            for i in range(gw // _LN):
                o = j * gw + i * _LN
                t = xv[pl.ds(o, _LN)]
                t_next = xv[pl.ds(o + _LN, _LN)]
                lbl = jnp.where(
                    last,
                    t_next.at[zeros].get(mode='promise_in_bounds'),
                    t.at[shift].get(mode='promise_in_bounds'))
                p = base + o + lanes
                valid = lax.rem(p, s_sz) != s_sz - 1
                widx = (t << 9) + (lbl >> 1)
                idx_v[j, pl.ds(i * _LN, _LN)] = jnp.where(valid, widx, 0)
                half_v[j, pl.ds(i * _LN, _LN)] = lbl & 1
        copies = [pltpu.async_copy(table_hbm.at[idx_v.at[j]], val_v.at[j],
                                   sem) for j in range(ng)]
        for cp in copies:
            cp.wait()
        acc = jnp.zeros((_LN,), jnp.float32)
        for j in range(ng):
            for i in range(gw // _LN):
                p = base + j * gw + i * _LN + lanes
                w = val_v[j, pl.ds(i * _LN, _LN)]
                odd = half_v[j, pl.ds(i * _LN, _LN)] != 0
                bits = jnp.where(odd, w & jnp.int32(-65536),
                                 lax.shift_left(w, 16))
                vals = lax.bitcast_convert_type(bits, jnp.float32)
                acc = acc + jnp.where(lax.rem(p, s_sz) != s_sz - 1,
                                      vals, 0.0)
        vec_v[...] = acc
        pltpu.sync_copy(vec_v, out_hbm.at[wid])

    return k(table_words, xf)


def kernel(x, emb, w_out):
    vocab = emb.shape[0]
    b, s = x.shape
    n_valid = b * (s - 1)
    table = _build_nll_table(emb.astype(jnp.bfloat16),
                             w_out.astype(jnp.bfloat16))
    words = jax.lax.bitcast_convert_type(
        table.reshape(-1, 2), jnp.int32)
    partials = _sc_gather_partials(words,
                                   x.astype(jnp.int32).reshape(-1), vocab, s)
    return jnp.sum(partials) / n_valid

# --- scband reference (transcript-rebuilt; emitter-appended) ---
"""Pipeline reference for scband-autoregressive-wrapper-9423158247767 (READ-ONLY COPY).

The authoritative reference and input builder live on the scoring server;
editing this copy changes nothing except your own understanding.
"""

import jax, jax.numpy as jnp
import numpy as np

VOCAB = 1000
D_MODEL = 1024
B = 8
S = 2048

def setup_inputs(seed: int = 0) -> dict:
    key = jax.random.key(seed)
    k1, k2, k3 = jax.random.split(key, 3)
    x = jax.random.randint(k1, (B, S), 0, VOCAB)
    emb = jax.random.normal(k2, (VOCAB, D_MODEL), dtype=jnp.float32) * 0.02
    w_out = jax.random.normal(k3, (D_MODEL, VOCAB), dtype=jnp.float32) * 0.02
    return {"x": x, "emb": emb, "w_out": w_out}

def reference(x, emb, w_out):
    # AutoregressiveWrapper.forward: shift tokens, run net, cross-entropy loss
    x_inp, x_labels = x[:, :-1], x[:, 1:]
    # net: token embedding gather + output projection to vocab logits [B, S-1, V]
    h = jnp.take(emb, x_inp, axis=0)
    logits = jnp.einsum('bsd,dv->bsv', h, w_out)
    # F.cross_entropy over vocab dim (the einops rearrange just moves vocab to dim 1
    # for torch's (N, C, d) convention); math = mean NLL of true labels
    logp = jax.nn.log_softmax(logits, axis=-1)
    nll = -jnp.take_along_axis(logp, x_labels[..., None], axis=-1)[..., 0]
    return jnp.mean(nll)

if __name__ == "__main__":
    import jax
    _d = setup_inputs()
    print(jax.jit(kernel)(*tuple(_d.values())))

</pallas_src>

<mosaic_0001>
#map = affine_map<(d0, d1) -> (0)>
#map1 = affine_map<(d0, d1) -> (0, 0)>
module attributes {stable_mosaic.version = 14 : i64} {
  func.func @k(%arg0: i32, %arg1: i32, %arg2: memref<512000xi32, #tpu.memory_space<hbm>>, %arg3: memref<16384xi32, #tpu.memory_space<hbm>>, %arg4: memref<32x16xf32, #tpu.memory_space<hbm>>, %arg5: memref<528xi32, #tpu.memory_space<vmem>>, %arg6: memref<4x128xi32, #tpu.memory_space<vmem>>, %arg7: memref<4x128xi32, #tpu.memory_space<vmem>>, %arg8: memref<4x128xi32, #tpu.memory_space<vmem>>, %arg9: memref<16xf32, #tpu.memory_space<vmem>>, %arg10: memref<!tpu.dma_semaphore, #tpu.memory_space<semaphore_mem>>) attributes {dimension_semantics = [#tpu.dimension_semantics<core_parallel>, #tpu.dimension_semantics<subcore_parallel>], iteration_bounds = array<i64: 2, 16>, scalar_prefetch = 0 : i64, scratch_operands = 6 : i64, tpu.core_type = #tpu.core_type<sc_vector_subcore>, window_params = [{transform_indices = #map}, {transform_indices = #map}, {transform_indices = #map1}]} {
    %mul3A = arith.constant 2 : i32
    %mul3A_0 = arith.muli %arg1, %mul3A : i32
    %add3A = arith.addi %mul3A_0, %arg0 : i32
    %mul3A_1 = arith.constant 512 : i32
    %mul3A_2 = arith.muli %add3A, %mul3A_1 : i32
    %eq3A = arith.constant 31 : i32
    %eq3A_3 = arith.cmpi eq, %add3A, %eq3A : i32
    %convert_element_type3A = arith.extui %eq3A_3 : i1 to i32
    %cond3A = arith.constant 0 : i32
    %cond3A_4 = arith.cmpi ne, %convert_element_type3A, %cond3A : i32
    scf.if %cond3A_4 {
      "tpu.region"() ({
        %run_scoped3A = tpu.sem_alloc : memref<!tpu.dma_semaphore, #tpu.memory_space<semaphore_mem>>
        %dma_start3A_3263 = arith.constant 0 : i32
        %dma_start3A_3264 = tpu.memref_slice %arg5[%dma_start3A_3263] : memref<528xi32, #tpu.memory_space<vmem>> -> memref<512xi32, #tpu.memory_space<vmem>>
        %dma_start3A_3265 = tpu.memref_slice %arg3[%mul3A_2] : memref<16384xi32, #tpu.memory_space<hbm>> -> memref<512xi32, #tpu.memory_space<hbm>>
        %dma_start3A_3266 = arith.constant 0 : i32
        %dma_start3A_3267 = tpu.memref_slice %arg5[%dma_start3A_3266] : memref<528xi32, #tpu.memory_space<vmem>> -> memref<512xi32, #tpu.memory_space<vmem>>
        %dma_start3A_3268 = tpu.memref_slice %arg3[%mul3A_2] : memref<16384xi32, #tpu.memory_space<hbm>> -> memref<512xi32, #tpu.memory_space<hbm>>
        tpu.enqueue_dma source(%dma_start3A_3268 : memref<512xi32, #tpu.memory_space<hbm>>) target(%dma_start3A_3267 : memref<512xi32, #tpu.memory_space<vmem>>) target_semaphore(%run_scoped3A : memref<!tpu.dma_semaphore, #tpu.memory_space<semaphore_mem>>)
        %dma_wait3A_3269 = arith.constant 0 : i32
        %dma_wait3A_3270 = tpu.memref_slice %arg5[%dma_wait3A_3269] : memref<528xi32, #tpu.memory_space<vmem>> -> memref<512xi32, #tpu.memory_space<vmem>>
        %dma_wait3A_3271 = tpu.memref_slice %arg3[%mul3A_2] : memref<16384xi32, #tpu.memory_space<hbm>> -> memref<512xi32, #tpu.memory_space<hbm>>
        %dma_wait3A_3272 = arith.constant 0 : i32
        %dma_wait3A_3273 = tpu.memref_slice %arg5[%dma_wait3A_3272] : memref<528xi32, #tpu.memory_space<vmem>> -> memref<512xi32, #tpu.memory_space<vmem>>
        %dma_wait3A_3274 = tpu.memref_slice %arg3[%mul3A_2] : memref<16384xi32, #tpu.memory_space<hbm>> -> memref<512xi32, #tpu.memory_space<hbm>>
        tpu.wait_dma2 semaphore(%run_scoped3A : memref<!tpu.dma_semaphore, #tpu.memory_space<semaphore_mem>>) src(%dma_wait3A_3274 : memref<512xi32, #tpu.memory_space<hbm>>) dst(%dma_wait3A_3273 : memref<512xi32, #tpu.memory_space<vmem>>)
        tpu.yield
      }) : () -> ()
    } else {
    }
    %ne3A = arith.constant 31 : i32
    %ne3A_5 = arith.cmpi ne, %add3A, %ne3A : i32
    %convert_element_type3A_6 = arith.extui %ne3A_5 : i1 to i32
    %cond3A_7 = arith.constant 0 : i32
    %cond3A_8 = arith.cmpi ne, %convert_element_type3A_6, %cond3A_7 : i32
    scf.if %cond3A_8 {
      "tpu.region"() ({
        %run_scoped3A = tpu.sem_alloc : memref<!tpu.dma_semaphore, #tpu.memory_space<semaphore_mem>>
        %dma_start3A_3263 = arith.constant 0 : i32
        %dma_start3A_3264 = tpu.memref_slice %arg5[%dma_start3A_3263] : memref<528xi32, #tpu.memory_space<vmem>> -> memref<520xi32, #tpu.memory_space<vmem>>
        %dma_start3A_3265 = tpu.memref_slice %arg3[%mul3A_2] : memref<16384xi32, #tpu.memory_space<hbm>> -> memref<520xi32, #tpu.memory_space<hbm>>
        %dma_start3A_3266 = arith.constant 0 : i32
        %dma_start3A_3267 = tpu.memref_slice %arg5[%dma_start3A_3266] : memref<528xi32, #tpu.memory_space<vmem>> -> memref<520xi32, #tpu.memory_space<vmem>>
        %dma_start3A_3268 = tpu.memref_slice %arg3[%mul3A_2] : memref<16384xi32, #tpu.memory_space<hbm>> -> memref<520xi32, #tpu.memory_space<hbm>>
        tpu.enqueue_dma source(%dma_start3A_3268 : memref<520xi32, #tpu.memory_space<hbm>>) target(%dma_start3A_3267 : memref<520xi32, #tpu.memory_space<vmem>>) target_semaphore(%run_scoped3A : memref<!tpu.dma_semaphore, #tpu.memory_space<semaphore_mem>>)
        %dma_wait3A_3269 = arith.constant 0 : i32
        %dma_wait3A_3270 = tpu.memref_slice %arg5[%dma_wait3A_3269] : memref<528xi32, #tpu.memory_space<vmem>> -> memref<520xi32, #tpu.memory_space<vmem>>
        %dma_wait3A_3271 = tpu.memref_slice %arg3[%mul3A_2] : memref<16384xi32, #tpu.memory_space<hbm>> -> memref<520xi32, #tpu.memory_space<hbm>>
        %dma_wait3A_3272 = arith.constant 0 : i32
        %dma_wait3A_3273 = tpu.memref_slice %arg5[%dma_wait3A_3272] : memref<528xi32, #tpu.memory_space<vmem>> -> memref<520xi32, #tpu.memory_space<vmem>>
        %dma_wait3A_3274 = tpu.memref_slice %arg3[%mul3A_2] : memref<16384xi32, #tpu.memory_space<hbm>> -> memref<520xi32, #tpu.memory_space<hbm>>
        tpu.wait_dma2 semaphore(%run_scoped3A : memref<!tpu.dma_semaphore, #tpu.memory_space<semaphore_mem>>) src(%dma_wait3A_3274 : memref<520xi32, #tpu.memory_space<hbm>>) dst(%dma_wait3A_3273 : memref<520xi32, #tpu.memory_space<vmem>>)
        tpu.yield
      }) : () -> ()
    } else {
    }
    %iota3A = tpu.iota {dimensions = array<i32: 0>} : vector<16xi32>
    %eq3A_9 = arith.constant 15 : i32
    %eq3A_10 = vector.broadcast %eq3A_9 : i32 to vector<16xi32>
    %eq3A_11 = arith.cmpi eq, %iota3A, %eq3A_10 : vector<16xi32>
    %add3A_12 = arith.constant 1 : i32
    %add3A_13 = vector.broadcast %add3A_12 : i32 to vector<16xi32>
    %add3A_14 = arith.addi %iota3A, %add3A_13 : vector<16xi32>
    %jit3A = arith.constant 0 : i32
    %broadcast_in_dim3A = vector.broadcast %jit3A : i32 to vector<16xi32>
    %select_n3A = arith.select %eq3A_11, %broadcast_in_dim3A, %add3A_14 : vector<16xi1>, vector<16xi32>
    %broadcast_in_dim3A_15 = arith.constant 0 : i32
    %broadcast_in_dim3A_16 = vector.broadcast %broadcast_in_dim3A_15 : i32 to vector<16xi32>
    %eq3A_17 = arith.constant 15 : i32
    %eq3A_18 = vector.broadcast %eq3A_17 : i32 to vector<16xi32>
    %eq3A_19 = arith.cmpi eq, %iota3A, %eq3A_18 : vector<16xi32>
    %get3A = arith.constant 0 : index
    %get3A_20 = tpu.vector_load %arg5[%get3A] {strides = array<i32>} : memref<528xi32, #tpu.memory_space<vmem>>, vector<16xi32>,
    %get3A_21 = vector.shape_cast %get3A_20 : vector<16xi32> to vector<16xi32>
    %get3A_22 = arith.constant 16 : index
    %get3A_23 = tpu.vector_load %arg5[%get3A_22] {strides = array<i32>} : memref<528xi32, #tpu.memory_space<vmem>>, vector<16xi32>,
    %get3A_24 = vector.shape_cast %get3A_23 : vector<16xi32> to vector<16xi32>
    %lt3A = arith.constant 0 : i32
    %lt3A_25 = vector.broadcast %lt3A : i32 to vector<16xi32>
    %lt3A_26 = arith.cmpi slt, %broadcast_in_dim3A_16, %lt3A_25 : vector<16xi32>
    %add3A_27 = arith.constant 16 : i32
    %add3A_28 = vector.broadcast %add3A_27 : i32 to vector<16xi32>
    %add3A_29 = arith.addi %broadcast_in_dim3A_16, %add3A_28 : vector<16xi32>
    %select_n3A_30 = arith.select %lt3A_26, %add3A_29, %broadcast_in_dim3A_16 : vector<16xi1>, vector<16xi32>
    %broadcast_in_dim3A_31 = vector.shape_cast %select_n3A_30 : vector<16xi32> to vector<16x1xi32>
    %gather3A = vector.shape_cast %broadcast_in_dim3A_31 : vector<16x1xi32> to vector<16xi32>
    %gather3A_32 = tpu.dynamic_gather %get3A_24[%gather3A] in [0] : vector<16xi32>, vector<16xi32> -> vector<16xi32>
    %lt3A_33 = arith.constant 0 : i32
    %lt3A_34 = vector.broadcast %lt3A_33 : i32 to vector<16xi32>
    %lt3A_35 = arith.cmpi slt, %select_n3A, %lt3A_34 : vector<16xi32>
    %add3A_36 = arith.constant 16 : i32
    %add3A_37 = vector.broadcast %add3A_36 : i32 to vector<16xi32>
    %add3A_38 = arith.addi %select_n3A, %add3A_37 : vector<16xi32>
    %select_n3A_39 = arith.select %lt3A_35, %add3A_38, %select_n3A : vector<16xi1>, vector<16xi32>
    %broadcast_in_dim3A_40 = vector.shape_cast %select_n3A_39 : vector<16xi32> to vector<16x1xi32>
    %gather3A_41 = vector.shape_cast %broadcast_in_dim3A_40 : vector<16x1xi32> to vector<16xi32>
    %gather3A_42 = tpu.dynamic_gather %get3A_21[%gather3A_41] in [0] : vector<16xi32>, vector<16xi32> -> vector<16xi32>
    %select_n3A_43 = arith.select %eq3A_19, %gather3A_32, %gather3A_42 : vector<16xi1>, vector<16xi32>
    %add3A_44 = arith.constant 0 : i32
    %add3A_45 = arith.addi %mul3A_2, %add3A_44 : i32
    %add3A_46 = vector.broadcast %add3A_45 : i32 to vector<16xi32>
    %add3A_47 = arith.addi %add3A_46, %iota3A : vector<16xi32>
    %rem3A = arith.constant 2048 : i32
    %rem3A_48 = vector.broadcast %rem3A : i32 to vector<16xi32>
    %rem3A_49 = arith.remsi %add3A_47, %rem3A_48 : vector<16xi32>
    %ne3A_50 = arith.constant 2047 : i32
    %ne3A_51 = vector.broadcast %ne3A_50 : i32 to vector<16xi32>
    %ne3A_52 = arith.cmpi ne, %rem3A_49, %ne3A_51 : vector<16xi32>
    %shift_left3A = arith.constant 9 : i32
    %shift_left3A_53 = vector.broadcast %shift_left3A : i32 to vector<16xi32>
    %shift_left3A_54 = arith.shli %get3A_21, %shift_left3A_53 : vector<16xi32>
    %shift_right_arithmetic3A = arith.constant 1 : i32
    %shift_right_arithmetic3A_55 = vector.broadcast %shift_right_arithmetic3A : i32 to vector<16xi32>
    %shift_right_arithmetic3A_56 = arith.shrsi %select_n3A_43, %shift_right_arithmetic3A_55 : vector<16xi32>
    %add3A_57 = arith.addi %shift_left3A_54, %shift_right_arithmetic3A_56 : vector<16xi32>
    %jit3A_58 = arith.constant 0 : i32
    %broadcast_in_dim3A_59 = vector.broadcast %jit3A_58 : i32 to vector<16xi32>
    %select_n3A_60 = arith.select %ne3A_52, %add3A_57, %broadcast_in_dim3A_59 : vector<16xi1>, vector<16xi32>
    %swap3A = arith.constant 0 : i32
    %swap3A_61 = arith.index_cast %swap3A : i32 to index
    %swap3A_62 = arith.constant 0 : index
    %swap3A_63 = tpu.vector_load %arg6[%swap3A_61, %swap3A_62] {strides = array<i32>} : memref<4x128xi32, #tpu.memory_space<vmem>>, vector<1x16xi32>,
    %swap3A_64 = vector.shape_cast %swap3A_63 : vector<1x16xi32> to vector<16xi32>
    %swap3A_65 = vector.shape_cast %select_n3A_60 : vector<16xi32> to vector<1x16xi32>
    tpu.vector_store %arg6[%swap3A_61, %swap3A_62], %swap3A_65 {strides = array<i32>} : memref<4x128xi32, #tpu.memory_space<vmem>>, vector<1x16xi32>,
    %and3A = arith.constant 1 : i32
    %and3A_66 = vector.broadcast %and3A : i32 to vector<16xi32>
    %and3A_67 = arith.andi %select_n3A_43, %and3A_66 : vector<16xi32>
    %swap3A_68 = arith.constant 0 : i32
    %swap3A_69 = arith.index_cast %swap3A_68 : i32 to index
    %swap3A_70 = arith.constant 0 : index
    %swap3A_71 = tpu.vector_load %arg7[%swap3A_69, %swap3A_70] {strides = array<i32>} : memref<4x128xi32, #tpu.memory_space<vmem>>, vector<1x16xi32>,
    %swap3A_72 = vector.shape_cast %swap3A_71 : vector<1x16xi32> to vector<16xi32>
    %swap3A_73 = vector.shape_cast %and3A_67 : vector<16xi32> to vector<1x16xi32>
    tpu.vector_store %arg7[%swap3A_69, %swap3A_70], %swap3A_73 {strides = array<i32>} : memref<4x128xi32, #tpu.memory_space<vmem>>, vector<1x16xi32>,
    %get3A_74 = arith.constant 16 : index
    %get3A_75 = tpu.vector_load %arg5[%get3A_74] {strides = array<i32>} : memref<528xi32, #tpu.memory_space<vmem>>, vector<16xi32>,
    %get3A_76 = vector.shape_cast %get3A_75 : vector<16xi32> to vector<16xi32>
    %get3A_77 = arith.constant 32 : index
    %get3A_78 = tpu.vector_load %arg5[%get3A_77] {strides = array<i32>} : memref<528xi32, #tpu.memory_space<vmem>>, vector<16xi32>,
    %get3A_79 = vector.shape_cast %get3A_78 : vector<16xi32> to vector<16xi32>
    %lt3A_80 = arith.constant 0 : i32
    %lt3A_81 = vector.broadcast %lt3A_80 : i32 to vector<16xi32>
    %lt3A_82 = arith.cmpi slt, %broadcast_in_dim3A_16, %lt3A_81 : vector<16xi32>
    %add3A_83 = arith.constant 16 : i32
    %add3A_84 = vector.broadcast %add3A_83 : i32 to vector<16xi32>
    %add3A_85 = arith.addi %broadcast_in_dim3A_16, %add3A_84 : vector<16xi32>
    %select_n3A_86 = arith.select %lt3A_82, %add3A_85, %broadcast_in_dim3A_16 : vector<16xi1>, vector<16xi32>
    %broadcast_in_dim3A_87 = vector.shape_cast %select_n3A_86 : vector<16xi32> to vector<16x1xi32>
    %gather3A_88 = vector.shape_cast %broadcast_in_dim3A_87 : vector<16x1xi32> to vector<16xi32>
    %gather3A_89 = tpu.dynamic_gather %get3A_79[%gather3A_88] in [0] : vector<16xi32>, vector<16xi32> -> vector<16xi32>
    %lt3A_90 = arith.constant 0 : i32
    %lt3A_91 = vector.broadcast %lt3A_90 : i32 to vector<16xi32>
    %lt3A_92 = arith.cmpi slt, %select_n3A, %lt3A_91 : vector<16xi32>
    %add3A_93 = arith.constant 16 : i32
    %add3A_94 = vector.broadcast %add3A_93 : i32 to vector<16xi32>
    %add3A_95 = arith.addi %select_n3A, %add3A_94 : vector<16xi32>
    %select_n3A_96 = arith.select %lt3A_92, %add3A_95, %select_n3A : vector<16xi1>, vector<16xi32>
    %broadcast_in_dim3A_97 = vector.shape_cast %select_n3A_96 : vector<16xi32> to vector<16x1xi32>
    %gather3A_98 = vector.shape_cast %broadcast_in_dim3A_97 : vector<16x1xi32> to vector<16xi32>
    %gather3A_99 = tpu.dynamic_gather %get3A_76[%gather3A_98] in [0] : vector<16xi32>, vector<16xi32> -> vector<16xi32>
    %select_n3A_100 = arith.select %eq3A_19, %gather3A_89, %gather3A_99 : vector<16xi1>, vector<16xi32>
    %add3A_101 = arith.constant 16 : i32
    %add3A_102 = arith.addi %mul3A_2, %add3A_101 : i32
    %add3A_103 = vector.broadcast %add3A_102 : i32 to vector<16xi32>
    %add3A_104 = arith.addi %add3A_103, %iota3A : vector<16xi32>
    %rem3A_105 = arith.constant 2048 : i32
    %rem3A_106 = vector.broadcast %rem3A_105 : i32 to vector<16xi32>
    %rem3A_107 = arith.remsi %add3A_104, %rem3A_106 : vector<16xi32>
    %ne3A_108 = arith.constant 2047 : i32
    %ne3A_109 = vector.broadcast %ne3A_108 : i32 to vector<16xi32>
    %ne3A_110 = arith.cmpi ne, %rem3A_107, %ne3A_109 : vector<16xi32>
    %shift_left3A_111 = arith.constant 9 : i32
    %shift_left3A_112 = vector.broadcast %shift_left3A_111 : i32 to vector<16xi32>
    %shift_left3A_113 = arith.shli %get3A_76, %shift_left3A_112 : vector<16xi32>
    %shift_right_arithmetic3A_114 = arith.constant 1 : i32
    %shift_right_arithmetic3A_115 = vector.broadcast %shift_right_arithmetic3A_114 : i32 to vector<16xi32>
    %shift_right_arithmetic3A_116 = arith.shrsi %select_n3A_100, %shift_right_arithmetic3A_115 : vector<16xi32>
    %add3A_117 = arith.addi %shift_left3A_113, %shift_right_arithmetic3A_116 : vector<16xi32>
    %jit3A_118 = arith.constant 0 : i32
    %broadcast_in_dim3A_119 = vector.broadcast %jit3A_118 : i32 to vector<16xi32>
    %select_n3A_120 = arith.select %ne3A_110, %add3A_117, %broadcast_in_dim3A_119 : vector<16xi1>, vector<16xi32>
    %swap3A_121 = arith.constant 0 : i32
    %swap3A_122 = arith.index_cast %swap3A_121 : i32 to index
    %swap3A_123 = arith.constant 16 : index
    %swap3A_124 = tpu.vector_load %arg6[%swap3A_122, %swap3A_123] {strides = array<i32>} : memref<4x128xi32, #tpu.memory_space<vmem>>, vector<1x16xi32>,
    %swap3A_125 = vector.shape_cast %swap3A_124 : vector<1x16xi32> to vector<16xi32>
    %swap3A_126 = vector.shape_cast %select_n3A_120 : vector<16xi32> to vector<1x16xi32>
    tpu.vector_store %arg6[%swap3A_122, %swap3A_123], %swap3A_126 {strides = array<i32>} : memref<4x128xi32, #tpu.memory_space<vmem>>, vector<1x16xi32>,
    %and3A_127 = arith.constant 1 : i32
    %and3A_128 = vector.broadcast %and3A_127 : i32 to vector<16xi32>
    %and3A_129 = arith.andi %select_n3A_100, %and3A_128 : vector<16xi32>
    %swap3A_130 = arith.constant 0 : i32
    %swap3A_131 = arith.index_cast %swap3A_130 : i32 to index
    %swap3A_132 = arith.constant 16 : index
    %swap3A_133 = tpu.vector_load %arg7[%swap3A_131, %swap3A_132] {strides = array<i32>} : memref<4x128xi32, #tpu.memory_space<vmem>>, vector<1x16xi32>,
    %swap3A_134 = vector.shape_cast %swap3A_133 : vector<1x16xi32> to vector<16xi32>
    %swap3A_135 = vector.shape_cast %and3A_129 : vector<16xi32> to vector<1x16xi32>
    tpu.vector_store %arg7[%swap3A_131, %swap3A_132], %swap3A_135 {strides = array<i32>} : memref<4x128xi32, #tpu.memory_space<vmem>>, vector<1x16xi32>,
    %get3A_136 = arith.constant 32 : index
    %get3A_137 = tpu.vector_load %arg5[%get3A_136] {strides = array<i32>} : memref<528xi32, #tpu.memory_space<vmem>>, vector<16xi32>,
    %get3A_138 = vector.shape_cast %get3A_137 : vector<16xi32> to vector<16xi32>
    %get3A_139 = arith.constant 48 : index
    %get3A_140 = tpu.vector_load %arg5[%get3A_139] {strides = array<i32>} : memref<528xi32, #tpu.memory_space<vmem>>, vector<16xi32>,
    %get3A_141 = vector.shape_cast %get3A_140 : vector<16xi32> to vector<16xi32>
    %lt3A_142 = arith.constant 0 : i32
    %lt3A_143 = vector.broadcast %lt3A_142 : i32 to vector<16xi32>
    %lt3A_144 = arith.cmpi slt, %broadcast_in_dim3A_16, %lt3A_143 : vector<16xi32>
    %add3A_145 = arith.constant 16 : i32
    %add3A_146 = vector.broadcast %add3A_145 : i32 to vector<16xi32>
    %add3A_147 = arith.addi %broadcast_in_dim3A_16, %add3A_146 : vector<16xi32>
    %select_n3A_148 = arith.select %lt3A_144, %add3A_147, %broadcast_in_dim3A_16 : vector<16xi1>, vector<16xi32>
    %broadcast_in_dim3A_149 = vector.shape_cast %select_n3A_148 : vector<16xi32> to vector<16x1xi32>
    %gather3A_150 = vector.shape_cast %broadcast_in_dim3A_149 : vector<16x1xi32> to vector<16xi32>
    %gather3A_151 = tpu.dynamic_gather %get3A_141[%gather3A_150] in [0] : vector<16xi32>, vector<16xi32> -> vector<16xi32>
    %lt3A_152 = arith.constant 0 : i32
    %lt3A_153 = vector.broadcast %lt3A_152 : i32 to vector<16xi32>
    %lt3A_154 = arith.cmpi slt, %select_n3A, %lt3A_153 : vector<16xi32>
    %add3A_155 = arith.constant 16 : i32
    %add3A_156 = vector.broadcast %add3A_155 : i32 to vector<16xi32>
    %add3A_157 = arith.addi %select_n3A, %add3A_156 : vector<16xi32>
    %select_n3A_158 = arith.select %lt3A_154, %add3A_157, %select_n3A : vector<16xi1>, vector<16xi32>
    %broadcast_in_dim3A_159 = vector.shape_cast %select_n3A_158 : vector<16xi32> to vector<16x1xi32>
    %gather3A_160 = vector.shape_cast %broadcast_in_dim3A_159 : vector<16x1xi32> to vector<16xi32>
    %gather3A_161 = tpu.dynamic_gather %get3A_138[%gather3A_160] in [0] : vector<16xi32>, vector<16xi32> -> vector<16xi32>
    %select_n3A_162 = arith.select %eq3A_19, %gather3A_151, %gather3A_161 : vector<16xi1>, vector<16xi32>
    %add3A_163 = arith.constant 32 : i32
    %add3A_164 = arith.addi %mul3A_2, %add3A_163 : i32
    %add3A_165 = vector.broadcast %add3A_164 : i32 to vector<16xi32>
    %add3A_166 = arith.addi %add3A_165, %iota3A : vector<16xi32>
    %rem3A_167 = arith.constant 2048 : i32
    %rem3A_168 = vector.broadcast %rem3A_167 : i32 to vector<16xi32>
    %rem3A_169 = arith.remsi %add3A_166, %rem3A_168 : vector<16xi32>
    %ne3A_170 = arith.constant 2047 : i32
    %ne3A_171 = vector.broadcast %ne3A_170 : i32 to vector<16xi32>
    %ne3A_172 = arith.cmpi ne, %rem3A_169, %ne3A_171 : vector<16xi32>
    %shift_left3A_173 = arith.constant 9 : i32
    %shift_left3A_174 = vector.broadcast %shift_left3A_173 : i32 to vector<16xi32>
    %shift_left3A_175 = arith.shli %get3A_138, %shift_left3A_174 : vector<16xi32>
    %shift_right_arithmetic3A_176 = arith.constant 1 : i32
    %shift_right_arithmetic3A_177 = vector.broadcast %shift_right_arithmetic3A_176 : i32 to vector<16xi32>
    %shift_right_arithmetic3A_178 = arith.shrsi %select_n3A_162, %shift_right_arithmetic3A_177 : vector<16xi32>
    %add3A_179 = arith.addi %shift_left3A_175, %shift_right_arithmetic3A_178 : vector<16xi32>
    %jit3A_180 = arith.constant 0 : i32
    %broadcast_in_dim3A_181 = vector.broadcast %jit3A_180 : i32 to vector<16xi32>
    %select_n3A_182 = arith.select %ne3A_172, %add3A_179, %broadcast_in_dim3A_181 : vector<16xi1>, vector<16xi32>
    %swap3A_183 = arith.constant 0 : i32
    %swap3A_184 = arith.index_cast %swap3A_183 : i32 to index
    %swap3A_185 = arith.constant 32 : index
    %swap3A_186 = tpu.vector_load %arg6[%swap3A_184, %swap3A_185] {strides = array<i32>} : memref<4x128xi32, #tpu.memory_space<vmem>>, vector<1x16xi32>,
    %swap3A_187 = vector.shape_cast %swap3A_186 : vector<1x16xi32> to vector<16xi32>
    %swap3A_188 = vector.shape_cast %select_n3A_182 : vector<16xi32> to vector<1x16xi32>
    tpu.vector_store %arg6[%swap3A_184, %swap3A_185], %swap3A_188 {strides = array<i32>} : memref<4x128xi32, #tpu.memory_space<vmem>>, vector<1x16xi32>,
    %and3A_189 = arith.constant 1 : i32
    %and3A_190 = vector.broadcast %and3A_189 : i32 to vector<16xi32>
    %and3A_191 = arith.andi %select_n3A_162, %and3A_190 : vector<16xi32>
    %swap3A_192 = arith.constant 0 : i32
    %swap3A_193 = arith.index_cast %swap3A_192 : i32 to index
    %swap3A_194 = arith.constant 32 : index
    %swap3A_195 = tpu.vector_load %arg7[%swap3A_193, %swap3A_194] {strides = array<i32>} : memref<4x128xi32, #tpu.memory_space<vmem>>, vector<1x16xi32>,
    %swap3A_196 = vector.shape_cast %swap3A_195 : vector<1x16xi32> to vector<16xi32>
    %swap3A_197 = vector.shape_cast %and3A_191 : vector<16xi32> to vector<1x16xi32>
    tpu.vector_store %arg7[%swap3A_193, %swap3A_194], %swap3A_197 {strides = array<i32>} : memref<4x128xi32, #tpu.memory_space<vmem>>, vector<1x16xi32>,
    %get3A_198 = arith.constant 48 : index
    %get3A_199 = tpu.vector_load %arg5[%get3A_198] {strides = array<i32>} : memref<528xi32, #tpu.memory_space<vmem>>, vector<16xi32>,
    %get3A_200 = vector.shape_cast %get3A_199 : vector<16xi32> to vector<16xi32>
    %get3A_201 = arith.constant 64 : index
    %get3A_202 = tpu.vector_load %arg5[%get3A_201] {strides = array<i32>} : memref<528xi32, #tpu.memory_space<vmem>>, vector<16xi32>,
    %get3A_203 = vector.shape_cast %get3A_202 : vector<16xi32> to vector<16xi32>
    %lt3A_204 = arith.constant 0 : i32
    %lt3A_205 = vector.broadcast %lt3A_204 : i32 to vector<16xi32>
    %lt3A_206 = arith.cmpi slt, %broadcast_in_dim3A_16, %lt3A_205 : vector<16xi32>
    %add3A_207 = arith.constant 16 : i32
    %add3A_208 = vector.broadcast %add3A_207 : i32 to vector<16xi32>
    %add3A_209 = arith.addi %broadcast_in_dim3A_16, %add3A_208 : vector<16xi32>
    %select_n3A_210 = arith.select %lt3A_206, %add3A_209, %broadcast_in_dim3A_16 : vector<16xi1>, vector<16xi32>
    %broadcast_in_dim3A_211 = vector.shape_cast %select_n3A_210 : vector<16xi32> to vector<16x1xi32>
    %gather3A_212 = vector.shape_cast %broadcast_in_dim3A_211 : vector<16x1xi32> to vector<16xi32>
    %gather3A_213 = tpu.dynamic_gather %get3A_203[%gather3A_212] in [0] : vector<16xi32>, vector<16xi32> -> vector<16xi32>
    %lt3A_214 = arith.constant 0 : i32
    %lt3A_215 = vector.broadcast %lt3A_214 : i32 to vector<16xi32>
    %lt3A_216 = arith.cmpi slt, %select_n3A, %lt3A_215 : vector<16xi32>
    %add3A_217 = arith.constant 16 : i32
    %add3A_218 = vector.broadcast %add3A_217 : i32 to vector<16xi32>
    %add3A_219 = arith.addi %select_n3A, %add3A_218 : vector<16xi32>
    %select_n3A_220 = arith.select %lt3A_216, %add3A_219, %select_n3A : vector<16xi1>, vector<16xi32>
    %broadcast_in_dim3A_221 = vector.shape_cast %select_n3A_220 : vector<16xi32> to vector<16x1xi32>
    %gather3A_222 = vector.shape_cast %broadcast_in_dim3A_221 : vector<16x1xi32> to vector<16xi32>
    %gather3A_223 = tpu.dynamic_gather %get3A_200[%gather3A_222] in [0] : vector<16xi32>, vector<16xi32> -> vector<16xi32>
    %select_n3A_224 = arith.select %eq3A_19, %gather3A_213, %gather3A_223 : vector<16xi1>, vector<16xi32>
    %add3A_225 = arith.constant 48 : i32
    %add3A_226 = arith.addi %mul3A_2, %add3A_225 : i32
    %add3A_227 = vector.broadcast %add3A_226 : i32 to vector<16xi32>
    %add3A_228 = arith.addi %add3A_227, %iota3A : vector<16xi32>
    %rem3A_229 = arith.constant 2048 : i32
    %rem3A_230 = vector.broadcast %rem3A_229 : i32 to vector<16xi32>
    %rem3A_231 = arith.remsi %add3A_228, %rem3A_230 : vector<16xi32>
    %ne3A_232 = arith.constant 2047 : i32
    %ne3A_233 = vector.broadcast %ne3A_232 : i32 to vector<16xi32>
    %ne3A_234 = arith.cmpi ne, %rem3A_231, %ne3A_233 : vector<16xi32>
    %shift_left3A_235 = arith.constant 9 : i32
    %shift_left3A_236 = vector.broadcast %shift_left3A_235 : i32 to vector<16xi32>
    %shift_left3A_237 = arith.shli %get3A_200, %shift_left3A_236 : vector<16xi32>
    %shift_right_arithmetic3A_238 = arith.constant 1 : i32
    %shift_right_arithmetic3A_239 = vector.broadcast %shift_right_arithmetic3A_238 : i32 to vector<16xi32>
    %shift_right_arithmetic3A_240 = arith.shrsi %select_n3A_224, %shift_right_arithmetic3A_239 : vector<16xi32>
    %add3A_241 = arith.addi %shift_left3A_237, %shift_right_arithmetic3A_240 : vector<16xi32>
    %jit3A_242 = arith.constant 0 : i32
    %broadcast_in_dim3A_243 = vector.broadcast %jit3A_242 : i32 to vector<16xi32>
    %select_n3A_244 = arith.select %ne3A_234, %add3A_241, %broadcast_in_dim3A_243 : vector<16xi1>, vector<16xi32>
    %swap3A_245 = arith.constant 0 : i32
    %swap3A_246 = arith.index_cast %swap3A_245 : i32 to index
    %swap3A_247 = arith.constant 48 : index
    %swap3A_248 = tpu.vector_load %arg6[%swap3A_246, %swap3A_247] {strides = array<i32>} : memref<4x128xi32, #tpu.memory_space<vmem>>, vector<1x16xi32>,
    %swap3A_249 = vector.shape_cast %swap3A_248 : vector<1x16xi32> to vector<16xi32>
    %swap3A_250 = vector.shape_cast %select_n3A_244 : vector<16xi32> to vector<1x16xi32>
    tpu.vector_store %arg6[%swap3A_246, %swap3A_247], %swap3A_250 {strides = array<i32>} : memref<4x128xi32, #tpu.memory_space<vmem>>, vector<1x16xi32>,
    %and3A_251 = arith.constant 1 : i32
    %and3A_252 = vector.broadcast %and3A_251 : i32 to vector<16xi32>
    %and3A_253 = arith.andi %select_n3A_224, %and3A_252 : vector<16xi32>
    %swap3A_254 = arith.constant 0 : i32
    %swap3A_255 = arith.index_cast %swap3A_254 : i32 to index
    %swap3A_256 = arith.constant 48 : index
    %swap3A_257 = tpu.vector_load %arg7[%swap3A_255, %swap3A_256] {strides = array<i32>} : memref<4x128xi32, #tpu.memory_space<vmem>>, vector<1x16xi32>,
    %swap3A_258 = vector.shape_cast %swap3A_257 : vector<1x16xi32> to vector<16xi32>
    %swap3A_259 = vector.shape_cast %and3A_253 : vector<16xi32> to vector<1x16xi32>
    tpu.vector_store %arg7[%swap3A_255, %swap3A_256], %swap3A_259 {strides = array<i32>} : memref<4x128xi32, #tpu.memory_space<vmem>>, vector<1x16xi32>,
    %get3A_260 = arith.constant 64 : index
    %get3A_261 = tpu.vector_load %arg5[%get3A_260] {strides = array<i32>} : memref<528xi32, #tpu.memory_space<vmem>>, vector<16xi32>,
    %get3A_262 = vector.shape_cast %get3A_261 : vector<16xi32> to vector<16xi32>
    %get3A_263 = arith.constant 80 : index
    %get3A_264 = tpu.vector_load %arg5[%get3A_263] {strides = array<i32>} : memref<528xi32, #tpu.memory_space<vmem>>, vector<16xi32>,
    %get3A_265 = vector.shape_cast %get3A_264 : vector<16xi32> to vector<16xi32>
    %lt3A_266 = arith.constant 0 : i32
    %lt3A_267 = vector.broadcast %lt3A_266 : i32 to vector<16xi32>
    %lt3A_268 = arith.cmpi slt, %broadcast_in_dim3A_16, %lt3A_267 : vector<16xi32>
    %add3A_269 = arith.constant 16 : i32
    %add3A_270 = vector.broadcast %add3A_269 : i32 to vector<16xi32>
    %add3A_271 = arith.addi %broadcast_in_dim3A_16, %add3A_270 : vector<16xi32>
    %select_n3A_272 = arith.select %lt3A_268, %add3A_271, %broadcast_in_dim3A_16 : vector<16xi1>, vector<16xi32>
    %broadcast_in_dim3A_273 = vector.shape_cast %select_n3A_272 : vector<16xi32> to vector<16x1xi32>
    %gather3A_274 = vector.shape_cast %broadcast_in_dim3A_273 : vector<16x1xi32> to vector<16xi32>
    %gather3A_275 = tpu.dynamic_gather %get3A_265[%gather3A_274] in [0] : vector<16xi32>, vector<16xi32> -> vector<16xi32>
    %lt3A_276 = arith.constant 0 : i32
    %lt3A_277 = vector.broadcast %lt3A_276 : i32 to vector<16xi32>
    %lt3A_278 = arith.cmpi slt, %select_n3A, %lt3A_277 : vector<16xi32>
    %add3A_279 = arith.constant 16 : i32
    %add3A_280 = vector.broadcast %add3A_279 : i32 to vector<16xi32>
    %add3A_281 = arith.addi %select_n3A, %add3A_280 : vector<16xi32>
    %select_n3A_282 = arith.select %lt3A_278, %add3A_281, %select_n3A : vector<16xi1>, vector<16xi32>
    %broadcast_in_dim3A_283 = vector.shape_cast %select_n3A_282 : vector<16xi32> to vector<16x1xi32>
    %gather3A_284 = vector.shape_cast %broadcast_in_dim3A_283 : vector<16x1xi32> to vector<16xi32>
    %gather3A_285 = tpu.dynamic_gather %get3A_262[%gather3A_284] in [0] : vector<16xi32>, vector<16xi32> -> vector<16xi32>
    %select_n3A_286 = arith.select %eq3A_19, %gather3A_275, %gather3A_285 : vector<16xi1>, vector<16xi32>
    %add3A_287 = arith.constant 64 : i32
    %add3A_288 = arith.addi %mul3A_2, %add3A_287 : i32
    %add3A_289 = vector.broadcast %add3A_288 : i32 to vector<16xi32>
    %add3A_290 = arith.addi %add3A_289, %iota3A : vector<16xi32>
    %rem3A_291 = arith.constant 2048 : i32
    %rem3A_292 = vector.broadcast %rem3A_291 : i32 to vector<16xi32>
    %rem3A_293 = arith.remsi %add3A_290, %rem3A_292 : vector<16xi32>
    %ne3A_294 = arith.constant 2047 : i32
    %ne3A_295 = vector.broadcast %ne3A_294 : i32 to vector<16xi32>
    %ne3A_296 = arith.cmpi ne, %rem3A_293, %ne3A_295 : vector<16xi32>
    %shift_left3A_297 = arith.constant 9 : i32
    %shift_left3A_298 = vector.broadcast %shift_left3A_297 : i32 to vector<16xi32>
    %shift_left3A_299 = arith.shli %get3A_262, %shift_left3A_298 : vector<16xi32>
    %shift_right_arithmetic3A_300 = arith.constant 1 : i32
    %shift_right_arithmetic3A_301 = vector.broadcast %shift_right_arithmetic3A_300 : i32 to vector<16xi32>
    %shift_right_arithmetic3A_302 = arith.shrsi %select_n3A_286, %shift_right_arithmetic3A_301 : vector<16xi32>
    %add3A_303 = arith.addi %shift_left3A_299, %shift_right_arithmetic3A_302 : vector<16xi32>
    %jit3A_304 = arith.constant 0 : i32
    %broadcast_in_dim3A_305 = vector.broadcast %jit3A_304 : i32 to vector<16xi32>
    %select_n3A_306 = arith.select %ne3A_296, %add3A_303, %broadcast_in_dim3A_305 : vector<16xi1>, vector<16xi32>
    %swap3A_307 = arith.constant 0 : i32
    %swap3A_308 = arith.index_cast %swap3A_307 : i32 to index
    %swap3A_309 = arith.constant 64 : index
    %swap3A_310 = tpu.vector_load %arg6[%swap3A_308, %swap3A_309] {strides = array<i32>} : memref<4x128xi32, #tpu.memory_space<vmem>>, vector<1x16xi32>,
    %swap3A_311 = vector.shape_cast %swap3A_310 : vector<1x16xi32> to vector<16xi32>
    %swap3A_312 = vector.shape_cast %select_n3A_306 : vector<16xi32> to vector<1x16xi32>
    tpu.vector_store %arg6[%swap3A_308, %swap3A_309], %swap3A_312 {strides = array<i32>} : memref<4x128xi32, #tpu.memory_space<vmem>>, vector<1x16xi32>,
    %and3A_313 = arith.constant 1 : i32
    %and3A_314 = vector.broadcast %and3A_313 : i32 to vector<16xi32>
    %and3A_315 = arith.andi %select_n3A_286, %and3A_314 : vector<16xi32>
    %swap3A_316 = arith.constant 0 : i32
    %swap3A_317 = arith.index_cast %swap3A_316 : i32 to index
    %swap3A_318 = arith.constant 64 : index
    %swap3A_319 = tpu.vector_load %arg7[%swap3A_317, %swap3A_318] {strides = array<i32>} : memref<4x128xi32, #tpu.memory_space<vmem>>, vector<1x16xi32>,
    %swap3A_320 = vector.shape_cast %swap3A_319 : vector<1x16xi32> to vector<16xi32>
    %swap3A_321 = vector.shape_cast %and3A_315 : vector<16xi32> to vector<1x16xi32>
    tpu.vector_store %arg7[%swap3A_317, %swap3A_318], %swap3A_321 {strides = array<i32>} : memref<4x128xi32, #tpu.memory_space<vmem>>, vector<1x16xi32>,
    %get3A_322 = arith.constant 80 : index
    %get3A_323 = tpu.vector_load %arg5[%get3A_322] {strides = array<i32>} : memref<528xi32, #tpu.memory_space<vmem>>, vector<16xi32>,
    %get3A_324 = vector.shape_cast %get3A_323 : vector<16xi32> to vector<16xi32>
    %get3A_325 = arith.constant 96 : index
    %get3A_326 = tpu.vector_load %arg5[%get3A_325] {strides = array<i32>} : memref<528xi32, #tpu.memory_space<vmem>>, vector<16xi32>,
    %get3A_327 = vector.shape_cast %get3A_326 : vector<16xi32> to vector<16xi32>
    %lt3A_328 = arith.constant 0 : i32
    %lt3A_329 = vector.broadcast %lt3A_328 : i32 to vector<16xi32>
    %lt3A_330 = arith.cmpi slt, %broadcast_in_dim3A_16, %lt3A_329 : vector<16xi32>
    %add3A_331 = arith.constant 16 : i32
    %add3A_332 = vector.broadcast %add3A_331 : i32 to vector<16xi32>
    %add3A_333 = arith.addi %broadcast_in_dim3A_16, %add3A_332 : vector<16xi32>
    %select_n3A_334 = arith.select %lt3A_330, %add3A_333, %broadcast_in_dim3A_16 : vector<16xi1>, vector<16xi32>
    %broadcast_in_dim3A_335 = vector.shape_cast %select_n3A_334 : vector<16xi32> to vector<16x1xi32>
    %gather3A_336 = vector.shape_cast %broadcast_in_dim3A_335 : vector<16x1xi32> to vector<16xi32>
    %gather3A_337 = tpu.dynamic_gather %get3A_327[%gather3A_336] in [0] : vector<16xi32>, vector<16xi32> -> vector<16xi32>
    %lt3A_338 = arith.constant 0 : i32
    %lt3A_339 = vector.broadcast %lt3A_338 : i32 to vector<16xi32>
    %lt3A_340 = arith.cmpi slt, %select_n3A, %lt3A_339 : vector<16xi32>
    %add3A_341 = arith.constant 16 : i32
    %add3A_342 = vector.broadcast %add3A_341 : i32 to vector<16xi32>
    %add3A_343 = arith.addi %select_n3A, %add3A_342 : vector<16xi32>
    %select_n3A_344 = arith.select %lt3A_340, %add3A_343, %select_n3A : vector<16xi1>, vector<16xi32>
    %broadcast_in_dim3A_345 = vector.shape_cast %select_n3A_344 : vector<16xi32> to vector<16x1xi32>
    %gather3A_346 = vector.shape_cast %broadcast_in_dim3A_345 : vector<16x1xi32> to vector<16xi32>
    %gather3A_347 = tpu.dynamic_gather %get3A_324[%gather3A_346] in [0] : vector<16xi32>, vector<16xi32> -> vector<16xi32>
    %select_n3A_348 = arith.select %eq3A_19, %gather3A_337, %gather3A_347 : vector<16xi1>, vector<16xi32>
    %add3A_349 = arith.constant 80 : i32
    %add3A_350 = arith.addi %mul3A_2, %add3A_349 : i32
    %add3A_351 = vector.broadcast %add3A_350 : i32 to vector<16xi32>
    %add3A_352 = arith.addi %add3A_351, %iota3A : vector<16xi32>
    %rem3A_353 = arith.constant 2048 : i32
    %rem3A_354 = vector.broadcast %rem3A_353 : i32 to vector<16xi32>
    %rem3A_355 = arith.remsi %add3A_352, %rem3A_354 : vector<16xi32>
    %ne3A_356 = arith.constant 2047 : i32
    %ne3A_357 = vector.broadcast %ne3A_356 : i32 to vector<16xi32>
    %ne3A_358 = arith.cmpi ne, %rem3A_355, %ne3A_357 : vector<16xi32>
    %shift_left3A_359 = arith.constant 9 : i32
    %shift_left3A_360 = vector.broadcast %shift_left3A_359 : i32 to vector<16xi32>
    %shift_left3A_361 = arith.shli %get3A_324, %shift_left3A_360 : vector<16xi32>
    %shift_right_arithmetic3A_362 = arith.constant 1 : i32
    %shift_right_arithmetic3A_363 = vector.broadcast %shift_right_arithmetic3A_362 : i32 to vector<16xi32>
    %shift_right_arithmetic3A_364 = arith.shrsi %select_n3A_348, %shift_right_arithmetic3A_363 : vector<16xi32>
    %add3A_365 = arith.addi %shift_left3A_361, %shift_right_arithmetic3A_364 : vector<16xi32>
    %jit3A_366 = arith.constant 0 : i32
    %broadcast_in_dim3A_367 = vector.broadcast %jit3A_366 : i32 to vector<16xi32>
    %select_n3A_368 = arith.select %ne3A_358, %add3A_365, %broadcast_in_dim3A_367 : vector<16xi1>, vector<16xi32>
    %swap3A_369 = arith.constant 0 : i32
    %swap3A_370 = arith.index_cast %swap3A_369 : i32 to index
    %swap3A_371 = arith.constant 80 : index
    %swap3A_372 = tpu.vector_load %arg6[%swap3A_370, %swap3A_371] {strides = array<i32>} : memref<4x128xi32, #tpu.memory_space<vmem>>, vector<1x16xi32>,
    %swap3A_373 = vector.shape_cast %swap3A_372 : vector<1x16xi32> to vector<16xi32>
    %swap3A_374 = vector.shape_cast %select_n3A_368 : vector<16xi32> to vector<1x16xi32>
    tpu.vector_store %arg6[%swap3A_370, %swap3A_371], %swap3A_374 {strides = array<i32>} : memref<4x128xi32, #tpu.memory_space<vmem>>, vector<1x16xi32>,
    %and3A_375 = arith.constant 1 : i32
    %and3A_376 = vector.broadcast %and3A_375 : i32 to vector<16xi32>
    %and3A_377 = arith.andi %select_n3A_348, %and3A_376 : vector<16xi32>
    %swap3A_378 = arith.constant 0 : i32
    %swap3A_379 = arith.index_cast %swap3A_378 : i32 to index
    %swap3A_380 = arith.constant 80 : index
    %swap3A_381 = tpu.vector_load %arg7[%swap3A_379, %swap3A_380] {strides = array<i32>} : memref<4x128xi32, #tpu.memory_space<vmem>>, vector<1x16xi32>,
    %swap3A_382 = vector.shape_cast %swap3A_381 : vector<1x16xi32> to vector<16xi32>
    %swap3A_383 = vector.shape_cast %and3A_377 : vector<16xi32> to vector<1x16xi32>
    tpu.vector_store %arg7[%swap3A_379, %swap3A_380], %swap3A_383 {strides = array<i32>} : memref<4x128xi32, #tpu.memory_space<vmem>>, vector<1x16xi32>,
    %get3A_384 = arith.constant 96 : index
    %get3A_385 = tpu.vector_load %arg5[%get3A_384] {strides = array<i32>} : memref<528xi32, #tpu.memory_space<vmem>>, vector<16xi32>,
    %get3A_386 = vector.shape_cast %get3A_385 : vector<16xi32> to vector<16xi32>
    %get3A_387 = arith.constant 112 : index
    %get3A_388 = tpu.vector_load %arg5[%get3A_387] {strides = array<i32>} : memref<528xi32, #tpu.memory_space<vmem>>, vector<16xi32>,
    %get3A_389 = vector.shape_cast %get3A_388 : vector<16xi32> to vector<16xi32>
    %lt3A_390 = arith.constant 0 : i32
    %lt3A_391 = vector.broadcast %lt3A_390 : i32 to vector<16xi32>
    %lt3A_392 = arith.cmpi slt, %broadcast_in_dim3A_16, %lt3A_391 : vector<16xi32>
    %add3A_393 = arith.constant 16 : i32
    %add3A_394 = vector.broadcast %add3A_393 : i32 to vector<16xi32>
    %add3A_395 = arith.addi %broadcast_in_dim3A_16, %add3A_394 : vector<16xi32>
    %select_n3A_396 = arith.select %lt3A_392, %add3A_395, %broadcast_in_dim3A_16 : vector<16xi1>, vector<16xi32>
    %broadcast_in_dim3A_397 = vector.shape_cast %select_n3A_396 : vector<16xi32> to vector<16x1xi32>
    %gather3A_398 = vector.shape_cast %broadcast_in_dim3A_397 : vector<16x1xi32> to vector<16xi32>
    %gather3A_399 = tpu.dynamic_gather %get3A_389[%gather3A_398] in [0] : vector<16xi32>, vector<16xi32> -> vector<16xi32>
    %lt3A_400 = arith.constant 0 : i32
    %lt3A_401 = vector.broadcast %lt3A_400 : i32 to vector<16xi32>
    %lt3A_402 = arith.cmpi slt, %select_n3A, %lt3A_401 : vector<16xi32>
    %add3A_403 = arith.constant 16 : i32
    %add3A_404 = vector.broadcast %add3A_403 : i32 to vector<16xi32>
    %add3A_405 = arith.addi %select_n3A, %add3A_404 : vector<16xi32>
    %select_n3A_406 = arith.select %lt3A_402, %add3A_405, %select_n3A : vector<16xi1>, vector<16xi32>
    %broadcast_in_dim3A_407 = vector.shape_cast %select_n3A_406 : vector<16xi32> to vector<16x1xi32>
    %gather3A_408 = vector.shape_cast %broadcast_in_dim3A_407 : vector<16x1xi32> to vector<16xi32>
    %gather3A_409 = tpu.dynamic_gather %get3A_386[%gather3A_408] in [0] : vector<16xi32>, vector<16xi32> -> vector<16xi32>
    %select_n3A_410 = arith.select %eq3A_19, %gather3A_399, %gather3A_409 : vector<16xi1>, vector<16xi32>
    %add3A_411 = arith.constant 96 : i32
    %add3A_412 = arith.addi %mul3A_2, %add3A_411 : i32
    %add3A_413 = vector.broadcast %add3A_412 : i32 to vector<16xi32>
    %add3A_414 = arith.addi %add3A_413, %iota3A : vector<16xi32>
    %rem3A_415 = arith.constant 2048 : i32
    %rem3A_416 = vector.broadcast %rem3A_415 : i32 to vector<16xi32>
    %rem3A_417 = arith.remsi %add3A_414, %rem3A_416 : vector<16xi32>
    %ne3A_418 = arith.constant 2047 : i32
    %ne3A_419 = vector.broadcast %ne3A_418 : i32 to vector<16xi32>
    %ne3A_420 = arith.cmpi ne, %rem3A_417, %ne3A_419 : vector<16xi32>
    %shift_left3A_421 = arith.constant 9 : i32
    %shift_left3A_422 = vector.broadcast %shift_left3A_421 : i32 to vector<16xi32>
    %shift_left3A_423 = arith.shli %get3A_386, %shift_left3A_422 : vector<16xi32>
    %shift_right_arithmetic3A_424 = arith.constant 1 : i32
    %shift_right_arithmetic3A_425 = vector.broadcast %shift_right_arithmetic3A_424 : i32 to vector<16xi32>
    %shift_right_arithmetic3A_426 = arith.shrsi %select_n3A_410, %shift_right_arithmetic3A_425 : vector<16xi32>
    %add3A_427 = arith.addi %shift_left3A_423, %shift_right_arithmetic3A_426 : vector<16xi32>
    %jit3A_428 = arith.constant 0 : i32
    %broadcast_in_dim3A_429 = vector.broadcast %jit3A_428 : i32 to vector<16xi32>
    %select_n3A_430 = arith.select %ne3A_420, %add3A_427, %broadcast_in_dim3A_429 : vector<16xi1>, vector<16xi32>
    %swap3A_431 = arith.constant 0 : i32
    %swap3A_432 = arith.index_cast %swap3A_431 : i32 to index
    %swap3A_433 = arith.constant 96 : index
    %swap3A_434 = tpu.vector_load %arg6[%swap3A_432, %swap3A_433] {strides = array<i32>} : memref<4x128xi32, #tpu.memory_space<vmem>>, vector<1x16xi32>,
    %swap3A_435 = vector.shape_cast %swap3A_434 : vector<1x16xi32> to vector<16xi32>
    %swap3A_436 = vector.shape_cast %select_n3A_430 : vector<16xi32> to vector<1x16xi32>
    tpu.vector_store %arg6[%swap3A_432, %swap3A_433], %swap3A_436 {strides = array<i32>} : memref<4x128xi32, #tpu.memory_space<vmem>>, vector<1x16xi32>,
    %and3A_437 = arith.constant 1 : i32
    %and3A_438 = vector.broadcast %and3A_437 : i32 to vector<16xi32>
    %and3A_439 = arith.andi %select_n3A_410, %and3A_438 : vector<16xi32>
    %swap3A_440 = arith.constant 0 : i32
    %swap3A_441 = arith.index_cast %swap3A_440 : i32 to index
    %swap3A_442 = arith.constant 96 : index
    %swap3A_443 = tpu.vector_load %arg7[%swap3A_441, %swap3A_442] {strides = array<i32>} : memref<4x128xi32, #tpu.memory_space<vmem>>, vector<1x16xi32>,
    %swap3A_444 = vector.shape_cast %swap3A_443 : vector<1x16xi32> to vector<16xi32>
    %swap3A_445 = vector.shape_cast %and3A_439 : vector<16xi32> to vector<1x16xi32>
    tpu.vector_store %arg7[%swap3A_441, %swap3A_442], %swap3A_445 {strides = array<i32>} : memref<4x128xi32, #tpu.memory_space<vmem>>, vector<1x16xi32>,
    %get3A_446 = arith.constant 112 : index
    %get3A_447 = tpu.vector_load %arg5[%get3A_446] {strides = array<i32>} : memref<528xi32, #tpu.memory_space<vmem>>, vector<16xi32>,
    %get3A_448 = vector.shape_cast %get3A_447 : vector<16xi32> to vector<16xi32>
    %get3A_449 = arith.constant 128 : index
    %get3A_450 = tpu.vector_load %arg5[%get3A_449] {strides = array<i32>} : memref<528xi32, #tpu.memory_space<vmem>>, vector<16xi32>,
    %get3A_451 = vector.shape_cast %get3A_450 : vector<16xi32> to vector<16xi32>
    %lt3A_452 = arith.constant 0 : i32
    %lt3A_453 = vector.broadcast %lt3A_452 : i32 to vector<16xi32>
    %lt3A_454 = arith.cmpi slt, %broadcast_in_dim3A_16, %lt3A_453 : vector<16xi32>
    %add3A_455 = arith.constant 16 : i32
    %add3A_456 = vector.broadcast %add3A_455 : i32 to vector<16xi32>
    %add3A_457 = arith.addi %broadcast_in_dim3A_16, %add3A_456 : vector<16xi32>
    %select_n3A_458 = arith.select %lt3A_454, %add3A_457, %broadcast_in_dim3A_16 : vector<16xi1>, vector<16xi32>
    %broadcast_in_dim3A_459 = vector.shape_cast %select_n3A_458 : vector<16xi32> to vector<16x1xi32>
    %gather3A_460 = vector.shape_cast %broadcast_in_dim3A_459 : vector<16x1xi32> to vector<16xi32>
    %gather3A_461 = tpu.dynamic_gather %get3A_451[%gather3A_460] in [0] : vector<16xi32>, vector<16xi32> -> vector<16xi32>
    %lt3A_462 = arith.constant 0 : i32
    %lt3A_463 = vector.broadcast %lt3A_462 : i32 to vector<16xi32>
    %lt3A_464 = arith.cmpi slt, %select_n3A, %lt3A_463 : vector<16xi32>
    %add3A_465 = arith.constant 16 : i32
    %add3A_466 = vector.broadcast %add3A_465 : i32 to vector<16xi32>
    %add3A_467 = arith.addi %select_n3A, %add3A_466 : vector<16xi32>
    %select_n3A_468 = arith.select %lt3A_464, %add3A_467, %select_n3A : vector<16xi1>, vector<16xi32>
    %broadcast_in_dim3A_469 = vector.shape_cast %select_n3A_468 : vector<16xi32> to vector<16x1xi32>
    %gather3A_470 = vector.shape_cast %broadcast_in_dim3A_469 : vector<16x1xi32> to vector<16xi32>
    %gather3A_471 = tpu.dynamic_gather %get3A_448[%gather3A_470] in [0] : vector<16xi32>, vector<16xi32> -> vector<16xi32>
    %select_n3A_472 = arith.select %eq3A_19, %gather3A_461, %gather3A_471 : vector<16xi1>, vector<16xi32>
    %add3A_473 = arith.constant 112 : i32
    %add3A_474 = arith.addi %mul3A_2, %add3A_473 : i32
    %add3A_475 = vector.broadcast %add3A_474 : i32 to vector<16xi32>
    %add3A_476 = arith.addi %add3A_475, %iota3A : vector<16xi32>
    %rem3A_477 = arith.constant 2048 : i32
    %rem3A_478 = vector.broadcast %rem3A_477 : i32 to vector<16xi32>
    %rem3A_479 = arith.remsi %add3A_476, %rem3A_478 : vector<16xi32>
    %ne3A_480 = arith.constant 2047 : i32
    %ne3A_481 = vector.broadcast %ne3A_480 : i32 to vector<16xi32>
    %ne3A_482 = arith.cmpi ne, %rem3A_479, %ne3A_481 : vector<16xi32>
    %shift_left3A_483 = arith.constant 9 : i32
    %shift_left3A_484 = vector.broadcast %shift_left3A_483 : i32 to vector<16xi32>
    %shift_left3A_485 = arith.shli %get3A_448, %shift_left3A_484 : vector<16xi32>
    %shift_right_arithmetic3A_486 = arith.constant 1 : i32
    %shift_right_arithmetic3A_487 = vector.broadcast %shift_right_arithmetic3A_486 : i32 to vector<16xi32>
    %shift_right_arithmetic3A_488 = arith.shrsi %select_n3A_472, %shift_right_arithmetic3A_487 : vector<16xi32>
    %add3A_489 = arith.addi %shift_left3A_485, %shift_right_arithmetic3A_488 : vector<16xi32>
    %jit3A_490 = arith.constant 0 : i32
    %broadcast_in_dim3A_491 = vector.broadcast %jit3A_490 : i32 to vector<16xi32>
    %select_n3A_492 = arith.select %ne3A_482, %add3A_489, %broadcast_in_dim3A_491 : vector<16xi1>, vector<16xi32>
    %swap3A_493 = arith.constant 0 : i32
    %swap3A_494 = arith.index_cast %swap3A_493 : i32 to index
    %swap3A_495 = arith.constant 112 : index
    %swap3A_496 = tpu.vector_load %arg6[%swap3A_494, %swap3A_495] {strides = array<i32>} : memref<4x128xi32, #tpu.memory_space<vmem>>, vector<1x16xi32>,
    %swap3A_497 = vector.shape_cast %swap3A_496 : vector<1x16xi32> to vector<16xi32>
    %swap3A_498 = vector.shape_cast %select_n3A_492 : vector<16xi32> to vector<1x16xi32>
    tpu.vector_store %arg6[%swap3A_494, %swap3A_495], %swap3A_498 {strides = array<i32>} : memref<4x128xi32, #tpu.memory_space<vmem>>, vector<1x16xi32>,
    %and3A_499 = arith.constant 1 : i32
    %and3A_500 = vector.broadcast %and3A_499 : i32 to vector<16xi32>
    %and3A_501 = arith.andi %select_n3A_472, %and3A_500 : vector<16xi32>
    %swap3A_502 = arith.constant 0 : i32
    %swap3A_503 = arith.index_cast %swap3A_502 : i32 to index
    %swap3A_504 = arith.constant 112 : index
    %swap3A_505 = tpu.vector_load %arg7[%swap3A_503, %swap3A_504] {strides = array<i32>} : memref<4x128xi32, #tpu.memory_space<vmem>>, vector<1x16xi32>,
    %swap3A_506 = vector.shape_cast %swap3A_505 : vector<1x16xi32> to vector<16xi32>
    %swap3A_507 = vector.shape_cast %and3A_501 : vector<16xi32> to vector<1x16xi32>
    tpu.vector_store %arg7[%swap3A_503, %swap3A_504], %swap3A_507 {strides = array<i32>} : memref<4x128xi32, #tpu.memory_space<vmem>>, vector<1x16xi32>,
    %get3A_508 = arith.constant 128 : index
    %get3A_509 = tpu.vector_load %arg5[%get3A_508] {strides = array<i32>} : memref<528xi32, #tpu.memory_space<vmem>>, vector<16xi32>,
    %get3A_510 = vector.shape_cast %get3A_509 : vector<16xi32> to vector<16xi32>
    %get3A_511 = arith.constant 144 : index
    %get3A_512 = tpu.vector_load %arg5[%get3A_511] {strides = array<i32>} : memref<528xi32, #tpu.memory_space<vmem>>, vector<16xi32>,
    %get3A_513 = vector.shape_cast %get3A_512 : vector<16xi32> to vector<16xi32>
    %lt3A_514 = arith.constant 0 : i32
    %lt3A_515 = vector.broadcast %lt3A_514 : i32 to vector<16xi32>
    %lt3A_516 = arith.cmpi slt, %broadcast_in_dim3A_16, %lt3A_515 : vector<16xi32>
    %add3A_517 = arith.constant 16 : i32
    %add3A_518 = vector.broadcast %add3A_517 : i32 to vector<16xi32>
    %add3A_519 = arith.addi %broadcast_in_dim3A_16, %add3A_518 : vector<16xi32>
    %select_n3A_520 = arith.select %lt3A_516, %add3A_519, %broadcast_in_dim3A_16 : vector<16xi1>, vector<16xi32>
    %broadcast_in_dim3A_521 = vector.shape_cast %select_n3A_520 : vector<16xi32> to vector<16x1xi32>
    %gather3A_522 = vector.shape_cast %broadcast_in_dim3A_521 : vector<16x1xi32> to vector<16xi32>
    %gather3A_523 = tpu.dynamic_gather %get3A_513[%gather3A_522] in [0] : vector<16xi32>, vector<16xi32> -> vector<16xi32>
    %lt3A_524 = arith.constant 0 : i32
    %lt3A_525 = vector.broadcast %lt3A_524 : i32 to vector<16xi32>
    %lt3A_526 = arith.cmpi slt, %select_n3A, %lt3A_525 : vector<16xi32>
    %add3A_527 = arith.constant 16 : i32
    %add3A_528 = vector.broadcast %add3A_527 : i32 to vector<16xi32>
    %add3A_529 = arith.addi %select_n3A, %add3A_528 : vector<16xi32>
    %select_n3A_530 = arith.select %lt3A_526, %add3A_529, %select_n3A : vector<16xi1>, vector<16xi32>
    %broadcast_in_dim3A_531 = vector.shape_cast %select_n3A_530 : vector<16xi32> to vector<16x1xi32>
    %gather3A_532 = vector.shape_cast %broadcast_in_dim3A_531 : vector<16x1xi32> to vector<16xi32>
    %gather3A_533 = tpu.dynamic_gather %get3A_510[%gather3A_532] in [0] : vector<16xi32>, vector<16xi32> -> vector<16xi32>
    %select_n3A_534 = arith.select %eq3A_19, %gather3A_523, %gather3A_533 : vector<16xi1>, vector<16xi32>
    %add3A_535 = arith.constant 128 : i32
    %add3A_536 = arith.addi %mul3A_2, %add3A_535 : i32
    %add3A_537 = vector.broadcast %add3A_536 : i32 to vector<16xi32>
    %add3A_538 = arith.addi %add3A_537, %iota3A : vector<16xi32>
    %rem3A_539 = arith.constant 2048 : i32
    %rem3A_540 = vector.broadcast %rem3A_539 : i32 to vector<16xi32>
    %rem3A_541 = arith.remsi %add3A_538, %rem3A_540 : vector<16xi32>
    %ne3A_542 = arith.constant 2047 : i32
    %ne3A_543 = vector.broadcast %ne3A_542 : i32 to vector<16xi32>
    %ne3A_544 = arith.cmpi ne, %rem3A_541, %ne3A_543 : vector<16xi32>
    %shift_left3A_545 = arith.constant 9 : i32
    %shift_left3A_546 = vector.broadcast %shift_left3A_545 : i32 to vector<16xi32>
    %shift_left3A_547 = arith.shli %get3A_510, %shift_left3A_546 : vector<16xi32>
    %shift_right_arithmetic3A_548 = arith.constant 1 : i32
    %shift_right_arithmetic3A_549 = vector.broadcast %shift_right_arithmetic3A_548 : i32 to vector<16xi32>
    %shift_right_arithmetic3A_550 = arith.shrsi %select_n3A_534, %shift_right_arithmetic3A_549 : vector<16xi32>
    %add3A_551 = arith.addi %shift_left3A_547, %shift_right_arithmetic3A_550 : vector<16xi32>
    %jit3A_552 = arith.constant 0 : i32
    %broadcast_in_dim3A_553 = vector.broadcast %jit3A_552 : i32 to vector<16xi32>
    %select_n3A_554 = arith.select %ne3A_544, %add3A_551, %broadcast_in_dim3A_553 : vector<16xi1>, vector<16xi32>
    %swap3A_555 = arith.constant 1 : i32
    %swap3A_556 = arith.index_cast %swap3A_555 : i32 to index
    %swap3A_557 = arith.constant 0 : index
    %swap3A_558 = tpu.vector_load %arg6[%swap3A_556, %swap3A_557] {strides = array<i32>} : memref<4x128xi32, #tpu.memory_space<vmem>>, vector<1x16xi32>,
    %swap3A_559 = vector.shape_cast %swap3A_558 : vector<1x16xi32> to vector<16xi32>
    %swap3A_560 = vector.shape_cast %select_n3A_554 : vector<16xi32> to vector<1x16xi32>
    tpu.vector_store %arg6[%swap3A_556, %swap3A_557], %swap3A_560 {strides = array<i32>} : memref<4x128xi32, #tpu.memory_space<vmem>>, vector<1x16xi32>,
    %and3A_561 = arith.constant 1 : i32
    %and3A_562 = vector.broadcast %and3A_561 : i32 to vector<16xi32>
    %and3A_563 = arith.andi %select_n3A_534, %and3A_562 : vector<16xi32>
    %swap3A_564 = arith.constant 1 : i32
    %swap3A_565 = arith.index_cast %swap3A_564 : i32 to index
    %swap3A_566 = arith.constant 0 : index
    %swap3A_567 = tpu.vector_load %arg7[%swap3A_565, %swap3A_566] {strides = array<i32>} : memref<4x128xi32, #tpu.memory_space<vmem>>, vector<1x16xi32>,
    %swap3A_568 = vector.shape_cast %swap3A_567 : vector<1x16xi32> to vector<16xi32>
    %swap3A_569 = vector.shape_cast %and3A_563 : vector<16xi32> to vector<1x16xi32>
    tpu.vector_store %arg7[%swap3A_565, %swap3A_566], %swap3A_569 {strides = array<i32>} : memref<4x128xi32, #tpu.memory_space<vmem>>, vector<1x16xi32>,
    %get3A_570 = arith.constant 144 : index
    %get3A_571 = tpu.vector_load %arg5[%get3A_570] {strides = array<i32>} : memref<528xi32, #tpu.memory_space<vmem>>, vector<16xi32>,
    %get3A_572 = vector.shape_cast %get3A_571 : vector<16xi32> to vector<16xi32>
    %get3A_573 = arith.constant 160 : index
    %get3A_574 = tpu.vector_load %arg5[%get3A_573] {strides = array<i32>} : memref<528xi32, #tpu.memory_space<vmem>>, vector<16xi32>,
    %get3A_575 = vector.shape_cast %get3A_574 : vector<16xi32> to vector<16xi32>
    %lt3A_576 = arith.constant 0 : i32
    %lt3A_577 = vector.broadcast %lt3A_576 : i32 to vector<16xi32>
    %lt3A_578 = arith.cmpi slt, %broadcast_in_dim3A_16, %lt3A_577 : vector<16xi32>
    %add3A_579 = arith.constant 16 : i32
    %add3A_580 = vector.broadcast %add3A_579 : i32 to vector<16xi32>
    %add3A_581 = arith.addi %broadcast_in_dim3A_16, %add3A_580 : vector<16xi32>
    %select_n3A_582 = arith.select %lt3A_578, %add3A_581, %broadcast_in_dim3A_16 : vector<16xi1>, vector<16xi32>
    %broadcast_in_dim3A_583 = vector.shape_cast %select_n3A_582 : vector<16xi32> to vector<16x1xi32>
    %gather3A_584 = vector.shape_cast %broadcast_in_dim3A_583 : vector<16x1xi32> to vector<16xi32>
    %gather3A_585 = tpu.dynamic_gather %get3A_575[%gather3A_584] in [0] : vector<16xi32>, vector<16xi32> -> vector<16xi32>
    %lt3A_586 = arith.constant 0 : i32
    %lt3A_587 = vector.broadcast %lt3A_586 : i32 to vector<16xi32>
    %lt3A_588 = arith.cmpi slt, %select_n3A, %lt3A_587 : vector<16xi32>
    %add3A_589 = arith.constant 16 : i32
    %add3A_590 = vector.broadcast %add3A_589 : i32 to vector<16xi32>
    %add3A_591 = arith.addi %select_n3A, %add3A_590 : vector<16xi32>
    %select_n3A_592 = arith.select %lt3A_588, %add3A_591, %select_n3A : vector<16xi1>, vector<16xi32>
    %broadcast_in_dim3A_593 = vector.shape_cast %select_n3A_592 : vector<16xi32> to vector<16x1xi32>
    %gather3A_594 = vector.shape_cast %broadcast_in_dim3A_593 : vector<16x1xi32> to vector<16xi32>
    %gather3A_595 = tpu.dynamic_gather %get3A_572[%gather3A_594] in [0] : vector<16xi32>, vector<16xi32> -> vector<16xi32>
    %select_n3A_596 = arith.select %eq3A_19, %gather3A_585, %gather3A_595 : vector<16xi1>, vector<16xi32>
    %add3A_597 = arith.constant 144 : i32
    %add3A_598 = arith.addi %mul3A_2, %add3A_597 : i32
    %add3A_599 = vector.broadcast %add3A_598 : i32 to vector<16xi32>
    %add3A_600 = arith.addi %add3A_599, %iota3A : vector<16xi32>
    %rem3A_601 = arith.constant 2048 : i32
    %rem3A_602 = vector.broadcast %rem3A_601 : i32 to vector<16xi32>
    %rem3A_603 = arith.remsi %add3A_600, %rem3A_602 : vector<16xi32>
    %ne3A_604 = arith.constant 2047 : i32
    %ne3A_605 = vector.broadcast %ne3A_604 : i32 to vector<16xi32>
    %ne3A_606 = arith.cmpi ne, %rem3A_603, %ne3A_605 : vector<16xi32>
    %shift_left3A_607 = arith.constant 9 : i32
    %shift_left3A_608 = vector.broadcast %shift_left3A_607 : i32 to vector<16xi32>
    %shift_left3A_609 = arith.shli %get3A_572, %shift_left3A_608 : vector<16xi32>
    %shift_right_arithmetic3A_610 = arith.constant 1 : i32
    %shift_right_arithmetic3A_611 = vector.broadcast %shift_right_arithmetic3A_610 : i32 to vector<16xi32>
    %shift_right_arithmetic3A_612 = arith.shrsi %select_n3A_596, %shift_right_arithmetic3A_611 : vector<16xi32>
    %add3A_613 = arith.addi %shift_left3A_609, %shift_right_arithmetic3A_612 : vector<16xi32>
    %jit3A_614 = arith.constant 0 : i32
    %broadcast_in_dim3A_615 = vector.broadcast %jit3A_614 : i32 to vector<16xi32>
    %select_n3A_616 = arith.select %ne3A_606, %add3A_613, %broadcast_in_dim3A_615 : vector<16xi1>, vector<16xi32>
    %swap3A_617 = arith.constant 1 : i32
    %swap3A_618 = arith.index_cast %swap3A_617 : i32 to index
    %swap3A_619 = arith.constant 16 : index
    %swap3A_620 = tpu.vector_load %arg6[%swap3A_618, %swap3A_619] {strides = array<i32>} : memref<4x128xi32, #tpu.memory_space<vmem>>, vector<1x16xi32>,
    %swap3A_621 = vector.shape_cast %swap3A_620 : vector<1x16xi32> to vector<16xi32>
    %swap3A_622 = vector.shape_cast %select_n3A_616 : vector<16xi32> to vector<1x16xi32>
    tpu.vector_store %arg6[%swap3A_618, %swap3A_619], %swap3A_622 {strides = array<i32>} : memref<4x128xi32, #tpu.memory_space<vmem>>, vector<1x16xi32>,
    %and3A_623 = arith.constant 1 : i32
    %and3A_624 = vector.broadcast %and3A_623 : i32 to vector<16xi32>
    %and3A_625 = arith.andi %select_n3A_596, %and3A_624 : vector<16xi32>
    %swap3A_626 = arith.constant 1 : i32
    %swap3A_627 = arith.index_cast %swap3A_626 : i32 to index
    %swap3A_628 = arith.constant 16 : index
    %swap3A_629 = tpu.vector_load %arg7[%swap3A_627, %swap3A_628] {strides = array<i32>} : memref<4x128xi32, #tpu.memory_space<vmem>>, vector<1x16xi32>,
    %swap3A_630 = vector.shape_cast %swap3A_629 : vector<1x16xi32> to vector<16xi32>
    %swap3A_631 = vector.shape_cast %and3A_625 : vector<16xi32> to vector<1x16xi32>
    tpu.vector_store %arg7[%swap3A_627, %swap3A_628], %swap3A_631 {strides = array<i32>} : memref<4x128xi32, #tpu.memory_space<vmem>>, vector<1x16xi32>,
    %get3A_632 = arith.constant 160 : index
    %get3A_633 = tpu.vector_load %arg5[%get3A_632] {strides = array<i32>} : memref<528xi32, #tpu.memory_space<vmem>>, vector<16xi32>,
    %get3A_634 = vector.shape_cast %get3A_633 : vector<16xi32> to vector<16xi32>
    %get3A_635 = arith.constant 176 : index
    %get3A_636 = tpu.vector_load %arg5[%get3A_635] {strides = array<i32>} : memref<528xi32, #tpu.memory_space<vmem>>, vector<16xi32>,
    %get3A_637 = vector.shape_cast %get3A_636 : vector<16xi32> to vector<16xi32>
    %lt3A_638 = arith.constant 0 : i32
    %lt3A_639 = vector.broadcast %lt3A_638 : i32 to vector<16xi32>
    %lt3A_640 = arith.cmpi slt, %broadcast_in_dim3A_16, %lt3A_639 : vector<16xi32>
    %add3A_641 = arith.constant 16 : i32
    %add3A_642 = vector.broadcast %add3A_641 : i32 to vector<16xi32>
    %add3A_643 = arith.addi %broadcast_in_dim3A_16, %add3A_642 : vector<16xi32>
    %select_n3A_644 = arith.select %lt3A_640, %add3A_643, %broadcast_in_dim3A_16 : vector<16xi1>, vector<16xi32>
    %broadcast_in_dim3A_645 = vector.shape_cast %select_n3A_644 : vector<16xi32> to vector<16x1xi32>
    %gather3A_646 = vector.shape_cast %broadcast_in_dim3A_645 : vector<16x1xi32> to vector<16xi32>
    %gather3A_647 = tpu.dynamic_gather %get3A_637[%gather3A_646] in [0] : vector<16xi32>, vector<16xi32> -> vector<16xi32>
    %lt3A_648 = arith.constant 0 : i32
    %lt3A_649 = vector.broadcast %lt3A_648 : i32 to vector<16xi32>
    %lt3A_650 = arith.cmpi slt, %select_n3A, %lt3A_649 : vector<16xi32>
    %add3A_651 = arith.constant 16 : i32
    %add3A_652 = vector.broadcast %add3A_651 : i32 to vector<16xi32>
    %add3A_653 = arith.addi %select_n3A, %add3A_652 : vector<16xi32>
    %select_n3A_654 = arith.select %lt3A_650, %add3A_653, %select_n3A : vector<16xi1>, vector<16xi32>
    %broadcast_in_dim3A_655 = vector.shape_cast %select_n3A_654 : vector<16xi32> to vector<16x1xi32>
    %gather3A_656 = vector.shape_cast %broadcast_in_dim3A_655 : vector<16x1xi32> to vector<16xi32>
    %gather3A_657 = tpu.dynamic_gather %get3A_634[%gather3A_656] in [0] : vector<16xi32>, vector<16xi32> -> vector<16xi32>
    %select_n3A_658 = arith.select %eq3A_19, %gather3A_647, %gather3A_657 : vector<16xi1>, vector<16xi32>
    %add3A_659 = arith.constant 160 : i32
    %add3A_660 = arith.addi %mul3A_2, %add3A_659 : i32
    %add3A_661 = vector.broadcast %add3A_660 : i32 to vector<16xi32>
    %add3A_662 = arith.addi %add3A_661, %iota3A : vector<16xi32>
    %rem3A_663 = arith.constant 2048 : i32
    %rem3A_664 = vector.broadcast %rem3A_663 : i32 to vector<16xi32>
    %rem3A_665 = arith.remsi %add3A_662, %rem3A_664 : vector<16xi32>
    %ne3A_666 = arith.constant 2047 : i32
    %ne3A_667 = vector.broadcast %ne3A_666 : i32 to vector<16xi32>
    %ne3A_668 = arith.cmpi ne, %rem3A_665, %ne3A_667 : vector<16xi32>
    %shift_left3A_669 = arith.constant 9 : i32
    %shift_left3A_670 = vector.broadcast %shift_left3A_669 : i32 to vector<16xi32>
    %shift_left3A_671 = arith.shli %get3A_634, %shift_left3A_670 : vector<16xi32>
    %shift_right_arithmetic3A_672 = arith.constant 1 : i32
    %shift_right_arithmetic3A_673 = vector.broadcast %shift_right_arithmetic3A_672 : i32 to vector<16xi32>
    %shift_right_arithmetic3A_674 = arith.shrsi %select_n3A_658, %shift_right_arithmetic3A_673 : vector<16xi32>
    %add3A_675 = arith.addi %shift_left3A_671, %shift_right_arithmetic3A_674 : vector<16xi32>
    %jit3A_676 = arith.constant 0 : i32
    %broadcast_in_dim3A_677 = vector.broadcast %jit3A_676 : i32 to vector<16xi32>
    %select_n3A_678 = arith.select %ne3A_668, %add3A_675, %broadcast_in_dim3A_677 : vector<16xi1>, vector<16xi32>
    %swap3A_679 = arith.constant 1 : i32
    %swap3A_680 = arith.index_cast %swap3A_679 : i32 to index
    %swap3A_681 = arith.constant 32 : index
    %swap3A_682 = tpu.vector_load %arg6[%swap3A_680, %swap3A_681] {strides = array<i32>} : memref<4x128xi32, #tpu.memory_space<vmem>>, vector<1x16xi32>,
    %swap3A_683 = vector.shape_cast %swap3A_682 : vector<1x16xi32> to vector<16xi32>
    %swap3A_684 = vector.shape_cast %select_n3A_678 : vector<16xi32> to vector<1x16xi32>
    tpu.vector_store %arg6[%swap3A_680, %swap3A_681], %swap3A_684 {strides = array<i32>} : memref<4x128xi32, #tpu.memory_space<vmem>>, vector<1x16xi32>,
    %and3A_685 = arith.constant 1 : i32
    %and3A_686 = vector.broadcast %and3A_685 : i32 to vector<16xi32>
    %and3A_687 = arith.andi %select_n3A_658, %and3A_686 : vector<16xi32>
    %swap3A_688 = arith.constant 1 : i32
    %swap3A_689 = arith.index_cast %swap3A_688 : i32 to index
    %swap3A_690 = arith.constant 32 : index
    %swap3A_691 = tpu.vector_load %arg7[%swap3A_689, %swap3A_690] {strides = array<i32>} : memref<4x128xi32, #tpu.memory_space<vmem>>, vector<1x16xi32>,
    %swap3A_692 = vector.shape_cast %swap3A_691 : vector<1x16xi32> to vector<16xi32>
    %swap3A_693 = vector.shape_cast %and3A_687 : vector<16xi32> to vector<1x16xi32>
    tpu.vector_store %arg7[%swap3A_689, %swap3A_690], %swap3A_693 {strides = array<i32>} : memref<4x128xi32, #tpu.memory_space<vmem>>, vector<1x16xi32>,
    %get3A_694 = arith.constant 176 : index
    %get3A_695 = tpu.vector_load %arg5[%get3A_694] {strides = array<i32>} : memref<528xi32, #tpu.memory_space<vmem>>, vector<16xi32>,
    %get3A_696 = vector.shape_cast %get3A_695 : vector<16xi32> to vector<16xi32>
    %get3A_697 = arith.constant 192 : index
    %get3A_698 = tpu.vector_load %arg5[%get3A_697] {strides = array<i32>} : memref<528xi32, #tpu.memory_space<vmem>>, vector<16xi32>,
    %get3A_699 = vector.shape_cast %get3A_698 : vector<16xi32> to vector<16xi32>
    %lt3A_700 = arith.constant 0 : i32
    %lt3A_701 = vector.broadcast %lt3A_700 : i32 to vector<16xi32>
    %lt3A_702 = arith.cmpi slt, %broadcast_in_dim3A_16, %lt3A_701 : vector<16xi32>
    %add3A_703 = arith.constant 16 : i32
    %add3A_704 = vector.broadcast %add3A_703 : i32 to vector<16xi32>
    %add3A_705 = arith.addi %broadcast_in_dim3A_16, %add3A_704 : vector<16xi32>
    %select_n3A_706 = arith.select %lt3A_702, %add3A_705, %broadcast_in_dim3A_16 : vector<16xi1>, vector<16xi32>
    %broadcast_in_dim3A_707 = vector.shape_cast %select_n3A_706 : vector<16xi32> to vector<16x1xi32>
    %gather3A_708 = vector.shape_cast %broadcast_in_dim3A_707 : vector<16x1xi32> to vector<16xi32>
    %gather3A_709 = tpu.dynamic_gather %get3A_699[%gather3A_708] in [0] : vector<16xi32>, vector<16xi32> -> vector<16xi32>
    %lt3A_710 = arith.constant 0 : i32
    %lt3A_711 = vector.broadcast %lt3A_710 : i32 to vector<16xi32>
    %lt3A_712 = arith.cmpi slt, %select_n3A, %lt3A_711 : vector<16xi32>
    %add3A_713 = arith.constant 16 : i32
    %add3A_714 = vector.broadcast %add3A_713 : i32 to vector<16xi32>
    %add3A_715 = arith.addi %select_n3A, %add3A_714 : vector<16xi32>
    %select_n3A_716 = arith.select %lt3A_712, %add3A_715, %select_n3A : vector<16xi1>, vector<16xi32>
    %broadcast_in_dim3A_717 = vector.shape_cast %select_n3A_716 : vector<16xi32> to vector<16x1xi32>
    %gather3A_718 = vector.shape_cast %broadcast_in_dim3A_717 : vector<16x1xi32> to vector<16xi32>
    %gather3A_719 = tpu.dynamic_gather %get3A_696[%gather3A_718] in [0] : vector<16xi32>, vector<16xi32> -> vector<16xi32>
    %select_n3A_720 = arith.select %eq3A_19, %gather3A_709, %gather3A_719 : vector<16xi1>, vector<16xi32>
    %add3A_721 = arith.constant 176 : i32
    %add3A_722 = arith.addi %mul3A_2, %add3A_721 : i32
    %add3A_723 = vector.broadcast %add3A_722 : i32 to vector<16xi32>
    %add3A_724 = arith.addi %add3A_723, %iota3A : vector<16xi32>
    %rem3A_725 = arith.constant 2048 : i32
    %rem3A_726 = vector.broadcast %rem3A_725 : i32 to vector<16xi32>
    %rem3A_727 = arith.remsi %add3A_724, %rem3A_726 : vector<16xi32>
    %ne3A_728 = arith.constant 2047 : i32
    %ne3A_729 = vector.broadcast %ne3A_728 : i32 to vector<16xi32>
    %ne3A_730 = arith.cmpi ne, %rem3A_727, %ne3A_729 : vector<16xi32>
    %shift_left3A_731 = arith.constant 9 : i32
    %shift_left3A_732 = vector.broadcast %shift_left3A_731 : i32 to vector<16xi32>
    %shift_left3A_733 = arith.shli %get3A_696, %shift_left3A_732 : vector<16xi32>
    %shift_right_arithmetic3A_734 = arith.constant 1 : i32
    %shift_right_arithmetic3A_735 = vector.broadcast %shift_right_arithmetic3A_734 : i32 to vector<16xi32>
    %shift_right_arithmetic3A_736 = arith.shrsi %select_n3A_720, %shift_right_arithmetic3A_735 : vector<16xi32>
    %add3A_737 = arith.addi %shift_left3A_733, %shift_right_arithmetic3A_736 : vector<16xi32>
    %jit3A_738 = arith.constant 0 : i32
    %broadcast_in_dim3A_739 = vector.broadcast %jit3A_738 : i32 to vector<16xi32>
    %select_n3A_740 = arith.select %ne3A_730, %add3A_737, %broadcast_in_dim3A_739 : vector<16xi1>, vector<16xi32>
    %swap3A_741 = arith.constant 1 : i32
    %swap3A_742 = arith.index_cast %swap3A_741 : i32 to index
    %swap3A_743 = arith.constant 48 : index
    %swap3A_744 = tpu.vector_load %arg6[%swap3A_742, %swap3A_743] {strides = array<i32>} : memref<4x128xi32, #tpu.memory_space<vmem>>, vector<1x16xi32>,
    %swap3A_745 = vector.shape_cast %swap3A_744 : vector<1x16xi32> to vector<16xi32>
    %swap3A_746 = vector.shape_cast %select_n3A_740 : vector<16xi32> to vector<1x16xi32>
    tpu.vector_store %arg6[%swap3A_742, %swap3A_743], %swap3A_746 {strides = array<i32>} : memref<4x128xi32, #tpu.memory_space<vmem>>, vector<1x16xi32>,
    %and3A_747 = arith.constant 1 : i32
    %and3A_748 = vector.broadcast %and3A_747 : i32 to vector<16xi32>
    %and3A_749 = arith.andi %select_n3A_720, %and3A_748 : vector<16xi32>
    %swap3A_750 = arith.constant 1 : i32
    %swap3A_751 = arith.index_cast %swap3A_750 : i32 to index
    %swap3A_752 = arith.constant 48 : index
    %swap3A_753 = tpu.vector_load %arg7[%swap3A_751, %swap3A_752] {strides = array<i32>} : memref<4x128xi32, #tpu.memory_space<vmem>>, vector<1x16xi32>,
    %swap3A_754 = vector.shape_cast %swap3A_753 : vector<1x16xi32> to vector<16xi32>
    %swap3A_755 = vector.shape_cast %and3A_749 : vector<16xi32> to vector<1x16xi32>
    tpu.vector_store %arg7[%swap3A_751, %swap3A_752], %swap3A_755 {strides = array<i32>} : memref<4x128xi32, #tpu.memory_space<vmem>>, vector<1x16xi32>,
    %get3A_756 = arith.constant 192 : index
    %get3A_757 = tpu.vector_load %arg5[%get3A_756] {strides = array<i32>} : memref<528xi32, #tpu.memory_space<vmem>>, vector<16xi32>,
    %get3A_758 = vector.shape_cast %get3A_757 : vector<16xi32> to vector<16xi32>
    %get3A_759 = arith.constant 208 : index
    %get3A_760 = tpu.vector_load %arg5[%get3A_759] {strides = array<i32>} : memref<528xi32, #tpu.memory_space<vmem>>, vector<16xi32>,
    %get3A_761 = vector.shape_cast %get3A_760 : vector<16xi32> to vector<16xi32>
    %lt3A_762 = arith.constant 0 : i32
    %lt3A_763 = vector.broadcast %lt3A_762 : i32 to vector<16xi32>
    %lt3A_764 = arith.cmpi slt, %broadcast_in_dim3A_16, %lt3A_763 : vector<16xi32>
    %add3A_765 = arith.constant 16 : i32
    %add3A_766 = vector.broadcast %add3A_765 : i32 to vector<16xi32>
    %add3A_767 = arith.addi %broadcast_in_dim3A_16, %add3A_766 : vector<16xi32>
    %select_n3A_768 = arith.select %lt3A_764, %add3A_767, %broadcast_in_dim3A_16 : vector<16xi1>, vector<16xi32>
    %broadcast_in_dim3A_769 = vector.shape_cast %select_n3A_768 : vector<16xi32> to vector<16x1xi32>
    %gather3A_770 = vector.shape_cast %broadcast_in_dim3A_769 : vector<16x1xi32> to vector<16xi32>
    %gather3A_771 = tpu.dynamic_gather %get3A_761[%gather3A_770] in [0] : vector<16xi32>, vector<16xi32> -> vector<16xi32>
    %lt3A_772 = arith.constant 0 : i32
    %lt3A_773 = vector.broadcast %lt3A_772 : i32 to vector<16xi32>
    %lt3A_774 = arith.cmpi slt, %select_n3A, %lt3A_773 : vector<16xi32>
    %add3A_775 = arith.constant 16 : i32
    %add3A_776 = vector.broadcast %add3A_775 : i32 to vector<16xi32>
    %add3A_777 = arith.addi %select_n3A, %add3A_776 : vector<16xi32>
    %select_n3A_778 = arith.select %lt3A_774, %add3A_777, %select_n3A : vector<16xi1>, vector<16xi32>
    %broadcast_in_dim3A_779 = vector.shape_cast %select_n3A_778 : vector<16xi32> to vector<16x1xi32>
    %gather3A_780 = vector.shape_cast %broadcast_in_dim3A_779 : vector<16x1xi32> to vector<16xi32>
    %gather3A_781 = tpu.dynamic_gather %get3A_758[%gather3A_780] in [0] : vector<16xi32>, vector<16xi32> -> vector<16xi32>
    %select_n3A_782 = arith.select %eq3A_19, %gather3A_771, %gather3A_781 : vector<16xi1>, vector<16xi32>
    %add3A_783 = arith.constant 192 : i32
    %add3A_784 = arith.addi %mul3A_2, %add3A_783 : i32
    %add3A_785 = vector.broadcast %add3A_784 : i32 to vector<16xi32>
    %add3A_786 = arith.addi %add3A_785, %iota3A : vector<16xi32>
    %rem3A_787 = arith.constant 2048 : i32
    %rem3A_788 = vector.broadcast %rem3A_787 : i32 to vector<16xi32>
    %rem3A_789 = arith.remsi %add3A_786, %rem3A_788 : vector<16xi32>
    %ne3A_790 = arith.constant 2047 : i32
    %ne3A_791 = vector.broadcast %ne3A_790 : i32 to vector<16xi32>
    %ne3A_792 = arith.cmpi ne, %rem3A_789, %ne3A_791 : vector<16xi32>
    %shift_left3A_793 = arith.constant 9 : i32
    %shift_left3A_794 = vector.broadcast %shift_left3A_793 : i32 to vector<16xi32>
    %shift_left3A_795 = arith.shli %get3A_758, %shift_left3A_794 : vector<16xi32>
    %shift_right_arithmetic3A_796 = arith.constant 1 : i32
    %shift_right_arithmetic3A_797 = vector.broadcast %shift_right_arithmetic3A_796 : i32 to vector<16xi32>
    %shift_right_arithmetic3A_798 = arith.shrsi %select_n3A_782, %shift_right_arithmetic3A_797 : vector<16xi32>
    %add3A_799 = arith.addi %shift_left3A_795, %shift_right_arithmetic3A_798 : vector<16xi32>
    %jit3A_800 = arith.constant 0 : i32
    %broadcast_in_dim3A_801 = vector.broadcast %jit3A_800 : i32 to vector<16xi32>
    %select_n3A_802 = arith.select %ne3A_792, %add3A_799, %broadcast_in_dim3A_801 : vector<16xi1>, vector<16xi32>
    %swap3A_803 = arith.constant 1 : i32
    %swap3A_804 = arith.index_cast %swap3A_803 : i32 to index
    %swap3A_805 = arith.constant 64 : index
    %swap3A_806 = tpu.vector_load %arg6[%swap3A_804, %swap3A_805] {strides = array<i32>} : memref<4x128xi32, #tpu.memory_space<vmem>>, vector<1x16xi32>,
    %swap3A_807 = vector.shape_cast %swap3A_806 : vector<1x16xi32> to vector<16xi32>
    %swap3A_808 = vector.shape_cast %select_n3A_802 : vector<16xi32> to vector<1x16xi32>
    tpu.vector_store %arg6[%swap3A_804, %swap3A_805], %swap3A_808 {strides = array<i32>} : memref<4x128xi32, #tpu.memory_space<vmem>>, vector<1x16xi32>,
    %and3A_809 = arith.constant 1 : i32
    %and3A_810 = vector.broadcast %and3A_809 : i32 to vector<16xi32>
    %and3A_811 = arith.andi %select_n3A_782, %and3A_810 : vector<16xi32>
    %swap3A_812 = arith.constant 1 : i32
    %swap3A_813 = arith.index_cast %swap3A_812 : i32 to index
    %swap3A_814 = arith.constant 64 : index
    %swap3A_815 = tpu.vector_load %arg7[%swap3A_813, %swap3A_814] {strides = array<i32>} : memref<4x128xi32, #tpu.memory_space<vmem>>, vector<1x16xi32>,
    %swap3A_816 = vector.shape_cast %swap3A_815 : vector<1x16xi32> to vector<16xi32>
    %swap3A_817 = vector.shape_cast %and3A_811 : vector<16xi32> to vector<1x16xi32>
    tpu.vector_store %arg7[%swap3A_813, %swap3A_814], %swap3A_817 {strides = array<i32>} : memref<4x128xi32, #tpu.memory_space<vmem>>, vector<1x16xi32>,
    %get3A_818 = arith.constant 208 : index
    %get3A_819 = tpu.vector_load %arg5[%get3A_818] {strides = array<i32>} : memref<528xi32, #tpu.memory_space<vmem>>, vector<16xi32>,
    %get3A_820 = vector.shape_cast %get3A_819 : vector<16xi32> to vector<16xi32>
    %get3A_821 = arith.constant 224 : index
    %get3A_822 = tpu.vector_load %arg5[%get3A_821] {strides = array<i32>} : memref<528xi32, #tpu.memory_space<vmem>>, vector<16xi32>,
    %get3A_823 = vector.shape_cast %get3A_822 : vector<16xi32> to vector<16xi32>
    %lt3A_824 = arith.constant 0 : i32
    %lt3A_825 = vector.broadcast %lt3A_824 : i32 to vector<16xi32>
    %lt3A_826 = arith.cmpi slt, %broadcast_in_dim3A_16, %lt3A_825 : vector<16xi32>
    %add3A_827 = arith.constant 16 : i32
    %add3A_828 = vector.broadcast %add3A_827 : i32 to vector<16xi32>
    %add3A_829 = arith.addi %broadcast_in_dim3A_16, %add3A_828 : vector<16xi32>
    %select_n3A_830 = arith.select %lt3A_826, %add3A_829, %broadcast_in_dim3A_16 : vector<16xi1>, vector<16xi32>
    %broadcast_in_dim3A_831 = vector.shape_cast %select_n3A_830 : vector<16xi32> to vector<16x1xi32>
    %gather3A_832 = vector.shape_cast %broadcast_in_dim3A_831 : vector<16x1xi32> to vector<16xi32>
    %gather3A_833 = tpu.dynamic_gather %get3A_823[%gather3A_832] in [0] : vector<16xi32>, vector<16xi32> -> vector<16xi32>
    %lt3A_834 = arith.constant 0 : i32
    %lt3A_835 = vector.broadcast %lt3A_834 : i32 to vector<16xi32>
    %lt3A_836 = arith.cmpi slt, %select_n3A, %lt3A_835 : vector<16xi32>
    %add3A_837 = arith.constant 16 : i32
    %add3A_838 = vector.broadcast %add3A_837 : i32 to vector<16xi32>
    %add3A_839 = arith.addi %select_n3A, %add3A_838 : vector<16xi32>
    %select_n3A_840 = arith.select %lt3A_836, %add3A_839, %select_n3A : vector<16xi1>, vector<16xi32>
    %broadcast_in_dim3A_841 = vector.shape_cast %select_n3A_840 : vector<16xi32> to vector<16x1xi32>
    %gather3A_842 = vector.shape_cast %broadcast_in_dim3A_841 : vector<16x1xi32> to vector<16xi32>
    %gather3A_843 = tpu.dynamic_gather %get3A_820[%gather3A_842] in [0] : vector<16xi32>, vector<16xi32> -> vector<16xi32>
    %select_n3A_844 = arith.select %eq3A_19, %gather3A_833, %gather3A_843 : vector<16xi1>, vector<16xi32>
    %add3A_845 = arith.constant 208 : i32
    %add3A_846 = arith.addi %mul3A_2, %add3A_845 : i32
    %add3A_847 = vector.broadcast %add3A_846 : i32 to vector<16xi32>
    %add3A_848 = arith.addi %add3A_847, %iota3A : vector<16xi32>
    %rem3A_849 = arith.constant 2048 : i32
    %rem3A_850 = vector.broadcast %rem3A_849 : i32 to vector<16xi32>
    %rem3A_851 = arith.remsi %add3A_848, %rem3A_850 : vector<16xi32>
    %ne3A_852 = arith.constant 2047 : i32
    %ne3A_853 = vector.broadcast %ne3A_852 : i32 to vector<16xi32>
    %ne3A_854 = arith.cmpi ne, %rem3A_851, %ne3A_853 : vector<16xi32>
    %shift_left3A_855 = arith.constant 9 : i32
    %shift_left3A_856 = vector.broadcast %shift_left3A_855 : i32 to vector<16xi32>
    %shift_left3A_857 = arith.shli %get3A_820, %shift_left3A_856 : vector<16xi32>
    %shift_right_arithmetic3A_858 = arith.constant 1 : i32
    %shift_right_arithmetic3A_859 = vector.broadcast %shift_right_arithmetic3A_858 : i32 to vector<16xi32>
    %shift_right_arithmetic3A_860 = arith.shrsi %select_n3A_844, %shift_right_arithmetic3A_859 : vector<16xi32>
    %add3A_861 = arith.addi %shift_left3A_857, %shift_right_arithmetic3A_860 : vector<16xi32>
    %jit3A_862 = arith.constant 0 : i32
    %broadcast_in_dim3A_863 = vector.broadcast %jit3A_862 : i32 to vector<16xi32>
    %select_n3A_864 = arith.select %ne3A_854, %add3A_861, %broadcast_in_dim3A_863 : vector<16xi1>, vector<16xi32>
    %swap3A_865 = arith.constant 1 : i32
    %swap3A_866 = arith.index_cast %swap3A_865 : i32 to index
    %swap3A_867 = arith.constant 80 : index
    %swap3A_868 = tpu.vector_load %arg6[%swap3A_866, %swap3A_867] {strides = array<i32>} : memref<4x128xi32, #tpu.memory_space<vmem>>, vector<1x16xi32>,
    %swap3A_869 = vector.shape_cast %swap3A_868 : vector<1x16xi32> to vector<16xi32>
    %swap3A_870 = vector.shape_cast %select_n3A_864 : vector<16xi32> to vector<1x16xi32>
    tpu.vector_store %arg6[%swap3A_866, %swap3A_867], %swap3A_870 {strides = array<i32>} : memref<4x128xi32, #tpu.memory_space<vmem>>, vector<1x16xi32>,
    %and3A_871 = arith.constant 1 : i32
    %and3A_872 = vector.broadcast %and3A_871 : i32 to vector<16xi32>
    %and3A_873 = arith.andi %select_n3A_844, %and3A_872 : vector<16xi32>
    %swap3A_874 = arith.constant 1 : i32
    %swap3A_875 = arith.index_cast %swap3A_874 : i32 to index
    %swap3A_876 = arith.constant 80 : index
    %swap3A_877 = tpu.vector_load %arg7[%swap3A_875, %swap3A_876] {strides = array<i32>} : memref<4x128xi32, #tpu.memory_space<vmem>>, vector<1x16xi32>,
    %swap3A_878 = vector.shape_cast %swap3A_877 : vector<1x16xi32> to vector<16xi32>
    %swap3A_879 = vector.shape_cast %and3A_873 : vector<16xi32> to vector<1x16xi32>
    tpu.vector_store %arg7[%swap3A_875, %swap3A_876], %swap3A_879 {strides = array<i32>} : memref<4x128xi32, #tpu.memory_space<vmem>>, vector<1x16xi32>,
    %get3A_880 = arith.constant 224 : index
    %get3A_881 = tpu.vector_load %arg5[%get3A_880] {strides = array<i32>} : memref<528xi32, #tpu.memory_space<vmem>>, vector<16xi32>,
    %get3A_882 = vector.shape_cast %get3A_881 : vector<16xi32> to vector<16xi32>
    %get3A_883 = arith.constant 240 : index
    %get3A_884 = tpu.vector_load %arg5[%get3A_883] {strides = array<i32>} : memref<528xi32, #tpu.memory_space<vmem>>, vector<16xi32>,
    %get3A_885 = vector.shape_cast %get3A_884 : vector<16xi32> to vector<16xi32>
    %lt3A_886 = arith.constant 0 : i32
    %lt3A_887 = vector.broadcast %lt3A_886 : i32 to vector<16xi32>
    %lt3A_888 = arith.cmpi slt, %broadcast_in_dim3A_16, %lt3A_887 : vector<16xi32>
    %add3A_889 = arith.constant 16 : i32
    %add3A_890 = vector.broadcast %add3A_889 : i32 to vector<16xi32>
    %add3A_891 = arith.addi %broadcast_in_dim3A_16, %add3A_890 : vector<16xi32>
    %select_n3A_892 = arith.select %lt3A_888, %add3A_891, %broadcast_in_dim3A_16 : vector<16xi1>, vector<16xi32>
    %broadcast_in_dim3A_893 = vector.shape_cast %select_n3A_892 : vector<16xi32> to vector<16x1xi32>
    %gather3A_894 = vector.shape_cast %broadcast_in_dim3A_893 : vector<16x1xi32> to vector<16xi32>
    %gather3A_895 = tpu.dynamic_gather %get3A_885[%gather3A_894] in [0] : vector<16xi32>, vector<16xi32> -> vector<16xi32>
    %lt3A_896 = arith.constant 0 : i32
    %lt3A_897 = vector.broadcast %lt3A_896 : i32 to vector<16xi32>
    %lt3A_898 = arith.cmpi slt, %select_n3A, %lt3A_897 : vector<16xi32>
    %add3A_899 = arith.constant 16 : i32
    %add3A_900 = vector.broadcast %add3A_899 : i32 to vector<16xi32>
    %add3A_901 = arith.addi %select_n3A, %add3A_900 : vector<16xi32>
    %select_n3A_902 = arith.select %lt3A_898, %add3A_901, %select_n3A : vector<16xi1>, vector<16xi32>
    %broadcast_in_dim3A_903 = vector.shape_cast %select_n3A_902 : vector<16xi32> to vector<16x1xi32>
    %gather3A_904 = vector.shape_cast %broadcast_in_dim3A_903 : vector<16x1xi32> to vector<16xi32>
    %gather3A_905 = tpu.dynamic_gather %get3A_882[%gather3A_904] in [0] : vector<16xi32>, vector<16xi32> -> vector<16xi32>
    %select_n3A_906 = arith.select %eq3A_19, %gather3A_895, %gather3A_905 : vector<16xi1>, vector<16xi32>
    %add3A_907 = arith.constant 224 : i32
    %add3A_908 = arith.addi %mul3A_2, %add3A_907 : i32
    %add3A_909 = vector.broadcast %add3A_908 : i32 to vector<16xi32>
    %add3A_910 = arith.addi %add3A_909, %iota3A : vector<16xi32>
    %rem3A_911 = arith.constant 2048 : i32
    %rem3A_912 = vector.broadcast %rem3A_911 : i32 to vector<16xi32>
    %rem3A_913 = arith.remsi %add3A_910, %rem3A_912 : vector<16xi32>
    %ne3A_914 = arith.constant 2047 : i32
    %ne3A_915 = vector.broadcast %ne3A_914 : i32 to vector<16xi32>
    %ne3A_916 = arith.cmpi ne, %rem3A_913, %ne3A_915 : vector<16xi32>
    %shift_left3A_917 = arith.constant 9 : i32
    %shift_left3A_918 = vector.broadcast %shift_left3A_917 : i32 to vector<16xi32>
    %shift_left3A_919 = arith.shli %get3A_882, %shift_left3A_918 : vector<16xi32>
    %shift_right_arithmetic3A_920 = arith.constant 1 : i32
    %shift_right_arithmetic3A_921 = vector.broadcast %shift_right_arithmetic3A_920 : i32 to vector<16xi32>
    %shift_right_arithmetic3A_922 = arith.shrsi %select_n3A_906, %shift_right_arithmetic3A_921 : vector<16xi32>
    %add3A_923 = arith.addi %shift_left3A_919, %shift_right_arithmetic3A_922 : vector<16xi32>
    %jit3A_924 = arith.constant 0 : i32
    %broadcast_in_dim3A_925 = vector.broadcast %jit3A_924 : i32 to vector<16xi32>
    %select_n3A_926 = arith.select %ne3A_916, %add3A_923, %broadcast_in_dim3A_925 : vector<16xi1>, vector<16xi32>
    %swap3A_927 = arith.constant 1 : i32
    %swap3A_928 = arith.index_cast %swap3A_927 : i32 to index
    %swap3A_929 = arith.constant 96 : index
    %swap3A_930 = tpu.vector_load %arg6[%swap3A_928, %swap3A_929] {strides = array<i32>} : memref<4x128xi32, #tpu.memory_space<vmem>>, vector<1x16xi32>,
    %swap3A_931 = vector.shape_cast %swap3A_930 : vector<1x16xi32> to vector<16xi32>
    %swap3A_932 = vector.shape_cast %select_n3A_926 : vector<16xi32> to vector<1x16xi32>
    tpu.vector_store %arg6[%swap3A_928, %swap3A_929], %swap3A_932 {strides = array<i32>} : memref<4x128xi32, #tpu.memory_space<vmem>>, vector<1x16xi32>,
    %and3A_933 = arith.constant 1 : i32
    %and3A_934 = vector.broadcast %and3A_933 : i32 to vector<16xi32>
    %and3A_935 = arith.andi %select_n3A_906, %and3A_934 : vector<16xi32>
    %swap3A_936 = arith.constant 1 : i32
    %swap3A_937 = arith.index_cast %swap3A_936 : i32 to index
    %swap3A_938 = arith.constant 96 : index
    %swap3A_939 = tpu.vector_load %arg7[%swap3A_937, %swap3A_938] {strides = array<i32>} : memref<4x128xi32, #tpu.memory_space<vmem>>, vector<1x16xi32>,
    %swap3A_940 = vector.shape_cast %swap3A_939 : vector<1x16xi32> to vector<16xi32>
    %swap3A_941 = vector.shape_cast %and3A_935 : vector<16xi32> to vector<1x16xi32>
    tpu.vector_store %arg7[%swap3A_937, %swap3A_938], %swap3A_941 {strides = array<i32>} : memref<4x128xi32, #tpu.memory_space<vmem>>, vector<1x16xi32>,
    %get3A_942 = arith.constant 240 : index
    %get3A_943 = tpu.vector_load %arg5[%get3A_942] {strides = array<i32>} : memref<528xi32, #tpu.memory_space<vmem>>, vector<16xi32>,
    %get3A_944 = vector.shape_cast %get3A_943 : vector<16xi32> to vector<16xi32>
    %get3A_945 = arith.constant 256 : index
    %get3A_946 = tpu.vector_load %arg5[%get3A_945] {strides = array<i32>} : memref<528xi32, #tpu.memory_space<vmem>>, vector<16xi32>,
    %get3A_947 = vector.shape_cast %get3A_946 : vector<16xi32> to vector<16xi32>
    %lt3A_948 = arith.constant 0 : i32
    %lt3A_949 = vector.broadcast %lt3A_948 : i32 to vector<16xi32>
    %lt3A_950 = arith.cmpi slt, %broadcast_in_dim3A_16, %lt3A_949 : vector<16xi32>
    %add3A_951 = arith.constant 16 : i32
    %add3A_952 = vector.broadcast %add3A_951 : i32 to vector<16xi32>
    %add3A_953 = arith.addi %broadcast_in_dim3A_16, %add3A_952 : vector<16xi32>
    %select_n3A_954 = arith.select %lt3A_950, %add3A_953, %broadcast_in_dim3A_16 : vector<16xi1>, vector<16xi32>
    %broadcast_in_dim3A_955 = vector.shape_cast %select_n3A_954 : vector<16xi32> to vector<16x1xi32>
    %gather3A_956 = vector.shape_cast %broadcast_in_dim3A_955 : vector<16x1xi32> to vector<16xi32>
    %gather3A_957 = tpu.dynamic_gather %get3A_947[%gather3A_956] in [0] : vector<16xi32>, vector<16xi32> -> vector<16xi32>
    %lt3A_958 = arith.constant 0 : i32
    %lt3A_959 = vector.broadcast %lt3A_958 : i32 to vector<16xi32>
    %lt3A_960 = arith.cmpi slt, %select_n3A, %lt3A_959 : vector<16xi32>
    %add3A_961 = arith.constant 16 : i32
    %add3A_962 = vector.broadcast %add3A_961 : i32 to vector<16xi32>
    %add3A_963 = arith.addi %select_n3A, %add3A_962 : vector<16xi32>
    %select_n3A_964 = arith.select %lt3A_960, %add3A_963, %select_n3A : vector<16xi1>, vector<16xi32>
    %broadcast_in_dim3A_965 = vector.shape_cast %select_n3A_964 : vector<16xi32> to vector<16x1xi32>
    %gather3A_966 = vector.shape_cast %broadcast_in_dim3A_965 : vector<16x1xi32> to vector<16xi32>
    %gather3A_967 = tpu.dynamic_gather %get3A_944[%gather3A_966] in [0] : vector<16xi32>, vector<16xi32> -> vector<16xi32>
    %select_n3A_968 = arith.select %eq3A_19, %gather3A_957, %gather3A_967 : vector<16xi1>, vector<16xi32>
    %add3A_969 = arith.constant 240 : i32
    %add3A_970 = arith.addi %mul3A_2, %add3A_969 : i32
    %add3A_971 = vector.broadcast %add3A_970 : i32 to vector<16xi32>
    %add3A_972 = arith.addi %add3A_971, %iota3A : vector<16xi32>
    %rem3A_973 = arith.constant 2048 : i32
    %rem3A_974 = vector.broadcast %rem3A_973 : i32 to vector<16xi32>
    %rem3A_975 = arith.remsi %add3A_972, %rem3A_974 : vector<16xi32>
    %ne3A_976 = arith.constant 2047 : i32
    %ne3A_977 = vector.broadcast %ne3A_976 : i32 to vector<16xi32>
    %ne3A_978 = arith.cmpi ne, %rem3A_975, %ne3A_977 : vector<16xi32>
    %shift_left3A_979 = arith.constant 9 : i32
    %shift_left3A_980 = vector.broadcast %shift_left3A_979 : i32 to vector<16xi32>
    %shift_left3A_981 = arith.shli %get3A_944, %shift_left3A_980 : vector<16xi32>
    %shift_right_arithmetic3A_982 = arith.constant 1 : i32
    %shift_right_arithmetic3A_983 = vector.broadcast %shift_right_arithmetic3A_982 : i32 to vector<16xi32>
    %shift_right_arithmetic3A_984 = arith.shrsi %select_n3A_968, %shift_right_arithmetic3A_983 : vector<16xi32>
    %add3A_985 = arith.addi %shift_left3A_981, %shift_right_arithmetic3A_984 : vector<16xi32>
    %jit3A_986 = arith.constant 0 : i32
    %broadcast_in_dim3A_987 = vector.broadcast %jit3A_986 : i32 to vector<16xi32>
    %select_n3A_988 = arith.select %ne3A_978, %add3A_985, %broadcast_in_dim3A_987 : vector<16xi1>, vector<16xi32>
    %swap3A_989 = arith.constant 1 : i32
    %swap3A_990 = arith.index_cast %swap3A_989 : i32 to index
    %swap3A_991 = arith.constant 112 : index
    %swap3A_992 = tpu.vector_load %arg6[%swap3A_990, %swap3A_991] {strides = array<i32>} : memref<4x128xi32, #tpu.memory_space<vmem>>, vector<1x16xi32>,
    %swap3A_993 = vector.shape_cast %swap3A_992 : vector<1x16xi32> to vector<16xi32>
    %swap3A_994 = vector.shape_cast %select_n3A_988 : vector<16xi32> to vector<1x16xi32>
    tpu.vector_store %arg6[%swap3A_990, %swap3A_991], %swap3A_994 {strides = array<i32>} : memref<4x128xi32, #tpu.memory_space<vmem>>, vector<1x16xi32>,
    %and3A_995 = arith.constant 1 : i32
    %and3A_996 = vector.broadcast %and3A_995 : i32 to vector<16xi32>
    %and3A_997 = arith.andi %select_n3A_968, %and3A_996 : vector<16xi32>
    %swap3A_998 = arith.constant 1 : i32
    %swap3A_999 = arith.index_cast %swap3A_998 : i32 to index
    %swap3A_1000 = arith.constant 112 : index
    %swap3A_1001 = tpu.vector_load %arg7[%swap3A_999, %swap3A_1000] {strides = array<i32>} : memref<4x128xi32, #tpu.memory_space<vmem>>, vector<1x16xi32>,
    %swap3A_1002 = vector.shape_cast %swap3A_1001 : vector<1x16xi32> to vector<16xi32>
    %swap3A_1003 = vector.shape_cast %and3A_997 : vector<16xi32> to vector<1x16xi32>
    tpu.vector_store %arg7[%swap3A_999, %swap3A_1000], %swap3A_1003 {strides = array<i32>} : memref<4x128xi32, #tpu.memory_space<vmem>>, vector<1x16xi32>,
    %get3A_1004 = arith.constant 256 : index
    %get3A_1005 = tpu.vector_load %arg5[%get3A_1004] {strides = array<i32>} : memref<528xi32, #tpu.memory_space<vmem>>, vector<16xi32>,
    %get3A_1006 = vector.shape_cast %get3A_1005 : vector<16xi32> to vector<16xi32>
    %get3A_1007 = arith.constant 272 : index
    %get3A_1008 = tpu.vector_load %arg5[%get3A_1007] {strides = array<i32>} : memref<528xi32, #tpu.memory_space<vmem>>, vector<16xi32>,
    %get3A_1009 = vector.shape_cast %get3A_1008 : vector<16xi32> to vector<16xi32>
    %lt3A_1010 = arith.constant 0 : i32
    %lt3A_1011 = vector.broadcast %lt3A_1010 : i32 to vector<16xi32>
    %lt3A_1012 = arith.cmpi slt, %broadcast_in_dim3A_16, %lt3A_1011 : vector<16xi32>
    %add3A_1013 = arith.constant 16 : i32
    %add3A_1014 = vector.broadcast %add3A_1013 : i32 to vector<16xi32>
    %add3A_1015 = arith.addi %broadcast_in_dim3A_16, %add3A_1014 : vector<16xi32>
    %select_n3A_1016 = arith.select %lt3A_1012, %add3A_1015, %broadcast_in_dim3A_16 : vector<16xi1>, vector<16xi32>
    %broadcast_in_dim3A_1017 = vector.shape_cast %select_n3A_1016 : vector<16xi32> to vector<16x1xi32>
    %gather3A_1018 = vector.shape_cast %broadcast_in_dim3A_1017 : vector<16x1xi32> to vector<16xi32>
    %gather3A_1019 = tpu.dynamic_gather %get3A_1009[%gather3A_1018] in [0] : vector<16xi32>, vector<16xi32> -> vector<16xi32>
    %lt3A_1020 = arith.constant 0 : i32
    %lt3A_1021 = vector.broadcast %lt3A_1020 : i32 to vector<16xi32>
    %lt3A_1022 = arith.cmpi slt, %select_n3A, %lt3A_1021 : vector<16xi32>
    %add3A_1023 = arith.constant 16 : i32
    %add3A_1024 = vector.broadcast %add3A_1023 : i32 to vector<16xi32>
    %add3A_1025 = arith.addi %select_n3A, %add3A_1024 : vector<16xi32>
    %select_n3A_1026 = arith.select %lt3A_1022, %add3A_1025, %select_n3A : vector<16xi1>, vector<16xi32>
    %broadcast_in_dim3A_1027 = vector.shape_cast %select_n3A_1026 : vector<16xi32> to vector<16x1xi32>
    %gather3A_1028 = vector.shape_cast %broadcast_in_dim3A_1027 : vector<16x1xi32> to vector<16xi32>
    %gather3A_1029 = tpu.dynamic_gather %get3A_1006[%gather3A_1028] in [0] : vector<16xi32>, vector<16xi32> -> vector<16xi32>
    %select_n3A_1030 = arith.select %eq3A_19, %gather3A_1019, %gather3A_1029 : vector<16xi1>, vector<16xi32>
    %add3A_1031 = arith.constant 256 : i32
    %add3A_1032 = arith.addi %mul3A_2, %add3A_1031 : i32
    %add3A_1033 = vector.broadcast %add3A_1032 : i32 to vector<16xi32>
    %add3A_1034 = arith.addi %add3A_1033, %iota3A : vector<16xi32>
    %rem3A_1035 = arith.constant 2048 : i32
    %rem3A_1036 = vector.broadcast %rem3A_1035 : i32 to vector<16xi32>
    %rem3A_1037 = arith.remsi %add3A_1034, %rem3A_1036 : vector<16xi32>
    %ne3A_1038 = arith.constant 2047 : i32
    %ne3A_1039 = vector.broadcast %ne3A_1038 : i32 to vector<16xi32>
    %ne3A_1040 = arith.cmpi ne, %rem3A_1037, %ne3A_1039 : vector<16xi32>
    %shift_left3A_1041 = arith.constant 9 : i32
    %shift_left3A_1042 = vector.broadcast %shift_left3A_1041 : i32 to vector<16xi32>
    %shift_left3A_1043 = arith.shli %get3A_1006, %shift_left3A_1042 : vector<16xi32>
    %shift_right_arithmetic3A_1044 = arith.constant 1 : i32
    %shift_right_arithmetic3A_1045 = vector.broadcast %shift_right_arithmetic3A_1044 : i32 to vector<16xi32>
    %shift_right_arithmetic3A_1046 = arith.shrsi %select_n3A_1030, %shift_right_arithmetic3A_1045 : vector<16xi32>
    %add3A_1047 = arith.addi %shift_left3A_1043, %shift_right_arithmetic3A_1046 : vector<16xi32>
    %jit3A_1048 = arith.constant 0 : i32
    %broadcast_in_dim3A_1049 = vector.broadcast %jit3A_1048 : i32 to vector<16xi32>
    %select_n3A_1050 = arith.select %ne3A_1040, %add3A_1047, %broadcast_in_dim3A_1049 : vector<16xi1>, vector<16xi32>
    %swap3A_1051 = arith.constant 2 : i32
    %swap3A_1052 = arith.index_cast %swap3A_1051 : i32 to index
    %swap3A_1053 = arith.constant 0 : index
    %swap3A_1054 = tpu.vector_load %arg6[%swap3A_1052, %swap3A_1053] {strides = array<i32>} : memref<4x128xi32, #tpu.memory_space<vmem>>, vector<1x16xi32>,
    %swap3A_1055 = vector.shape_cast %swap3A_1054 : vector<1x16xi32> to vector<16xi32>
    %swap3A_1056 = vector.shape_cast %select_n3A_1050 : vector<16xi32> to vector<1x16xi32>
    tpu.vector_store %arg6[%swap3A_1052, %swap3A_1053], %swap3A_1056 {strides = array<i32>} : memref<4x128xi32, #tpu.memory_space<vmem>>, vector<1x16xi32>,
    %and3A_1057 = arith.constant 1 : i32
    %and3A_1058 = vector.broadcast %and3A_1057 : i32 to vector<16xi32>
    %and3A_1059 = arith.andi %select_n3A_1030, %and3A_1058 : vector<16xi32>
    %swap3A_1060 = arith.constant 2 : i32
    %swap3A_1061 = arith.index_cast %swap3A_1060 : i32 to index
    %swap3A_1062 = arith.constant 0 : index
    %swap3A_1063 = tpu.vector_load %arg7[%swap3A_1061, %swap3A_1062] {strides = array<i32>} : memref<4x128xi32, #tpu.memory_space<vmem>>, vector<1x16xi32>,
    %swap3A_1064 = vector.shape_cast %swap3A_1063 : vector<1x16xi32> to vector<16xi32>
    %swap3A_1065 = vector.shape_cast %and3A_1059 : vector<16xi32> to vector<1x16xi32>
    tpu.vector_store %arg7[%swap3A_1061, %swap3A_1062], %swap3A_1065 {strides = array<i32>} : memref<4x128xi32, #tpu.memory_space<vmem>>, vector<1x16xi32>,
    %get3A_1066 = arith.constant 272 : index
    %get3A_1067 = tpu.vector_load %arg5[%get3A_1066] {strides = array<i32>} : memref<528xi32, #tpu.memory_space<vmem>>, vector<16xi32>,
    %get3A_1068 = vector.shape_cast %get3A_1067 : vector<16xi32> to vector<16xi32>
    %get3A_1069 = arith.constant 288 : index
    %get3A_1070 = tpu.vector_load %arg5[%get3A_1069] {strides = array<i32>} : memref<528xi32, #tpu.memory_space<vmem>>, vector<16xi32>,
    %get3A_1071 = vector.shape_cast %get3A_1070 : vector<16xi32> to vector<16xi32>
    %lt3A_1072 = arith.constant 0 : i32
    %lt3A_1073 = vector.broadcast %lt3A_1072 : i32 to vector<16xi32>
    %lt3A_1074 = arith.cmpi slt, %broadcast_in_dim3A_16, %lt3A_1073 : vector<16xi32>
    %add3A_1075 = arith.constant 16 : i32
    %add3A_1076 = vector.broadcast %add3A_1075 : i32 to vector<16xi32>
    %add3A_1077 = arith.addi %broadcast_in_dim3A_16, %add3A_1076 : vector<16xi32>
    %select_n3A_1078 = arith.select %lt3A_1074, %add3A_1077, %broadcast_in_dim3A_16 : vector<16xi1>, vector<16xi32>
    %broadcast_in_dim3A_1079 = vector.shape_cast %select_n3A_1078 : vector<16xi32> to vector<16x1xi32>
    %gather3A_1080 = vector.shape_cast %broadcast_in_dim3A_1079 : vector<16x1xi32> to vector<16xi32>
    %gather3A_1081 = tpu.dynamic_gather %get3A_1071[%gather3A_1080] in [0] : vector<16xi32>, vector<16xi32> -> vector<16xi32>
    %lt3A_1082 = arith.constant 0 : i32
    %lt3A_1083 = vector.broadcast %lt3A_1082 : i32 to vector<16xi32>
    %lt3A_1084 = arith.cmpi slt, %select_n3A, %lt3A_1083 : vector<16xi32>
    %add3A_1085 = arith.constant 16 : i32
    %add3A_1086 = vector.broadcast %add3A_1085 : i32 to vector<16xi32>
    %add3A_1087 = arith.addi %select_n3A, %add3A_1086 : vector<16xi32>
    %select_n3A_1088 = arith.select %lt3A_1084, %add3A_1087, %select_n3A : vector<16xi1>, vector<16xi32>
    %broadcast_in_dim3A_1089 = vector.shape_cast %select_n3A_1088 : vector<16xi32> to vector<16x1xi32>
    %gather3A_1090 = vector.shape_cast %broadcast_in_dim3A_1089 : vector<16x1xi32> to vector<16xi32>
    %gather3A_1091 = tpu.dynamic_gather %get3A_1068[%gather3A_1090] in [0] : vector<16xi32>, vector<16xi32> -> vector<16xi32>
    %select_n3A_1092 = arith.select %eq3A_19, %gather3A_1081, %gather3A_1091 : vector<16xi1>, vector<16xi32>
    %add3A_1093 = arith.constant 272 : i32
    %add3A_1094 = arith.addi %mul3A_2, %add3A_1093 : i32
    %add3A_1095 = vector.broadcast %add3A_1094 : i32 to vector<16xi32>
    %add3A_1096 = arith.addi %add3A_1095, %iota3A : vector<16xi32>
    %rem3A_1097 = arith.constant 2048 : i32
    %rem3A_1098 = vector.broadcast %rem3A_1097 : i32 to vector<16xi32>
    %rem3A_1099 = arith.remsi %add3A_1096, %rem3A_1098 : vector<16xi32>
    %ne3A_1100 = arith.constant 2047 : i32
    %ne3A_1101 = vector.broadcast %ne3A_1100 : i32 to vector<16xi32>
    %ne3A_1102 = arith.cmpi ne, %rem3A_1099, %ne3A_1101 : vector<16xi32>
    %shift_left3A_1103 = arith.constant 9 : i32
    %shift_left3A_1104 = vector.broadcast %shift_left3A_1103 : i32 to vector<16xi32>
    %shift_left3A_1105 = arith.shli %get3A_1068, %shift_left3A_1104 : vector<16xi32>
    %shift_right_arithmetic3A_1106 = arith.constant 1 : i32
    %shift_right_arithmetic3A_1107 = vector.broadcast %shift_right_arithmetic3A_1106 : i32 to vector<16xi32>
    %shift_right_arithmetic3A_1108 = arith.shrsi %select_n3A_1092, %shift_right_arithmetic3A_1107 : vector<16xi32>
    %add3A_1109 = arith.addi %shift_left3A_1105, %shift_right_arithmetic3A_1108 : vector<16xi32>
    %jit3A_1110 = arith.constant 0 : i32
    %broadcast_in_dim3A_1111 = vector.broadcast %jit3A_1110 : i32 to vector<16xi32>
    %select_n3A_1112 = arith.select %ne3A_1102, %add3A_1109, %broadcast_in_dim3A_1111 : vector<16xi1>, vector<16xi32>
    %swap3A_1113 = arith.constant 2 : i32
    %swap3A_1114 = arith.index_cast %swap3A_1113 : i32 to index
    %swap3A_1115 = arith.constant 16 : index
    %swap3A_1116 = tpu.vector_load %arg6[%swap3A_1114, %swap3A_1115] {strides = array<i32>} : memref<4x128xi32, #tpu.memory_space<vmem>>, vector<1x16xi32>,
    %swap3A_1117 = vector.shape_cast %swap3A_1116 : vector<1x16xi32> to vector<16xi32>
    %swap3A_1118 = vector.shape_cast %select_n3A_1112 : vector<16xi32> to vector<1x16xi32>
    tpu.vector_store %arg6[%swap3A_1114, %swap3A_1115], %swap3A_1118 {strides = array<i32>} : memref<4x128xi32, #tpu.memory_space<vmem>>, vector<1x16xi32>,
    %and3A_1119 = arith.constant 1 : i32
    %and3A_1120 = vector.broadcast %and3A_1119 : i32 to vector<16xi32>
    %and3A_1121 = arith.andi %select_n3A_1092, %and3A_1120 : vector<16xi32>
    %swap3A_1122 = arith.constant 2 : i32
    %swap3A_1123 = arith.index_cast %swap3A_1122 : i32 to index
    %swap3A_1124 = arith.constant 16 : index
    %swap3A_1125 = tpu.vector_load %arg7[%swap3A_1123, %swap3A_1124] {strides = array<i32>} : memref<4x128xi32, #tpu.memory_space<vmem>>, vector<1x16xi32>,
    %swap3A_1126 = vector.shape_cast %swap3A_1125 : vector<1x16xi32> to vector<16xi32>
    %swap3A_1127 = vector.shape_cast %and3A_1121 : vector<16xi32> to vector<1x16xi32>
    tpu.vector_store %arg7[%swap3A_1123, %swap3A_1124], %swap3A_1127 {strides = array<i32>} : memref<4x128xi32, #tpu.memory_space<vmem>>, vector<1x16xi32>,
    %get3A_1128 = arith.constant 288 : index
    %get3A_1129 = tpu.vector_load %arg5[%get3A_1128] {strides = array<i32>} : memref<528xi32, #tpu.memory_space<vmem>>, vector<16xi32>,
    %get3A_1130 = vector.shape_cast %get3A_1129 : vector<16xi32> to vector<16xi32>
    %get3A_1131 = arith.constant 304 : index
    %get3A_1132 = tpu.vector_load %arg5[%get3A_1131] {strides = array<i32>} : memref<528xi32, #tpu.memory_space<vmem>>, vector<16xi32>,
    %get3A_1133 = vector.shape_cast %get3A_1132 : vector<16xi32> to vector<16xi32>
    %lt3A_1134 = arith.constant 0 : i32
    %lt3A_1135 = vector.broadcast %lt3A_1134 : i32 to vector<16xi32>
    %lt3A_1136 = arith.cmpi slt, %broadcast_in_dim3A_16, %lt3A_1135 : vector<16xi32>
    %add3A_1137 = arith.constant 16 : i32
    %add3A_1138 = vector.broadcast %add3A_1137 : i32 to vector<16xi32>
    %add3A_1139 = arith.addi %broadcast_in_dim3A_16, %add3A_1138 : vector<16xi32>
    %select_n3A_1140 = arith.select %lt3A_1136, %add3A_1139, %broadcast_in_dim3A_16 : vector<16xi1>, vector<16xi32>
    %broadcast_in_dim3A_1141 = vector.shape_cast %select_n3A_1140 : vector<16xi32> to vector<16x1xi32>
    %gather3A_1142 = vector.shape_cast %broadcast_in_dim3A_1141 : vector<16x1xi32> to vector<16xi32>
    %gather3A_1143 = tpu.dynamic_gather %get3A_1133[%gather3A_1142] in [0] : vector<16xi32>, vector<16xi32> -> vector<16xi32>
    %lt3A_1144 = arith.constant 0 : i32
    %lt3A_1145 = vector.broadcast %lt3A_1144 : i32 to vector<16xi32>
    %lt3A_1146 = arith.cmpi slt, %select_n3A, %lt3A_1145 : vector<16xi32>
    %add3A_1147 = arith.constant 16 : i32
    %add3A_1148 = vector.broadcast %add3A_1147 : i32 to vector<16xi32>
    %add3A_1149 = arith.addi %select_n3A, %add3A_1148 : vector<16xi32>
    %select_n3A_1150 = arith.select %lt3A_1146, %add3A_1149, %select_n3A : vector<16xi1>, vector<16xi32>
    %broadcast_in_dim3A_1151 = vector.shape_cast %select_n3A_1150 : vector<16xi32> to vector<16x1xi32>
    %gather3A_1152 = vector.shape_cast %broadcast_in_dim3A_1151 : vector<16x1xi32> to vector<16xi32>
    %gather3A_1153 = tpu.dynamic_gather %get3A_1130[%gather3A_1152] in [0] : vector<16xi32>, vector<16xi32> -> vector<16xi32>
    %select_n3A_1154 = arith.select %eq3A_19, %gather3A_1143, %gather3A_1153 : vector<16xi1>, vector<16xi32>
    %add3A_1155 = arith.constant 288 : i32
    %add3A_1156 = arith.addi %mul3A_2, %add3A_1155 : i32
    %add3A_1157 = vector.broadcast %add3A_1156 : i32 to vector<16xi32>
    %add3A_1158 = arith.addi %add3A_1157, %iota3A : vector<16xi32>
    %rem3A_1159 = arith.constant 2048 : i32
    %rem3A_1160 = vector.broadcast %rem3A_1159 : i32 to vector<16xi32>
    %rem3A_1161 = arith.remsi %add3A_1158, %rem3A_1160 : vector<16xi32>
    %ne3A_1162 = arith.constant 2047 : i32
    %ne3A_1163 = vector.broadcast %ne3A_1162 : i32 to vector<16xi32>
    %ne3A_1164 = arith.cmpi ne, %rem3A_1161, %ne3A_1163 : vector<16xi32>
    %shift_left3A_1165 = arith.constant 9 : i32
    %shift_left3A_1166 = vector.broadcast %shift_left3A_1165 : i32 to vector<16xi32>
    %shift_left3A_1167 = arith.shli %get3A_1130, %shift_left3A_1166 : vector<16xi32>
    %shift_right_arithmetic3A_1168 = arith.constant 1 : i32
    %shift_right_arithmetic3A_1169 = vector.broadcast %shift_right_arithmetic3A_1168 : i32 to vector<16xi32>
    %shift_right_arithmetic3A_1170 = arith.shrsi %select_n3A_1154, %shift_right_arithmetic3A_1169 : vector<16xi32>
    %add3A_1171 = arith.addi %shift_left3A_1167, %shift_right_arithmetic3A_1170 : vector<16xi32>
    %jit3A_1172 = arith.constant 0 : i32
    %broadcast_in_dim3A_1173 = vector.broadcast %jit3A_1172 : i32 to vector<16xi32>
    %select_n3A_1174 = arith.select %ne3A_1164, %add3A_1171, %broadcast_in_dim3A_1173 : vector<16xi1>, vector<16xi32>
    %swap3A_1175 = arith.constant 2 : i32
    %swap3A_1176 = arith.index_cast %swap3A_1175 : i32 to index
    %swap3A_1177 = arith.constant 32 : index
    %swap3A_1178 = tpu.vector_load %arg6[%swap3A_1176, %swap3A_1177] {strides = array<i32>} : memref<4x128xi32, #tpu.memory_space<vmem>>, vector<1x16xi32>,
    %swap3A_1179 = vector.shape_cast %swap3A_1178 : vector<1x16xi32> to vector<16xi32>
    %swap3A_1180 = vector.shape_cast %select_n3A_1174 : vector<16xi32> to vector<1x16xi32>
    tpu.vector_store %arg6[%swap3A_1176, %swap3A_1177], %swap3A_1180 {strides = array<i32>} : memref<4x128xi32, #tpu.memory_space<vmem>>, vector<1x16xi32>,
    %and3A_1181 = arith.constant 1 : i32
    %and3A_1182 = vector.broadcast %and3A_1181 : i32 to vector<16xi32>
    %and3A_1183 = arith.andi %select_n3A_1154, %and3A_1182 : vector<16xi32>
    %swap3A_1184 = arith.constant 2 : i32
    %swap3A_1185 = arith.index_cast %swap3A_1184 : i32 to index
    %swap3A_1186 = arith.constant 32 : index
    %swap3A_1187 = tpu.vector_load %arg7[%swap3A_1185, %swap3A_1186] {strides = array<i32>} : memref<4x128xi32, #tpu.memory_space<vmem>>, vector<1x16xi32>,
    %swap3A_1188 = vector.shape_cast %swap3A_1187 : vector<1x16xi32> to vector<16xi32>
    %swap3A_1189 = vector.shape_cast %and3A_1183 : vector<16xi32> to vector<1x16xi32>
    tpu.vector_store %arg7[%swap3A_1185, %swap3A_1186], %swap3A_1189 {strides = array<i32>} : memref<4x128xi32, #tpu.memory_space<vmem>>, vector<1x16xi32>,
    %get3A_1190 = arith.constant 304 : index
    %get3A_1191 = tpu.vector_load %arg5[%get3A_1190] {strides = array<i32>} : memref<528xi32, #tpu.memory_space<vmem>>, vector<16xi32>,
    %get3A_1192 = vector.shape_cast %get3A_1191 : vector<16xi32> to vector<16xi32>
    %get3A_1193 = arith.constant 320 : index
    %get3A_1194 = tpu.vector_load %arg5[%get3A_1193] {strides = array<i32>} : memref<528xi32, #tpu.memory_space<vmem>>, vector<16xi32>,
    %get3A_1195 = vector.shape_cast %get3A_1194 : vector<16xi32> to vector<16xi32>
    %lt3A_1196 = arith.constant 0 : i32
    %lt3A_1197 = vector.broadcast %lt3A_1196 : i32 to vector<16xi32>
    %lt3A_1198 = arith.cmpi slt, %broadcast_in_dim3A_16, %lt3A_1197 : vector<16xi32>
    %add3A_1199 = arith.constant 16 : i32
    %add3A_1200 = vector.broadcast %add3A_1199 : i32 to vector<16xi32>
    %add3A_1201 = arith.addi %broadcast_in_dim3A_16, %add3A_1200 : vector<16xi32>
    %select_n3A_1202 = arith.select %lt3A_1198, %add3A_1201, %broadcast_in_dim3A_16 : vector<16xi1>, vector<16xi32>
    %broadcast_in_dim3A_1203 = vector.shape_cast %select_n3A_1202 : vector<16xi32> to vector<16x1xi32>
    %gather3A_1204 = vector.shape_cast %broadcast_in_dim3A_1203 : vector<16x1xi32> to vector<16xi32>
    %gather3A_1205 = tpu.dynamic_gather %get3A_1195[%gather3A_1204] in [0] : vector<16xi32>, vector<16xi32> -> vector<16xi32>
    %lt3A_1206 = arith.constant 0 : i32
    %lt3A_1207 = vector.broadcast %lt3A_1206 : i32 to vector<16xi32>
    %lt3A_1208 = arith.cmpi slt, %select_n3A, %lt3A_1207 : vector<16xi32>
    %add3A_1209 = arith.constant 16 : i32
    %add3A_1210 = vector.broadcast %add3A_1209 : i32 to vector<16xi32>
    %add3A_1211 = arith.addi %select_n3A, %add3A_1210 : vector<16xi32>
    %select_n3A_1212 = arith.select %lt3A_1208, %add3A_1211, %select_n3A : vector<16xi1>, vector<16xi32>
    %broadcast_in_dim3A_1213 = vector.shape_cast %select_n3A_1212 : vector<16xi32> to vector<16x1xi32>
    %gather3A_1214 = vector.shape_cast %broadcast_in_dim3A_1213 : vector<16x1xi32> to vector<16xi32>
    %gather3A_1215 = tpu.dynamic_gather %get3A_1192[%gather3A_1214] in [0] : vector<16xi32>, vector<16xi32> -> vector<16xi32>
    %select_n3A_1216 = arith.select %eq3A_19, %gather3A_1205, %gather3A_1215 : vector<16xi1>, vector<16xi32>
    %add3A_1217 = arith.constant 304 : i32
    %add3A_1218 = arith.addi %mul3A_2, %add3A_1217 : i32
    %add3A_1219 = vector.broadcast %add3A_1218 : i32 to vector<16xi32>
    %add3A_1220 = arith.addi %add3A_1219, %iota3A : vector<16xi32>
    %rem3A_1221 = arith.constant 2048 : i32
    %rem3A_1222 = vector.broadcast %rem3A_1221 : i32 to vector<16xi32>
    %rem3A_1223 = arith.remsi %add3A_1220, %rem3A_1222 : vector<16xi32>
    %ne3A_1224 = arith.constant 2047 : i32
    %ne3A_1225 = vector.broadcast %ne3A_1224 : i32 to vector<16xi32>
    %ne3A_1226 = arith.cmpi ne, %rem3A_1223, %ne3A_1225 : vector<16xi32>
    %shift_left3A_1227 = arith.constant 9 : i32
    %shift_left3A_1228 = vector.broadcast %shift_left3A_1227 : i32 to vector<16xi32>
    %shift_left3A_1229 = arith.shli %get3A_1192, %shift_left3A_1228 : vector<16xi32>
    %shift_right_arithmetic3A_1230 = arith.constant 1 : i32
    %shift_right_arithmetic3A_1231 = vector.broadcast %shift_right_arithmetic3A_1230 : i32 to vector<16xi32>
    %shift_right_arithmetic3A_1232 = arith.shrsi %select_n3A_1216, %shift_right_arithmetic3A_1231 : vector<16xi32>
    %add3A_1233 = arith.addi %shift_left3A_1229, %shift_right_arithmetic3A_1232 : vector<16xi32>
    %jit3A_1234 = arith.constant 0 : i32
    %broadcast_in_dim3A_1235 = vector.broadcast %jit3A_1234 : i32 to vector<16xi32>
    %select_n3A_1236 = arith.select %ne3A_1226, %add3A_1233, %broadcast_in_dim3A_1235 : vector<16xi1>, vector<16xi32>
    %swap3A_1237 = arith.constant 2 : i32
    %swap3A_1238 = arith.index_cast %swap3A_1237 : i32 to index
    %swap3A_1239 = arith.constant 48 : index
    %swap3A_1240 = tpu.vector_load %arg6[%swap3A_1238, %swap3A_1239] {strides = array<i32>} : memref<4x128xi32, #tpu.memory_space<vmem>>, vector<1x16xi32>,
    %swap3A_1241 = vector.shape_cast %swap3A_1240 : vector<1x16xi32> to vector<16xi32>
    %swap3A_1242 = vector.shape_cast %select_n3A_1236 : vector<16xi32> to vector<1x16xi32>
    tpu.vector_store %arg6[%swap3A_1238, %swap3A_1239], %swap3A_1242 {strides = array<i32>} : memref<4x128xi32, #tpu.memory_space<vmem>>, vector<1x16xi32>,
    %and3A_1243 = arith.constant 1 : i32
    %and3A_1244 = vector.broadcast %and3A_1243 : i32 to vector<16xi32>
    %and3A_1245 = arith.andi %select_n3A_1216, %and3A_1244 : vector<16xi32>
    %swap3A_1246 = arith.constant 2 : i32
    %swap3A_1247 = arith.index_cast %swap3A_1246 : i32 to index
    %swap3A_1248 = arith.constant 48 : index
    %swap3A_1249 = tpu.vector_load %arg7[%swap3A_1247, %swap3A_1248] {strides = array<i32>} : memref<4x128xi32, #tpu.memory_space<vmem>>, vector<1x16xi32>,
    %swap3A_1250 = vector.shape_cast %swap3A_1249 : vector<1x16xi32> to vector<16xi32>
    %swap3A_1251 = vector.shape_cast %and3A_1245 : vector<16xi32> to vector<1x16xi32>
    tpu.vector_store %arg7[%swap3A_1247, %swap3A_1248], %swap3A_1251 {strides = array<i32>} : memref<4x128xi32, #tpu.memory_space<vmem>>, vector<1x16xi32>,
    %get3A_1252 = arith.constant 320 : index
    %get3A_1253 = tpu.vector_load %arg5[%get3A_1252] {strides = array<i32>} : memref<528xi32, #tpu.memory_space<vmem>>, vector<16xi32>,
    %get3A_1254 = vector.shape_cast %get3A_1253 : vector<16xi32> to vector<16xi32>
    %get3A_1255 = arith.constant 336 : index
    %get3A_1256 = tpu.vector_load %arg5[%get3A_1255] {strides = array<i32>} : memref<528xi32, #tpu.memory_space<vmem>>, vector<16xi32>,
    %get3A_1257 = vector.shape_cast %get3A_1256 : vector<16xi32> to vector<16xi32>
    %lt3A_1258 = arith.constant 0 : i32
    %lt3A_1259 = vector.broadcast %lt3A_1258 : i32 to vector<16xi32>
    %lt3A_1260 = arith.cmpi slt, %broadcast_in_dim3A_16, %lt3A_1259 : vector<16xi32>
    %add3A_1261 = arith.constant 16 : i32
    %add3A_1262 = vector.broadcast %add3A_1261 : i32 to vector<16xi32>
    %add3A_1263 = arith.addi %broadcast_in_dim3A_16, %add3A_1262 : vector<16xi32>
    %select_n3A_1264 = arith.select %lt3A_1260, %add3A_1263, %broadcast_in_dim3A_16 : vector<16xi1>, vector<16xi32>
    %broadcast_in_dim3A_1265 = vector.shape_cast %select_n3A_1264 : vector<16xi32> to vector<16x1xi32>
    %gather3A_1266 = vector.shape_cast %broadcast_in_dim3A_1265 : vector<16x1xi32> to vector<16xi32>
    %gather3A_1267 = tpu.dynamic_gather %get3A_1257[%gather3A_1266] in [0] : vector<16xi32>, vector<16xi32> -> vector<16xi32>
    %lt3A_1268 = arith.constant 0 : i32
    %lt3A_1269 = vector.broadcast %lt3A_1268 : i32 to vector<16xi32>
    %lt3A_1270 = arith.cmpi slt, %select_n3A, %lt3A_1269 : vector<16xi32>
    %add3A_1271 = arith.constant 16 : i32
    %add3A_1272 = vector.broadcast %add3A_1271 : i32 to vector<16xi32>
    %add3A_1273 = arith.addi %select_n3A, %add3A_1272 : vector<16xi32>
    %select_n3A_1274 = arith.select %lt3A_1270, %add3A_1273, %select_n3A : vector<16xi1>, vector<16xi32>
    %broadcast_in_dim3A_1275 = vector.shape_cast %select_n3A_1274 : vector<16xi32> to vector<16x1xi32>
    %gather3A_1276 = vector.shape_cast %broadcast_in_dim3A_1275 : vector<16x1xi32> to vector<16xi32>
    %gather3A_1277 = tpu.dynamic_gather %get3A_1254[%gather3A_1276] in [0] : vector<16xi32>, vector<16xi32> -> vector<16xi32>
    %select_n3A_1278 = arith.select %eq3A_19, %gather3A_1267, %gather3A_1277 : vector<16xi1>, vector<16xi32>
    %add3A_1279 = arith.constant 320 : i32
    %add3A_1280 = arith.addi %mul3A_2, %add3A_1279 : i32
    %add3A_1281 = vector.broadcast %add3A_1280 : i32 to vector<16xi32>
    %add3A_1282 = arith.addi %add3A_1281, %iota3A : vector<16xi32>
    %rem3A_1283 = arith.constant 2048 : i32
    %rem3A_1284 = vector.broadcast %rem3A_1283 : i32 to vector<16xi32>
    %rem3A_1285 = arith.remsi %add3A_1282, %rem3A_1284 : vector<16xi32>
    %ne3A_1286 = arith.constant 2047 : i32
    %ne3A_1287 = vector.broadcast %ne3A_1286 : i32 to vector<16xi32>
    %ne3A_1288 = arith.cmpi ne, %rem3A_1285, %ne3A_1287 : vector<16xi32>
    %shift_left3A_1289 = arith.constant 9 : i32
    %shift_left3A_1290 = vector.broadcast %shift_left3A_1289 : i32 to vector<16xi32>
    %shift_left3A_1291 = arith.shli %get3A_1254, %shift_left3A_1290 : vector<16xi32>
    %shift_right_arithmetic3A_1292 = arith.constant 1 : i32
    %shift_right_arithmetic3A_1293 = vector.broadcast %shift_right_arithmetic3A_1292 : i32 to vector<16xi32>
    %shift_right_arithmetic3A_1294 = arith.shrsi %select_n3A_1278, %shift_right_arithmetic3A_1293 : vector<16xi32>
    %add3A_1295 = arith.addi %shift_left3A_1291, %shift_right_arithmetic3A_1294 : vector<16xi32>
    %jit3A_1296 = arith.constant 0 : i32
    %broadcast_in_dim3A_1297 = vector.broadcast %jit3A_1296 : i32 to vector<16xi32>
    %select_n3A_1298 = arith.select %ne3A_1288, %add3A_1295, %broadcast_in_dim3A_1297 : vector<16xi1>, vector<16xi32>
    %swap3A_1299 = arith.constant 2 : i32
    %swap3A_1300 = arith.index_cast %swap3A_1299 : i32 to index
    %swap3A_1301 = arith.constant 64 : index
    %swap3A_1302 = tpu.vector_load %arg6[%swap3A_1300, %swap3A_1301] {strides = array<i32>} : memref<4x128xi32, #tpu.memory_space<vmem>>, vector<1x16xi32>,
    %swap3A_1303 = vector.shape_cast %swap3A_1302 : vector<1x16xi32> to vector<16xi32>
    %swap3A_1304 = vector.shape_cast %select_n3A_1298 : vector<16xi32> to vector<1x16xi32>
    tpu.vector_store %arg6[%swap3A_1300, %swap3A_1301], %swap3A_1304 {strides = array<i32>} : memref<4x128xi32, #tpu.memory_space<vmem>>, vector<1x16xi32>,
    %and3A_1305 = arith.constant 1 : i32
    %and3A_1306 = vector.broadcast %and3A_1305 : i32 to vector<16xi32>
    %and3A_1307 = arith.andi %select_n3A_1278, %and3A_1306 : vector<16xi32>
    %swap3A_1308 = arith.constant 2 : i32
    %swap3A_1309 = arith.index_cast %swap3A_1308 : i32 to index
    %swap3A_1310 = arith.constant 64 : index
    %swap3A_1311 = tpu.vector_load %arg7[%swap3A_1309, %swap3A_1310] {strides = array<i32>} : memref<4x128xi32, #tpu.memory_space<vmem>>, vector<1x16xi32>,
    %swap3A_1312 = vector.shape_cast %swap3A_1311 : vector<1x16xi32> to vector<16xi32>
    %swap3A_1313 = vector.shape_cast %and3A_1307 : vector<16xi32> to vector<1x16xi32>
    tpu.vector_store %arg7[%swap3A_1309, %swap3A_1310], %swap3A_1313 {strides = array<i32>} : memref<4x128xi32, #tpu.memory_space<vmem>>, vector<1x16xi32>,
    %get3A_1314 = arith.constant 336 : index
    %get3A_1315 = tpu.vector_load %arg5[%get3A_1314] {strides = array<i32>} : memref<528xi32, #tpu.memory_space<vmem>>, vector<16xi32>,
    %get3A_1316 = vector.shape_cast %get3A_1315 : vector<16xi32> to vector<16xi32>
    %get3A_1317 = arith.constant 352 : index
    %get3A_1318 = tpu.vector_load %arg5[%get3A_1317] {strides = array<i32>} : memref<528xi32, #tpu.memory_space<vmem>>, vector<16xi32>,
    %get3A_1319 = vector.shape_cast %get3A_1318 : vector<16xi32> to vector<16xi32>
    %lt3A_1320 = arith.constant 0 : i32
    %lt3A_1321 = vector.broadcast %lt3A_1320 : i32 to vector<16xi32>
    %lt3A_1322 = arith.cmpi slt, %broadcast_in_dim3A_16, %lt3A_1321 : vector<16xi32>
    %add3A_1323 = arith.constant 16 : i32
    %add3A_1324 = vector.broadcast %add3A_1323 : i32 to vector<16xi32>
    %add3A_1325 = arith.addi %broadcast_in_dim3A_16, %add3A_1324 : vector<16xi32>
    %select_n3A_1326 = arith.select %lt3A_1322, %add3A_1325, %broadcast_in_dim3A_16 : vector<16xi1>, vector<16xi32>
    %broadcast_in_dim3A_1327 = vector.shape_cast %select_n3A_1326 : vector<16xi32> to vector<16x1xi32>
    %gather3A_1328 = vector.shape_cast %broadcast_in_dim3A_1327 : vector<16x1xi32> to vector<16xi32>
    %gather3A_1329 = tpu.dynamic_gather %get3A_1319[%gather3A_1328] in [0] : vector<16xi32>, vector<16xi32> -> vector<16xi32>
    %lt3A_1330 = arith.constant 0 : i32
    %lt3A_1331 = vector.broadcast %lt3A_1330 : i32 to vector<16xi32>
    %lt3A_1332 = arith.cmpi slt, %select_n3A, %lt3A_1331 : vector<16xi32>
    %add3A_1333 = arith.constant 16 : i32
    %add3A_1334 = vector.broadcast %add3A_1333 : i32 to vector<16xi32>
    %add3A_1335 = arith.addi %select_n3A, %add3A_1334 : vector<16xi32>
    %select_n3A_1336 = arith.select %lt3A_1332, %add3A_1335, %select_n3A : vector<16xi1>, vector<16xi32>
    %broadcast_in_dim3A_1337 = vector.shape_cast %select_n3A_1336 : vector<16xi32> to vector<16x1xi32>
    %gather3A_1338 = vector.shape_cast %broadcast_in_dim3A_1337 : vector<16x1xi32> to vector<16xi32>
    %gather3A_1339 = tpu.dynamic_gather %get3A_1316[%gather3A_1338] in [0] : vector<16xi32>, vector<16xi32> -> vector<16xi32>
    %select_n3A_1340 = arith.select %eq3A_19, %gather3A_1329, %gather3A_1339 : vector<16xi1>, vector<16xi32>
    %add3A_1341 = arith.constant 336 : i32
    %add3A_1342 = arith.addi %mul3A_2, %add3A_1341 : i32
    %add3A_1343 = vector.broadcast %add3A_1342 : i32 to vector<16xi32>
    %add3A_1344 = arith.addi %add3A_1343, %iota3A : vector<16xi32>
    %rem3A_1345 = arith.constant 2048 : i32
    %rem3A_1346 = vector.broadcast %rem3A_1345 : i32 to vector<16xi32>
    %rem3A_1347 = arith.remsi %add3A_1344, %rem3A_1346 : vector<16xi32>
    %ne3A_1348 = arith.constant 2047 : i32
    %ne3A_1349 = vector.broadcast %ne3A_1348 : i32 to vector<16xi32>
    %ne3A_1350 = arith.cmpi ne, %rem3A_1347, %ne3A_1349 : vector<16xi32>
    %shift_left3A_1351 = arith.constant 9 : i32
    %shift_left3A_1352 = vector.broadcast %shift_left3A_1351 : i32 to vector<16xi32>
    %shift_left3A_1353 = arith.shli %get3A_1316, %shift_left3A_1352 : vector<16xi32>
    %shift_right_arithmetic3A_1354 = arith.constant 1 : i32
    %shift_right_arithmetic3A_1355 = vector.broadcast %shift_right_arithmetic3A_1354 : i32 to vector<16xi32>
    %shift_right_arithmetic3A_1356 = arith.shrsi %select_n3A_1340, %shift_right_arithmetic3A_1355 : vector<16xi32>
    %add3A_1357 = arith.addi %shift_left3A_1353, %shift_right_arithmetic3A_1356 : vector<16xi32>
    %jit3A_1358 = arith.constant 0 : i32
    %broadcast_in_dim3A_1359 = vector.broadcast %jit3A_1358 : i32 to vector<16xi32>
    %select_n3A_1360 = arith.select %ne3A_1350, %add3A_1357, %broadcast_in_dim3A_1359 : vector<16xi1>, vector<16xi32>
    %swap3A_1361 = arith.constant 2 : i32
    %swap3A_1362 = arith.index_cast %swap3A_1361 : i32 to index
    %swap3A_1363 = arith.constant 80 : index
    %swap3A_1364 = tpu.vector_load %arg6[%swap3A_1362, %swap3A_1363] {strides = array<i32>} : memref<4x128xi32, #tpu.memory_space<vmem>>, vector<1x16xi32>,
    %swap3A_1365 = vector.shape_cast %swap3A_1364 : vector<1x16xi32> to vector<16xi32>
    %swap3A_1366 = vector.shape_cast %select_n3A_1360 : vector<16xi32> to vector<1x16xi32>
    tpu.vector_store %arg6[%swap3A_1362, %swap3A_1363], %swap3A_1366 {strides = array<i32>} : memref<4x128xi32, #tpu.memory_space<vmem>>, vector<1x16xi32>,
    %and3A_1367 = arith.constant 1 : i32
    %and3A_1368 = vector.broadcast %and3A_1367 : i32 to vector<16xi32>
    %and3A_1369 = arith.andi %select_n3A_1340, %and3A_1368 : vector<16xi32>
    %swap3A_1370 = arith.constant 2 : i32
    %swap3A_1371 = arith.index_cast %swap3A_1370 : i32 to index
    %swap3A_1372 = arith.constant 80 : index
    %swap3A_1373 = tpu.vector_load %arg7[%swap3A_1371, %swap3A_1372] {strides = array<i32>} : memref<4x128xi32, #tpu.memory_space<vmem>>, vector<1x16xi32>,
    %swap3A_1374 = vector.shape_cast %swap3A_1373 : vector<1x16xi32> to vector<16xi32>
    %swap3A_1375 = vector.shape_cast %and3A_1369 : vector<16xi32> to vector<1x16xi32>
    tpu.vector_store %arg7[%swap3A_1371, %swap3A_1372], %swap3A_1375 {strides = array<i32>} : memref<4x128xi32, #tpu.memory_space<vmem>>, vector<1x16xi32>,
    %get3A_1376 = arith.constant 352 : index
    %get3A_1377 = tpu.vector_load %arg5[%get3A_1376] {strides = array<i32>} : memref<528xi32, #tpu.memory_space<vmem>>, vector<16xi32>,
    %get3A_1378 = vector.shape_cast %get3A_1377 : vector<16xi32> to vector<16xi32>
    %get3A_1379 = arith.constant 368 : index
    %get3A_1380 = tpu.vector_load %arg5[%get3A_1379] {strides = array<i32>} : memref<528xi32, #tpu.memory_space<vmem>>, vector<16xi32>,
    %get3A_1381 = vector.shape_cast %get3A_1380 : vector<16xi32> to vector<16xi32>
    %lt3A_1382 = arith.constant 0 : i32
    %lt3A_1383 = vector.broadcast %lt3A_1382 : i32 to vector<16xi32>
    %lt3A_1384 = arith.cmpi slt, %broadcast_in_dim3A_16, %lt3A_1383 : vector<16xi32>
    %add3A_1385 = arith.constant 16 : i32
    %add3A_1386 = vector.broadcast %add3A_1385 : i32 to vector<16xi32>
    %add3A_1387 = arith.addi %broadcast_in_dim3A_16, %add3A_1386 : vector<16xi32>
    %select_n3A_1388 = arith.select %lt3A_1384, %add3A_1387, %broadcast_in_dim3A_16 : vector<16xi1>, vector<16xi32>
    %broadcast_in_dim3A_1389 = vector.shape_cast %select_n3A_1388 : vector<16xi32> to vector<16x1xi32>
    %gather3A_1390 = vector.shape_cast %broadcast_in_dim3A_1389 : vector<16x1xi32> to vector<16xi32>
    %gather3A_1391 = tpu.dynamic_gather %get3A_1381[%gather3A_1390] in [0] : vector<16xi32>, vector<16xi32> -> vector<16xi32>
    %lt3A_1392 = arith.constant 0 : i32
    %lt3A_1393 = vector.broadcast %lt3A_1392 : i32 to vector<16xi32>
    %lt3A_1394 = arith.cmpi slt, %select_n3A, %lt3A_1393 : vector<16xi32>
    %add3A_1395 = arith.constant 16 : i32
    %add3A_1396 = vector.broadcast %add3A_1395 : i32 to vector<16xi32>
    %add3A_1397 = arith.addi %select_n3A, %add3A_1396 : vector<16xi32>
    %select_n3A_1398 = arith.select %lt3A_1394, %add3A_1397, %select_n3A : vector<16xi1>, vector<16xi32>
    %broadcast_in_dim3A_1399 = vector.shape_cast %select_n3A_1398 : vector<16xi32> to vector<16x1xi32>
    %gather3A_1400 = vector.shape_cast %broadcast_in_dim3A_1399 : vector<16x1xi32> to vector<16xi32>
    %gather3A_1401 = tpu.dynamic_gather %get3A_1378[%gather3A_1400] in [0] : vector<16xi32>, vector<16xi32> -> vector<16xi32>
    %select_n3A_1402 = arith.select %eq3A_19, %gather3A_1391, %gather3A_1401 : vector<16xi1>, vector<16xi32>
    %add3A_1403 = arith.constant 352 : i32
    %add3A_1404 = arith.addi %mul3A_2, %add3A_1403 : i32
    %add3A_1405 = vector.broadcast %add3A_1404 : i32 to vector<16xi32>
    %add3A_1406 = arith.addi %add3A_1405, %iota3A : vector<16xi32>
    %rem3A_1407 = arith.constant 2048 : i32
    %rem3A_1408 = vector.broadcast %rem3A_1407 : i32 to vector<16xi32>
    %rem3A_1409 = arith.remsi %add3A_1406, %rem3A_1408 : vector<16xi32>
    %ne3A_1410 = arith.constant 2047 : i32
    %ne3A_1411 = vector.broadcast %ne3A_1410 : i32 to vector<16xi32>
    %ne3A_1412 = arith.cmpi ne, %rem3A_1409, %ne3A_1411 : vector<16xi32>
    %shift_left3A_1413 = arith.constant 9 : i32
    %shift_left3A_1414 = vector.broadcast %shift_left3A_1413 : i32 to vector<16xi32>
    %shift_left3A_1415 = arith.shli %get3A_1378, %shift_left3A_1414 : vector<16xi32>
    %shift_right_arithmetic3A_1416 = arith.constant 1 : i32
    %shift_right_arithmetic3A_1417 = vector.broadcast %shift_right_arithmetic3A_1416 : i32 to vector<16xi32>
    %shift_right_arithmetic3A_1418 = arith.shrsi %select_n3A_1402, %shift_right_arithmetic3A_1417 : vector<16xi32>
    %add3A_1419 = arith.addi %shift_left3A_1415, %shift_right_arithmetic3A_1418 : vector<16xi32>
    %jit3A_1420 = arith.constant 0 : i32
    %broadcast_in_dim3A_1421 = vector.broadcast %jit3A_1420 : i32 to vector<16xi32>
    %select_n3A_1422 = arith.select %ne3A_1412, %add3A_1419, %broadcast_in_dim3A_1421 : vector<16xi1>, vector<16xi32>
    %swap3A_1423 = arith.constant 2 : i32
    %swap3A_1424 = arith.index_cast %swap3A_1423 : i32 to index
    %swap3A_1425 = arith.constant 96 : index
    %swap3A_1426 = tpu.vector_load %arg6[%swap3A_1424, %swap3A_1425] {strides = array<i32>} : memref<4x128xi32, #tpu.memory_space<vmem>>, vector<1x16xi32>,
    %swap3A_1427 = vector.shape_cast %swap3A_1426 : vector<1x16xi32> to vector<16xi32>
    %swap3A_1428 = vector.shape_cast %select_n3A_1422 : vector<16xi32> to vector<1x16xi32>
    tpu.vector_store %arg6[%swap3A_1424, %swap3A_1425], %swap3A_1428 {strides = array<i32>} : memref<4x128xi32, #tpu.memory_space<vmem>>, vector<1x16xi32>,
    %and3A_1429 = arith.constant 1 : i32
    %and3A_1430 = vector.broadcast %and3A_1429 : i32 to vector<16xi32>
    %and3A_1431 = arith.andi %select_n3A_1402, %and3A_1430 : vector<16xi32>
    %swap3A_1432 = arith.constant 2 : i32
    %swap3A_1433 = arith.index_cast %swap3A_1432 : i32 to index
    %swap3A_1434 = arith.constant 96 : index
    %swap3A_1435 = tpu.vector_load %arg7[%swap3A_1433, %swap3A_1434] {strides = array<i32>} : memref<4x128xi32, #tpu.memory_space<vmem>>, vector<1x16xi32>,
    %swap3A_1436 = vector.shape_cast %swap3A_1435 : vector<1x16xi32> to vector<16xi32>
    %swap3A_1437 = vector.shape_cast %and3A_1431 : vector<16xi32> to vector<1x16xi32>
    tpu.vector_store %arg7[%swap3A_1433, %swap3A_1434], %swap3A_1437 {strides = array<i32>} : memref<4x128xi32, #tpu.memory_space<vmem>>, vector<1x16xi32>,
    %get3A_1438 = arith.constant 368 : index
    %get3A_1439 = tpu.vector_load %arg5[%get3A_1438] {strides = array<i32>} : memref<528xi32, #tpu.memory_space<vmem>>, vector<16xi32>,
    %get3A_1440 = vector.shape_cast %get3A_1439 : vector<16xi32> to vector<16xi32>
    %get3A_1441 = arith.constant 384 : index
    %get3A_1442 = tpu.vector_load %arg5[%get3A_1441] {strides = array<i32>} : memref<528xi32, #tpu.memory_space<vmem>>, vector<16xi32>,
    %get3A_1443 = vector.shape_cast %get3A_1442 : vector<16xi32> to vector<16xi32>
    %lt3A_1444 = arith.constant 0 : i32
    %lt3A_1445 = vector.broadcast %lt3A_1444 : i32 to vector<16xi32>
    %lt3A_1446 = arith.cmpi slt, %broadcast_in_dim3A_16, %lt3A_1445 : vector<16xi32>
    %add3A_1447 = arith.constant 16 : i32
    %add3A_1448 = vector.broadcast %add3A_1447 : i32 to vector<16xi32>
    %add3A_1449 = arith.addi %broadcast_in_dim3A_16, %add3A_1448 : vector<16xi32>
    %select_n3A_1450 = arith.select %lt3A_1446, %add3A_1449, %broadcast_in_dim3A_16 : vector<16xi1>, vector<16xi32>
    %broadcast_in_dim3A_1451 = vector.shape_cast %select_n3A_1450 : vector<16xi32> to vector<16x1xi32>
    %gather3A_1452 = vector.shape_cast %broadcast_in_dim3A_1451 : vector<16x1xi32> to vector<16xi32>
    %gather3A_1453 = tpu.dynamic_gather %get3A_1443[%gather3A_1452] in [0] : vector<16xi32>, vector<16xi32> -> vector<16xi32>
    %lt3A_1454 = arith.constant 0 : i32
    %lt3A_1455 = vector.broadcast %lt3A_1454 : i32 to vector<16xi32>
    %lt3A_1456 = arith.cmpi slt, %select_n3A, %lt3A_1455 : vector<16xi32>
    %add3A_1457 = arith.constant 16 : i32
    %add3A_1458 = vector.broadcast %add3A_1457 : i32 to vector<16xi32>
    %add3A_1459 = arith.addi %select_n3A, %add3A_1458 : vector<16xi32>
    %select_n3A_1460 = arith.select %lt3A_1456, %add3A_1459, %select_n3A : vector<16xi1>, vector<16xi32>
    %broadcast_in_dim3A_1461 = vector.shape_cast %select_n3A_1460 : vector<16xi32> to vector<16x1xi32>
    %gather3A_1462 = vector.shape_cast %broadcast_in_dim3A_1461 : vector<16x1xi32> to vector<16xi32>
    %gather3A_1463 = tpu.dynamic_gather %get3A_1440[%gather3A_1462] in [0] : vector<16xi32>, vector<16xi32> -> vector<16xi32>
    %select_n3A_1464 = arith.select %eq3A_19, %gather3A_1453, %gather3A_1463 : vector<16xi1>, vector<16xi32>
    %add3A_1465 = arith.constant 368 : i32
    %add3A_1466 = arith.addi %mul3A_2, %add3A_1465 : i32
    %add3A_1467 = vector.broadcast %add3A_1466 : i32 to vector<16xi32>
    %add3A_1468 = arith.addi %add3A_1467, %iota3A : vector<16xi32>
    %rem3A_1469 = arith.constant 2048 : i32
    %rem3A_1470 = vector.broadcast %rem3A_1469 : i32 to vector<16xi32>
    %rem3A_1471 = arith.remsi %add3A_1468, %rem3A_1470 : vector<16xi32>
    %ne3A_1472 = arith.constant 2047 : i32
    %ne3A_1473 = vector.broadcast %ne3A_1472 : i32 to vector<16xi32>
    %ne3A_1474 = arith.cmpi ne, %rem3A_1471, %ne3A_1473 : vector<16xi32>
    %shift_left3A_1475 = arith.constant 9 : i32
    %shift_left3A_1476 = vector.broadcast %shift_left3A_1475 : i32 to vector<16xi32>
    %shift_left3A_1477 = arith.shli %get3A_1440, %shift_left3A_1476 : vector<16xi32>
    %shift_right_arithmetic3A_1478 = arith.constant 1 : i32
    %shift_right_arithmetic3A_1479 = vector.broadcast %shift_right_arithmetic3A_1478 : i32 to vector<16xi32>
    %shift_right_arithmetic3A_1480 = arith.shrsi %select_n3A_1464, %shift_right_arithmetic3A_1479 : vector<16xi32>
    %add3A_1481 = arith.addi %shift_left3A_1477, %shift_right_arithmetic3A_1480 : vector<16xi32>
    %jit3A_1482 = arith.constant 0 : i32
    %broadcast_in_dim3A_1483 = vector.broadcast %jit3A_1482 : i32 to vector<16xi32>
    %select_n3A_1484 = arith.select %ne3A_1474, %add3A_1481, %broadcast_in_dim3A_1483 : vector<16xi1>, vector<16xi32>
    %swap3A_1485 = arith.constant 2 : i32
    %swap3A_1486 = arith.index_cast %swap3A_1485 : i32 to index
    %swap3A_1487 = arith.constant 112 : index
    %swap3A_1488 = tpu.vector_load %arg6[%swap3A_1486, %swap3A_1487] {strides = array<i32>} : memref<4x128xi32, #tpu.memory_space<vmem>>, vector<1x16xi32>,
    %swap3A_1489 = vector.shape_cast %swap3A_1488 : vector<1x16xi32> to vector<16xi32>
    %swap3A_1490 = vector.shape_cast %select_n3A_1484 : vector<16xi32> to vector<1x16xi32>
    tpu.vector_store %arg6[%swap3A_1486, %swap3A_1487], %swap3A_1490 {strides = array<i32>} : memref<4x128xi32, #tpu.memory_space<vmem>>, vector<1x16xi32>,
    %and3A_1491 = arith.constant 1 : i32
    %and3A_1492 = vector.broadcast %and3A_1491 : i32 to vector<16xi32>
    %and3A_1493 = arith.andi %select_n3A_1464, %and3A_1492 : vector<16xi32>
    %swap3A_1494 = arith.constant 2 : i32
    %swap3A_1495 = arith.index_cast %swap3A_1494 : i32 to index
    %swap3A_1496 = arith.constant 112 : index
    %swap3A_1497 = tpu.vector_load %arg7[%swap3A_1495, %swap3A_1496] {strides = array<i32>} : memref<4x128xi32, #tpu.memory_space<vmem>>, vector<1x16xi32>,
    %swap3A_1498 = vector.shape_cast %swap3A_1497 : vector<1x16xi32> to vector<16xi32>
    %swap3A_1499 = vector.shape_cast %and3A_1493 : vector<16xi32> to vector<1x16xi32>
    tpu.vector_store %arg7[%swap3A_1495, %swap3A_1496], %swap3A_1499 {strides = array<i32>} : memref<4x128xi32, #tpu.memory_space<vmem>>, vector<1x16xi32>,
    %get3A_1500 = arith.constant 384 : index
    %get3A_1501 = tpu.vector_load %arg5[%get3A_1500] {strides = array<i32>} : memref<528xi32, #tpu.memory_space<vmem>>, vector<16xi32>,
    %get3A_1502 = vector.shape_cast %get3A_1501 : vector<16xi32> to vector<16xi32>
    %get3A_1503 = arith.constant 400 : index
    %get3A_1504 = tpu.vector_load %arg5[%get3A_1503] {strides = array<i32>} : memref<528xi32, #tpu.memory_space<vmem>>, vector<16xi32>,
    %get3A_1505 = vector.shape_cast %get3A_1504 : vector<16xi32> to vector<16xi32>
    %lt3A_1506 = arith.constant 0 : i32
    %lt3A_1507 = vector.broadcast %lt3A_1506 : i32 to vector<16xi32>
    %lt3A_1508 = arith.cmpi slt, %broadcast_in_dim3A_16, %lt3A_1507 : vector<16xi32>
    %add3A_1509 = arith.constant 16 : i32
    %add3A_1510 = vector.broadcast %add3A_1509 : i32 to vector<16xi32>
    %add3A_1511 = arith.addi %broadcast_in_dim3A_16, %add3A_1510 : vector<16xi32>
    %select_n3A_1512 = arith.select %lt3A_1508, %add3A_1511, %broadcast_in_dim3A_16 : vector<16xi1>, vector<16xi32>
    %broadcast_in_dim3A_1513 = vector.shape_cast %select_n3A_1512 : vector<16xi32> to vector<16x1xi32>
    %gather3A_1514 = vector.shape_cast %broadcast_in_dim3A_1513 : vector<16x1xi32> to vector<16xi32>
    %gather3A_1515 = tpu.dynamic_gather %get3A_1505[%gather3A_1514] in [0] : vector<16xi32>, vector<16xi32> -> vector<16xi32>
    %lt3A_1516 = arith.constant 0 : i32
    %lt3A_1517 = vector.broadcast %lt3A_1516 : i32 to vector<16xi32>
    %lt3A_1518 = arith.cmpi slt, %select_n3A, %lt3A_1517 : vector<16xi32>
    %add3A_1519 = arith.constant 16 : i32
    %add3A_1520 = vector.broadcast %add3A_1519 : i32 to vector<16xi32>
    %add3A_1521 = arith.addi %select_n3A, %add3A_1520 : vector<16xi32>
    %select_n3A_1522 = arith.select %lt3A_1518, %add3A_1521, %select_n3A : vector<16xi1>, vector<16xi32>
    %broadcast_in_dim3A_1523 = vector.shape_cast %select_n3A_1522 : vector<16xi32> to vector<16x1xi32>
    %gather3A_1524 = vector.shape_cast %broadcast_in_dim3A_1523 : vector<16x1xi32> to vector<16xi32>
    %gather3A_1525 = tpu.dynamic_gather %get3A_1502[%gather3A_1524] in [0] : vector<16xi32>, vector<16xi32> -> vector<16xi32>
    %select_n3A_1526 = arith.select %eq3A_19, %gather3A_1515, %gather3A_1525 : vector<16xi1>, vector<16xi32>
    %add3A_1527 = arith.constant 384 : i32
    %add3A_1528 = arith.addi %mul3A_2, %add3A_1527 : i32
    %add3A_1529 = vector.broadcast %add3A_1528 : i32 to vector<16xi32>
    %add3A_1530 = arith.addi %add3A_1529, %iota3A : vector<16xi32>
    %rem3A_1531 = arith.constant 2048 : i32
    %rem3A_1532 = vector.broadcast %rem3A_1531 : i32 to vector<16xi32>
    %rem3A_1533 = arith.remsi %add3A_1530, %rem3A_1532 : vector<16xi32>
    %ne3A_1534 = arith.constant 2047 : i32
    %ne3A_1535 = vector.broadcast %ne3A_1534 : i32 to vector<16xi32>
    %ne3A_1536 = arith.cmpi ne, %rem3A_1533, %ne3A_1535 : vector<16xi32>
    %shift_left3A_1537 = arith.constant 9 : i32
    %shift_left3A_1538 = vector.broadcast %shift_left3A_1537 : i32 to vector<16xi32>
    %shift_left3A_1539 = arith.shli %get3A_1502, %shift_left3A_1538 : vector<16xi32>
    %shift_right_arithmetic3A_1540 = arith.constant 1 : i32
    %shift_right_arithmetic3A_1541 = vector.broadcast %shift_right_arithmetic3A_1540 : i32 to vector<16xi32>
    %shift_right_arithmetic3A_1542 = arith.shrsi %select_n3A_1526, %shift_right_arithmetic3A_1541 : vector<16xi32>
    %add3A_1543 = arith.addi %shift_left3A_1539, %shift_right_arithmetic3A_1542 : vector<16xi32>
    %jit3A_1544 = arith.constant 0 : i32
    %broadcast_in_dim3A_1545 = vector.broadcast %jit3A_1544 : i32 to vector<16xi32>
    %select_n3A_1546 = arith.select %ne3A_1536, %add3A_1543, %broadcast_in_dim3A_1545 : vector<16xi1>, vector<16xi32>
    %swap3A_1547 = arith.constant 3 : i32
    %swap3A_1548 = arith.index_cast %swap3A_1547 : i32 to index
    %swap3A_1549 = arith.constant 0 : index
    %swap3A_1550 = tpu.vector_load %arg6[%swap3A_1548, %swap3A_1549] {strides = array<i32>} : memref<4x128xi32, #tpu.memory_space<vmem>>, vector<1x16xi32>,
    %swap3A_1551 = vector.shape_cast %swap3A_1550 : vector<1x16xi32> to vector<16xi32>
    %swap3A_1552 = vector.shape_cast %select_n3A_1546 : vector<16xi32> to vector<1x16xi32>
    tpu.vector_store %arg6[%swap3A_1548, %swap3A_1549], %swap3A_1552 {strides = array<i32>} : memref<4x128xi32, #tpu.memory_space<vmem>>, vector<1x16xi32>,
    %and3A_1553 = arith.constant 1 : i32
    %and3A_1554 = vector.broadcast %and3A_1553 : i32 to vector<16xi32>
    %and3A_1555 = arith.andi %select_n3A_1526, %and3A_1554 : vector<16xi32>
    %swap3A_1556 = arith.constant 3 : i32
    %swap3A_1557 = arith.index_cast %swap3A_1556 : i32 to index
    %swap3A_1558 = arith.constant 0 : index
    %swap3A_1559 = tpu.vector_load %arg7[%swap3A_1557, %swap3A_1558] {strides = array<i32>} : memref<4x128xi32, #tpu.memory_space<vmem>>, vector<1x16xi32>,
    %swap3A_1560 = vector.shape_cast %swap3A_1559 : vector<1x16xi32> to vector<16xi32>
    %swap3A_1561 = vector.shape_cast %and3A_1555 : vector<16xi32> to vector<1x16xi32>
    tpu.vector_store %arg7[%swap3A_1557, %swap3A_1558], %swap3A_1561 {strides = array<i32>} : memref<4x128xi32, #tpu.memory_space<vmem>>, vector<1x16xi32>,
    %get3A_1562 = arith.constant 400 : index
    %get3A_1563 = tpu.vector_load %arg5[%get3A_1562] {strides = array<i32>} : memref<528xi32, #tpu.memory_space<vmem>>, vector<16xi32>,
    %get3A_1564 = vector.shape_cast %get3A_1563 : vector<16xi32> to vector<16xi32>
    %get3A_1565 = arith.constant 416 : index
    %get3A_1566 = tpu.vector_load %arg5[%get3A_1565] {strides = array<i32>} : memref<528xi32, #tpu.memory_space<vmem>>, vector<16xi32>,
    %get3A_1567 = vector.shape_cast %get3A_1566 : vector<16xi32> to vector<16xi32>
    %lt3A_1568 = arith.constant 0 : i32
    %lt3A_1569 = vector.broadcast %lt3A_1568 : i32 to vector<16xi32>
    %lt3A_1570 = arith.cmpi slt, %broadcast_in_dim3A_16, %lt3A_1569 : vector<16xi32>
    %add3A_1571 = arith.constant 16 : i32
    %add3A_1572 = vector.broadcast %add3A_1571 : i32 to vector<16xi32>
    %add3A_1573 = arith.addi %broadcast_in_dim3A_16, %add3A_1572 : vector<16xi32>
    %select_n3A_1574 = arith.select %lt3A_1570, %add3A_1573, %broadcast_in_dim3A_16 : vector<16xi1>, vector<16xi32>
    %broadcast_in_dim3A_1575 = vector.shape_cast %select_n3A_1574 : vector<16xi32> to vector<16x1xi32>
    %gather3A_1576 = vector.shape_cast %broadcast_in_dim3A_1575 : vector<16x1xi32> to vector<16xi32>
    %gather3A_1577 = tpu.dynamic_gather %get3A_1567[%gather3A_1576] in [0] : vector<16xi32>, vector<16xi32> -> vector<16xi32>
    %lt3A_1578 = arith.constant 0 : i32
    %lt3A_1579 = vector.broadcast %lt3A_1578 : i32 to vector<16xi32>
    %lt3A_1580 = arith.cmpi slt, %select_n3A, %lt3A_1579 : vector<16xi32>
    %add3A_1581 = arith.constant 16 : i32
    %add3A_1582 = vector.broadcast %add3A_1581 : i32 to vector<16xi32>
    %add3A_1583 = arith.addi %select_n3A, %add3A_1582 : vector<16xi32>
    %select_n3A_1584 = arith.select %lt3A_1580, %add3A_1583, %select_n3A : vector<16xi1>, vector<16xi32>
    %broadcast_in_dim3A_1585 = vector.shape_cast %select_n3A_1584 : vector<16xi32> to vector<16x1xi32>
    %gather3A_1586 = vector.shape_cast %broadcast_in_dim3A_1585 : vector<16x1xi32> to vector<16xi32>
    %gather3A_1587 = tpu.dynamic_gather %get3A_1564[%gather3A_1586] in [0] : vector<16xi32>, vector<16xi32> -> vector<16xi32>
    %select_n3A_1588 = arith.select %eq3A_19, %gather3A_1577, %gather3A_1587 : vector<16xi1>, vector<16xi32>
    %add3A_1589 = arith.constant 400 : i32
    %add3A_1590 = arith.addi %mul3A_2, %add3A_1589 : i32
    %add3A_1591 = vector.broadcast %add3A_1590 : i32 to vector<16xi32>
    %add3A_1592 = arith.addi %add3A_1591, %iota3A : vector<16xi32>
    %rem3A_1593 = arith.constant 2048 : i32
    %rem3A_1594 = vector.broadcast %rem3A_1593 : i32 to vector<16xi32>
    %rem3A_1595 = arith.remsi %add3A_1592, %rem3A_1594 : vector<16xi32>
    %ne3A_1596 = arith.constant 2047 : i32
    %ne3A_1597 = vector.broadcast %ne3A_1596 : i32 to vector<16xi32>
    %ne3A_1598 = arith.cmpi ne, %rem3A_1595, %ne3A_1597 : vector<16xi32>
    %shift_left3A_1599 = arith.constant 9 : i32
    %shift_left3A_1600 = vector.broadcast %shift_left3A_1599 : i32 to vector<16xi32>
    %shift_left3A_1601 = arith.shli %get3A_1564, %shift_left3A_1600 : vector<16xi32>
    %shift_right_arithmetic3A_1602 = arith.constant 1 : i32
    %shift_right_arithmetic3A_1603 = vector.broadcast %shift_right_arithmetic3A_1602 : i32 to vector<16xi32>
    %shift_right_arithmetic3A_1604 = arith.shrsi %select_n3A_1588, %shift_right_arithmetic3A_1603 : vector<16xi32>
    %add3A_1605 = arith.addi %shift_left3A_1601, %shift_right_arithmetic3A_1604 : vector<16xi32>
    %jit3A_1606 = arith.constant 0 : i32
    %broadcast_in_dim3A_1607 = vector.broadcast %jit3A_1606 : i32 to vector<16xi32>
    %select_n3A_1608 = arith.select %ne3A_1598, %add3A_1605, %broadcast_in_dim3A_1607 : vector<16xi1>, vector<16xi32>
    %swap3A_1609 = arith.constant 3 : i32
    %swap3A_1610 = arith.index_cast %swap3A_1609 : i32 to index
    %swap3A_1611 = arith.constant 16 : index
    %swap3A_1612 = tpu.vector_load %arg6[%swap3A_1610, %swap3A_1611] {strides = array<i32>} : memref<4x128xi32, #tpu.memory_space<vmem>>, vector<1x16xi32>,
    %swap3A_1613 = vector.shape_cast %swap3A_1612 : vector<1x16xi32> to vector<16xi32>
    %swap3A_1614 = vector.shape_cast %select_n3A_1608 : vector<16xi32> to vector<1x16xi32>
    tpu.vector_store %arg6[%swap3A_1610, %swap3A_1611], %swap3A_1614 {strides = array<i32>} : memref<4x128xi32, #tpu.memory_space<vmem>>, vector<1x16xi32>,
    %and3A_1615 = arith.constant 1 : i32
    %and3A_1616 = vector.broadcast %and3A_1615 : i32 to vector<16xi32>
    %and3A_1617 = arith.andi %select_n3A_1588, %and3A_1616 : vector<16xi32>
    %swap3A_1618 = arith.constant 3 : i32
    %swap3A_1619 = arith.index_cast %swap3A_1618 : i32 to index
    %swap3A_1620 = arith.constant 16 : index
    %swap3A_1621 = tpu.vector_load %arg7[%swap3A_1619, %swap3A_1620] {strides = array<i32>} : memref<4x128xi32, #tpu.memory_space<vmem>>, vector<1x16xi32>,
    %swap3A_1622 = vector.shape_cast %swap3A_1621 : vector<1x16xi32> to vector<16xi32>
    %swap3A_1623 = vector.shape_cast %and3A_1617 : vector<16xi32> to vector<1x16xi32>
    tpu.vector_store %arg7[%swap3A_1619, %swap3A_1620], %swap3A_1623 {strides = array<i32>} : memref<4x128xi32, #tpu.memory_space<vmem>>, vector<1x16xi32>,
    %get3A_1624 = arith.constant 416 : index
    %get3A_1625 = tpu.vector_load %arg5[%get3A_1624] {strides = array<i32>} : memref<528xi32, #tpu.memory_space<vmem>>, vector<16xi32>,
    %get3A_1626 = vector.shape_cast %get3A_1625 : vector<16xi32> to vector<16xi32>
    %get3A_1627 = arith.constant 432 : index
    %get3A_1628 = tpu.vector_load %arg5[%get3A_1627] {strides = array<i32>} : memref<528xi32, #tpu.memory_space<vmem>>, vector<16xi32>,
    %get3A_1629 = vector.shape_cast %get3A_1628 : vector<16xi32> to vector<16xi32>
    %lt3A_1630 = arith.constant 0 : i32
    %lt3A_1631 = vector.broadcast %lt3A_1630 : i32 to vector<16xi32>
    %lt3A_1632 = arith.cmpi slt, %broadcast_in_dim3A_16, %lt3A_1631 : vector<16xi32>
    %add3A_1633 = arith.constant 16 : i32
    %add3A_1634 = vector.broadcast %add3A_1633 : i32 to vector<16xi32>
    %add3A_1635 = arith.addi %broadcast_in_dim3A_16, %add3A_1634 : vector<16xi32>
    %select_n3A_1636 = arith.select %lt3A_1632, %add3A_1635, %broadcast_in_dim3A_16 : vector<16xi1>, vector<16xi32>
    %broadcast_in_dim3A_1637 = vector.shape_cast %select_n3A_1636 : vector<16xi32> to vector<16x1xi32>
    %gather3A_1638 = vector.shape_cast %broadcast_in_dim3A_1637 : vector<16x1xi32> to vector<16xi32>
    %gather3A_1639 = tpu.dynamic_gather %get3A_1629[%gather3A_1638] in [0] : vector<16xi32>, vector<16xi32> -> vector<16xi32>
    %lt3A_1640 = arith.constant 0 : i32
    %lt3A_1641 = vector.broadcast %lt3A_1640 : i32 to vector<16xi32>
    %lt3A_1642 = arith.cmpi slt, %select_n3A, %lt3A_1641 : vector<16xi32>
    %add3A_1643 = arith.constant 16 : i32
    %add3A_1644 = vector.broadcast %add3A_1643 : i32 to vector<16xi32>
    %add3A_1645 = arith.addi %select_n3A, %add3A_1644 : vector<16xi32>
    %select_n3A_1646 = arith.select %lt3A_1642, %add3A_1645, %select_n3A : vector<16xi1>, vector<16xi32>
    %broadcast_in_dim3A_1647 = vector.shape_cast %select_n3A_1646 : vector<16xi32> to vector<16x1xi32>
    %gather3A_1648 = vector.shape_cast %broadcast_in_dim3A_1647 : vector<16x1xi32> to vector<16xi32>
    %gather3A_1649 = tpu.dynamic_gather %get3A_1626[%gather3A_1648] in [0] : vector<16xi32>, vector<16xi32> -> vector<16xi32>
    %select_n3A_1650 = arith.select %eq3A_19, %gather3A_1639, %gather3A_1649 : vector<16xi1>, vector<16xi32>
    %add3A_1651 = arith.constant 416 : i32
    %add3A_1652 = arith.addi %mul3A_2, %add3A_1651 : i32
    %add3A_1653 = vector.broadcast %add3A_1652 : i32 to vector<16xi32>
    %add3A_1654 = arith.addi %add3A_1653, %iota3A : vector<16xi32>
    %rem3A_1655 = arith.constant 2048 : i32
    %rem3A_1656 = vector.broadcast %rem3A_1655 : i32 to vector<16xi32>
    %rem3A_1657 = arith.remsi %add3A_1654, %rem3A_1656 : vector<16xi32>
    %ne3A_1658 = arith.constant 2047 : i32
    %ne3A_1659 = vector.broadcast %ne3A_1658 : i32 to vector<16xi32>
    %ne3A_1660 = arith.cmpi ne, %rem3A_1657, %ne3A_1659 : vector<16xi32>
    %shift_left3A_1661 = arith.constant 9 : i32
    %shift_left3A_1662 = vector.broadcast %shift_left3A_1661 : i32 to vector<16xi32>
    %shift_left3A_1663 = arith.shli %get3A_1626, %shift_left3A_1662 : vector<16xi32>
    %shift_right_arithmetic3A_1664 = arith.constant 1 : i32
    %shift_right_arithmetic3A_1665 = vector.broadcast %shift_right_arithmetic3A_1664 : i32 to vector<16xi32>
    %shift_right_arithmetic3A_1666 = arith.shrsi %select_n3A_1650, %shift_right_arithmetic3A_1665 : vector<16xi32>
    %add3A_1667 = arith.addi %shift_left3A_1663, %shift_right_arithmetic3A_1666 : vector<16xi32>
    %jit3A_1668 = arith.constant 0 : i32
    %broadcast_in_dim3A_1669 = vector.broadcast %jit3A_1668 : i32 to vector<16xi32>
    %select_n3A_1670 = arith.select %ne3A_1660, %add3A_1667, %broadcast_in_dim3A_1669 : vector<16xi1>, vector<16xi32>
    %swap3A_1671 = arith.constant 3 : i32
    %swap3A_1672 = arith.index_cast %swap3A_1671 : i32 to index
    %swap3A_1673 = arith.constant 32 : index
    %swap3A_1674 = tpu.vector_load %arg6[%swap3A_1672, %swap3A_1673] {strides = array<i32>} : memref<4x128xi32, #tpu.memory_space<vmem>>, vector<1x16xi32>,
    %swap3A_1675 = vector.shape_cast %swap3A_1674 : vector<1x16xi32> to vector<16xi32>
    %swap3A_1676 = vector.shape_cast %select_n3A_1670 : vector<16xi32> to vector<1x16xi32>
    tpu.vector_store %arg6[%swap3A_1672, %swap3A_1673], %swap3A_1676 {strides = array<i32>} : memref<4x128xi32, #tpu.memory_space<vmem>>, vector<1x16xi32>,
    %and3A_1677 = arith.constant 1 : i32
    %and3A_1678 = vector.broadcast %and3A_1677 : i32 to vector<16xi32>
    %and3A_1679 = arith.andi %select_n3A_1650, %and3A_1678 : vector<16xi32>
    %swap3A_1680 = arith.constant 3 : i32
    %swap3A_1681 = arith.index_cast %swap3A_1680 : i32 to index
    %swap3A_1682 = arith.constant 32 : index
    %swap3A_1683 = tpu.vector_load %arg7[%swap3A_1681, %swap3A_1682] {strides = array<i32>} : memref<4x128xi32, #tpu.memory_space<vmem>>, vector<1x16xi32>,
    %swap3A_1684 = vector.shape_cast %swap3A_1683 : vector<1x16xi32> to vector<16xi32>
    %swap3A_1685 = vector.shape_cast %and3A_1679 : vector<16xi32> to vector<1x16xi32>
    tpu.vector_store %arg7[%swap3A_1681, %swap3A_1682], %swap3A_1685 {strides = array<i32>} : memref<4x128xi32, #tpu.memory_space<vmem>>, vector<1x16xi32>,
    %get3A_1686 = arith.constant 432 : index
    %get3A_1687 = tpu.vector_load %arg5[%get3A_1686] {strides = array<i32>} : memref<528xi32, #tpu.memory_space<vmem>>, vector<16xi32>,
    %get3A_1688 = vector.shape_cast %get3A_1687 : vector<16xi32> to vector<16xi32>
    %get3A_1689 = arith.constant 448 : index
    %get3A_1690 = tpu.vector_load %arg5[%get3A_1689] {strides = array<i32>} : memref<528xi32, #tpu.memory_space<vmem>>, vector<16xi32>,
    %get3A_1691 = vector.shape_cast %get3A_1690 : vector<16xi32> to vector<16xi32>
    %lt3A_1692 = arith.constant 0 : i32
    %lt3A_1693 = vector.broadcast %lt3A_1692 : i32 to vector<16xi32>
    %lt3A_1694 = arith.cmpi slt, %broadcast_in_dim3A_16, %lt3A_1693 : vector<16xi32>
    %add3A_1695 = arith.constant 16 : i32
    %add3A_1696 = vector.broadcast %add3A_1695 : i32 to vector<16xi32>
    %add3A_1697 = arith.addi %broadcast_in_dim3A_16, %add3A_1696 : vector<16xi32>
    %select_n3A_1698 = arith.select %lt3A_1694, %add3A_1697, %broadcast_in_dim3A_16 : vector<16xi1>, vector<16xi32>
    %broadcast_in_dim3A_1699 = vector.shape_cast %select_n3A_1698 : vector<16xi32> to vector<16x1xi32>
    %gather3A_1700 = vector.shape_cast %broadcast_in_dim3A_1699 : vector<16x1xi32> to vector<16xi32>
    %gather3A_1701 = tpu.dynamic_gather %get3A_1691[%gather3A_1700] in [0] : vector<16xi32>, vector<16xi32> -> vector<16xi32>
    %lt3A_1702 = arith.constant 0 : i32
    %lt3A_1703 = vector.broadcast %lt3A_1702 : i32 to vector<16xi32>
    %lt3A_1704 = arith.cmpi slt, %select_n3A, %lt3A_1703 : vector<16xi32>
    %add3A_1705 = arith.constant 16 : i32
    %add3A_1706 = vector.broadcast %add3A_1705 : i32 to vector<16xi32>
    %add3A_1707 = arith.addi %select_n3A, %add3A_1706 : vector<16xi32>
    %select_n3A_1708 = arith.select %lt3A_1704, %add3A_1707, %select_n3A : vector<16xi1>, vector<16xi32>
    %broadcast_in_dim3A_1709 = vector.shape_cast %select_n3A_1708 : vector<16xi32> to vector<16x1xi32>
    %gather3A_1710 = vector.shape_cast %broadcast_in_dim3A_1709 : vector<16x1xi32> to vector<16xi32>
    %gather3A_1711 = tpu.dynamic_gather %get3A_1688[%gather3A_1710] in [0] : vector<16xi32>, vector<16xi32> -> vector<16xi32>
    %select_n3A_1712 = arith.select %eq3A_19, %gather3A_1701, %gather3A_1711 : vector<16xi1>, vector<16xi32>
    %add3A_1713 = arith.constant 432 : i32
    %add3A_1714 = arith.addi %mul3A_2, %add3A_1713 : i32
    %add3A_1715 = vector.broadcast %add3A_1714 : i32 to vector<16xi32>
    %add3A_1716 = arith.addi %add3A_1715, %iota3A : vector<16xi32>
    %rem3A_1717 = arith.constant 2048 : i32
    %rem3A_1718 = vector.broadcast %rem3A_1717 : i32 to vector<16xi32>
    %rem3A_1719 = arith.remsi %add3A_1716, %rem3A_1718 : vector<16xi32>
    %ne3A_1720 = arith.constant 2047 : i32
    %ne3A_1721 = vector.broadcast %ne3A_1720 : i32 to vector<16xi32>
    %ne3A_1722 = arith.cmpi ne, %rem3A_1719, %ne3A_1721 : vector<16xi32>
    %shift_left3A_1723 = arith.constant 9 : i32
    %shift_left3A_1724 = vector.broadcast %shift_left3A_1723 : i32 to vector<16xi32>
    %shift_left3A_1725 = arith.shli %get3A_1688, %shift_left3A_1724 : vector<16xi32>
    %shift_right_arithmetic3A_1726 = arith.constant 1 : i32
    %shift_right_arithmetic3A_1727 = vector.broadcast %shift_right_arithmetic3A_1726 : i32 to vector<16xi32>
    %shift_right_arithmetic3A_1728 = arith.shrsi %select_n3A_1712, %shift_right_arithmetic3A_1727 : vector<16xi32>
    %add3A_1729 = arith.addi %shift_left3A_1725, %shift_right_arithmetic3A_1728 : vector<16xi32>
    %jit3A_1730 = arith.constant 0 : i32
    %broadcast_in_dim3A_1731 = vector.broadcast %jit3A_1730 : i32 to vector<16xi32>
    %select_n3A_1732 = arith.select %ne3A_1722, %add3A_1729, %broadcast_in_dim3A_1731 : vector<16xi1>, vector<16xi32>
    %swap3A_1733 = arith.constant 3 : i32
    %swap3A_1734 = arith.index_cast %swap3A_1733 : i32 to index
    %swap3A_1735 = arith.constant 48 : index
    %swap3A_1736 = tpu.vector_load %arg6[%swap3A_1734, %swap3A_1735] {strides = array<i32>} : memref<4x128xi32, #tpu.memory_space<vmem>>, vector<1x16xi32>,
    %swap3A_1737 = vector.shape_cast %swap3A_1736 : vector<1x16xi32> to vector<16xi32>
    %swap3A_1738 = vector.shape_cast %select_n3A_1732 : vector<16xi32> to vector<1x16xi32>
    tpu.vector_store %arg6[%swap3A_1734, %swap3A_1735], %swap3A_1738 {strides = array<i32>} : memref<4x128xi32, #tpu.memory_space<vmem>>, vector<1x16xi32>,
    %and3A_1739 = arith.constant 1 : i32
    %and3A_1740 = vector.broadcast %and3A_1739 : i32 to vector<16xi32>
    %and3A_1741 = arith.andi %select_n3A_1712, %and3A_1740 : vector<16xi32>
    %swap3A_1742 = arith.constant 3 : i32
    %swap3A_1743 = arith.index_cast %swap3A_1742 : i32 to index
    %swap3A_1744 = arith.constant 48 : index
    %swap3A_1745 = tpu.vector_load %arg7[%swap3A_1743, %swap3A_1744] {strides = array<i32>} : memref<4x128xi32, #tpu.memory_space<vmem>>, vector<1x16xi32>,
    %swap3A_1746 = vector.shape_cast %swap3A_1745 : vector<1x16xi32> to vector<16xi32>
    %swap3A_1747 = vector.shape_cast %and3A_1741 : vector<16xi32> to vector<1x16xi32>
    tpu.vector_store %arg7[%swap3A_1743, %swap3A_1744], %swap3A_1747 {strides = array<i32>} : memref<4x128xi32, #tpu.memory_space<vmem>>, vector<1x16xi32>,
    %get3A_1748 = arith.constant 448 : index
    %get3A_1749 = tpu.vector_load %arg5[%get3A_1748] {strides = array<i32>} : memref<528xi32, #tpu.memory_space<vmem>>, vector<16xi32>,
    %get3A_1750 = vector.shape_cast %get3A_1749 : vector<16xi32> to vector<16xi32>
    %get3A_1751 = arith.constant 464 : index
    %get3A_1752 = tpu.vector_load %arg5[%get3A_1751] {strides = array<i32>} : memref<528xi32, #tpu.memory_space<vmem>>, vector<16xi32>,
    %get3A_1753 = vector.shape_cast %get3A_1752 : vector<16xi32> to vector<16xi32>
    %lt3A_1754 = arith.constant 0 : i32
    %lt3A_1755 = vector.broadcast %lt3A_1754 : i32 to vector<16xi32>
    %lt3A_1756 = arith.cmpi slt, %broadcast_in_dim3A_16, %lt3A_1755 : vector<16xi32>
    %add3A_1757 = arith.constant 16 : i32
    %add3A_1758 = vector.broadcast %add3A_1757 : i32 to vector<16xi32>
    %add3A_1759 = arith.addi %broadcast_in_dim3A_16, %add3A_1758 : vector<16xi32>
    %select_n3A_1760 = arith.select %lt3A_1756, %add3A_1759, %broadcast_in_dim3A_16 : vector<16xi1>, vector<16xi32>
    %broadcast_in_dim3A_1761 = vector.shape_cast %select_n3A_1760 : vector<16xi32> to vector<16x1xi32>
    %gather3A_1762 = vector.shape_cast %broadcast_in_dim3A_1761 : vector<16x1xi32> to vector<16xi32>
    %gather3A_1763 = tpu.dynamic_gather %get3A_1753[%gather3A_1762] in [0] : vector<16xi32>, vector<16xi32> -> vector<16xi32>
    %lt3A_1764 = arith.constant 0 : i32
    %lt3A_1765 = vector.broadcast %lt3A_1764 : i32 to vector<16xi32>
    %lt3A_1766 = arith.cmpi slt, %select_n3A, %lt3A_1765 : vector<16xi32>
    %add3A_1767 = arith.constant 16 : i32
    %add3A_1768 = vector.broadcast %add3A_1767 : i32 to vector<16xi32>
    %add3A_1769 = arith.addi %select_n3A, %add3A_1768 : vector<16xi32>
    %select_n3A_1770 = arith.select %lt3A_1766, %add3A_1769, %select_n3A : vector<16xi1>, vector<16xi32>
    %broadcast_in_dim3A_1771 = vector.shape_cast %select_n3A_1770 : vector<16xi32> to vector<16x1xi32>
    %gather3A_1772 = vector.shape_cast %broadcast_in_dim3A_1771 : vector<16x1xi32> to vector<16xi32>
    %gather3A_1773 = tpu.dynamic_gather %get3A_1750[%gather3A_1772] in [0] : vector<16xi32>, vector<16xi32> -> vector<16xi32>
    %select_n3A_1774 = arith.select %eq3A_19, %gather3A_1763, %gather3A_1773 : vector<16xi1>, vector<16xi32>
    %add3A_1775 = arith.constant 448 : i32
    %add3A_1776 = arith.addi %mul3A_2, %add3A_1775 : i32
    %add3A_1777 = vector.broadcast %add3A_1776 : i32 to vector<16xi32>
    %add3A_1778 = arith.addi %add3A_1777, %iota3A : vector<16xi32>
    %rem3A_1779 = arith.constant 2048 : i32
    %rem3A_1780 = vector.broadcast %rem3A_1779 : i32 to vector<16xi32>
    %rem3A_1781 = arith.remsi %add3A_1778, %rem3A_1780 : vector<16xi32>
    %ne3A_1782 = arith.constant 2047 : i32
    %ne3A_1783 = vector.broadcast %ne3A_1782 : i32 to vector<16xi32>
    %ne3A_1784 = arith.cmpi ne, %rem3A_1781, %ne3A_1783 : vector<16xi32>
    %shift_left3A_1785 = arith.constant 9 : i32
    %shift_left3A_1786 = vector.broadcast %shift_left3A_1785 : i32 to vector<16xi32>
    %shift_left3A_1787 = arith.shli %get3A_1750, %shift_left3A_1786 : vector<16xi32>
    %shift_right_arithmetic3A_1788 = arith.constant 1 : i32
    %shift_right_arithmetic3A_1789 = vector.broadcast %shift_right_arithmetic3A_1788 : i32 to vector<16xi32>
    %shift_right_arithmetic3A_1790 = arith.shrsi %select_n3A_1774, %shift_right_arithmetic3A_1789 : vector<16xi32>
    %add3A_1791 = arith.addi %shift_left3A_1787, %shift_right_arithmetic3A_1790 : vector<16xi32>
    %jit3A_1792 = arith.constant 0 : i32
    %broadcast_in_dim3A_1793 = vector.broadcast %jit3A_1792 : i32 to vector<16xi32>
    %select_n3A_1794 = arith.select %ne3A_1784, %add3A_1791, %broadcast_in_dim3A_1793 : vector<16xi1>, vector<16xi32>
    %swap3A_1795 = arith.constant 3 : i32
    %swap3A_1796 = arith.index_cast %swap3A_1795 : i32 to index
    %swap3A_1797 = arith.constant 64 : index
    %swap3A_1798 = tpu.vector_load %arg6[%swap3A_1796, %swap3A_1797] {strides = array<i32>} : memref<4x128xi32, #tpu.memory_space<vmem>>, vector<1x16xi32>,
    %swap3A_1799 = vector.shape_cast %swap3A_1798 : vector<1x16xi32> to vector<16xi32>
    %swap3A_1800 = vector.shape_cast %select_n3A_1794 : vector<16xi32> to vector<1x16xi32>
    tpu.vector_store %arg6[%swap3A_1796, %swap3A_1797], %swap3A_1800 {strides = array<i32>} : memref<4x128xi32, #tpu.memory_space<vmem>>, vector<1x16xi32>,
    %and3A_1801 = arith.constant 1 : i32
    %and3A_1802 = vector.broadcast %and3A_1801 : i32 to vector<16xi32>
    %and3A_1803 = arith.andi %select_n3A_1774, %and3A_1802 : vector<16xi32>
    %swap3A_1804 = arith.constant 3 : i32
    %swap3A_1805 = arith.index_cast %swap3A_1804 : i32 to index
    %swap3A_1806 = arith.constant 64 : index
    %swap3A_1807 = tpu.vector_load %arg7[%swap3A_1805, %swap3A_1806] {strides = array<i32>} : memref<4x128xi32, #tpu.memory_space<vmem>>, vector<1x16xi32>,
    %swap3A_1808 = vector.shape_cast %swap3A_1807 : vector<1x16xi32> to vector<16xi32>
    %swap3A_1809 = vector.shape_cast %and3A_1803 : vector<16xi32> to vector<1x16xi32>
    tpu.vector_store %arg7[%swap3A_1805, %swap3A_1806], %swap3A_1809 {strides = array<i32>} : memref<4x128xi32, #tpu.memory_space<vmem>>, vector<1x16xi32>,
    %get3A_1810 = arith.constant 464 : index
    %get3A_1811 = tpu.vector_load %arg5[%get3A_1810] {strides = array<i32>} : memref<528xi32, #tpu.memory_space<vmem>>, vector<16xi32>,
    %get3A_1812 = vector.shape_cast %get3A_1811 : vector<16xi32> to vector<16xi32>
    %get3A_1813 = arith.constant 480 : index
    %get3A_1814 = tpu.vector_load %arg5[%get3A_1813] {strides = array<i32>} : memref<528xi32, #tpu.memory_space<vmem>>, vector<16xi32>,
    %get3A_1815 = vector.shape_cast %get3A_1814 : vector<16xi32> to vector<16xi32>
    %lt3A_1816 = arith.constant 0 : i32
    %lt3A_1817 = vector.broadcast %lt3A_1816 : i32 to vector<16xi32>
    %lt3A_1818 = arith.cmpi slt, %broadcast_in_dim3A_16, %lt3A_1817 : vector<16xi32>
    %add3A_1819 = arith.constant 16 : i32
    %add3A_1820 = vector.broadcast %add3A_1819 : i32 to vector<16xi32>
    %add3A_1821 = arith.addi %broadcast_in_dim3A_16, %add3A_1820 : vector<16xi32>
    %select_n3A_1822 = arith.select %lt3A_1818, %add3A_1821, %broadcast_in_dim3A_16 : vector<16xi1>, vector<16xi32>
    %broadcast_in_dim3A_1823 = vector.shape_cast %select_n3A_1822 : vector<16xi32> to vector<16x1xi32>
    %gather3A_1824 = vector.shape_cast %broadcast_in_dim3A_1823 : vector<16x1xi32> to vector<16xi32>
    %gather3A_1825 = tpu.dynamic_gather %get3A_1815[%gather3A_1824] in [0] : vector<16xi32>, vector<16xi32> -> vector<16xi32>
    %lt3A_1826 = arith.constant 0 : i32
    %lt3A_1827 = vector.broadcast %lt3A_1826 : i32 to vector<16xi32>
    %lt3A_1828 = arith.cmpi slt, %select_n3A, %lt3A_1827 : vector<16xi32>
    %add3A_1829 = arith.constant 16 : i32
    %add3A_1830 = vector.broadcast %add3A_1829 : i32 to vector<16xi32>
    %add3A_1831 = arith.addi %select_n3A, %add3A_1830 : vector<16xi32>
    %select_n3A_1832 = arith.select %lt3A_1828, %add3A_1831, %select_n3A : vector<16xi1>, vector<16xi32>
    %broadcast_in_dim3A_1833 = vector.shape_cast %select_n3A_1832 : vector<16xi32> to vector<16x1xi32>
    %gather3A_1834 = vector.shape_cast %broadcast_in_dim3A_1833 : vector<16x1xi32> to vector<16xi32>
    %gather3A_1835 = tpu.dynamic_gather %get3A_1812[%gather3A_1834] in [0] : vector<16xi32>, vector<16xi32> -> vector<16xi32>
    %select_n3A_1836 = arith.select %eq3A_19, %gather3A_1825, %gather3A_1835 : vector<16xi1>, vector<16xi32>
    %add3A_1837 = arith.constant 464 : i32
    %add3A_1838 = arith.addi %mul3A_2, %add3A_1837 : i32
    %add3A_1839 = vector.broadcast %add3A_1838 : i32 to vector<16xi32>
    %add3A_1840 = arith.addi %add3A_1839, %iota3A : vector<16xi32>
    %rem3A_1841 = arith.constant 2048 : i32
    %rem3A_1842 = vector.broadcast %rem3A_1841 : i32 to vector<16xi32>
    %rem3A_1843 = arith.remsi %add3A_1840, %rem3A_1842 : vector<16xi32>
    %ne3A_1844 = arith.constant 2047 : i32
    %ne3A_1845 = vector.broadcast %ne3A_1844 : i32 to vector<16xi32>
    %ne3A_1846 = arith.cmpi ne, %rem3A_1843, %ne3A_1845 : vector<16xi32>
    %shift_left3A_1847 = arith.constant 9 : i32
    %shift_left3A_1848 = vector.broadcast %shift_left3A_1847 : i32 to vector<16xi32>
    %shift_left3A_1849 = arith.shli %get3A_1812, %shift_left3A_1848 : vector<16xi32>
    %shift_right_arithmetic3A_1850 = arith.constant 1 : i32
    %shift_right_arithmetic3A_1851 = vector.broadcast %shift_right_arithmetic3A_1850 : i32 to vector<16xi32>
    %shift_right_arithmetic3A_1852 = arith.shrsi %select_n3A_1836, %shift_right_arithmetic3A_1851 : vector<16xi32>
    %add3A_1853 = arith.addi %shift_left3A_1849, %shift_right_arithmetic3A_1852 : vector<16xi32>
    %jit3A_1854 = arith.constant 0 : i32
    %broadcast_in_dim3A_1855 = vector.broadcast %jit3A_1854 : i32 to vector<16xi32>
    %select_n3A_1856 = arith.select %ne3A_1846, %add3A_1853, %broadcast_in_dim3A_1855 : vector<16xi1>, vector<16xi32>
    %swap3A_1857 = arith.constant 3 : i32
    %swap3A_1858 = arith.index_cast %swap3A_1857 : i32 to index
    %swap3A_1859 = arith.constant 80 : index
    %swap3A_1860 = tpu.vector_load %arg6[%swap3A_1858, %swap3A_1859] {strides = array<i32>} : memref<4x128xi32, #tpu.memory_space<vmem>>, vector<1x16xi32>,
    %swap3A_1861 = vector.shape_cast %swap3A_1860 : vector<1x16xi32> to vector<16xi32>
    %swap3A_1862 = vector.shape_cast %select_n3A_1856 : vector<16xi32> to vector<1x16xi32>
    tpu.vector_store %arg6[%swap3A_1858, %swap3A_1859], %swap3A_1862 {strides = array<i32>} : memref<4x128xi32, #tpu.memory_space<vmem>>, vector<1x16xi32>,
    %and3A_1863 = arith.constant 1 : i32
    %and3A_1864 = vector.broadcast %and3A_1863 : i32 to vector<16xi32>
    %and3A_1865 = arith.andi %select_n3A_1836, %and3A_1864 : vector<16xi32>
    %swap3A_1866 = arith.constant 3 : i32
    %swap3A_1867 = arith.index_cast %swap3A_1866 : i32 to index
    %swap3A_1868 = arith.constant 80 : index
    %swap3A_1869 = tpu.vector_load %arg7[%swap3A_1867, %swap3A_1868] {strides = array<i32>} : memref<4x128xi32, #tpu.memory_space<vmem>>, vector<1x16xi32>,
    %swap3A_1870 = vector.shape_cast %swap3A_1869 : vector<1x16xi32> to vector<16xi32>
    %swap3A_1871 = vector.shape_cast %and3A_1865 : vector<16xi32> to vector<1x16xi32>
    tpu.vector_store %arg7[%swap3A_1867, %swap3A_1868], %swap3A_1871 {strides = array<i32>} : memref<4x128xi32, #tpu.memory_space<vmem>>, vector<1x16xi32>,
    %get3A_1872 = arith.constant 480 : index
    %get3A_1873 = tpu.vector_load %arg5[%get3A_1872] {strides = array<i32>} : memref<528xi32, #tpu.memory_space<vmem>>, vector<16xi32>,
    %get3A_1874 = vector.shape_cast %get3A_1873 : vector<16xi32> to vector<16xi32>
    %get3A_1875 = arith.constant 496 : index
    %get3A_1876 = tpu.vector_load %arg5[%get3A_1875] {strides = array<i32>} : memref<528xi32, #tpu.memory_space<vmem>>, vector<16xi32>,
    %get3A_1877 = vector.shape_cast %get3A_1876 : vector<16xi32> to vector<16xi32>
    %lt3A_1878 = arith.constant 0 : i32
    %lt3A_1879 = vector.broadcast %lt3A_1878 : i32 to vector<16xi32>
    %lt3A_1880 = arith.cmpi slt, %broadcast_in_dim3A_16, %lt3A_1879 : vector<16xi32>
    %add3A_1881 = arith.constant 16 : i32
    %add3A_1882 = vector.broadcast %add3A_1881 : i32 to vector<16xi32>
    %add3A_1883 = arith.addi %broadcast_in_dim3A_16, %add3A_1882 : vector<16xi32>
    %select_n3A_1884 = arith.select %lt3A_1880, %add3A_1883, %broadcast_in_dim3A_16 : vector<16xi1>, vector<16xi32>
    %broadcast_in_dim3A_1885 = vector.shape_cast %select_n3A_1884 : vector<16xi32> to vector<16x1xi32>
    %gather3A_1886 = vector.shape_cast %broadcast_in_dim3A_1885 : vector<16x1xi32> to vector<16xi32>
    %gather3A_1887 = tpu.dynamic_gather %get3A_1877[%gather3A_1886] in [0] : vector<16xi32>, vector<16xi32> -> vector<16xi32>
    %lt3A_1888 = arith.constant 0 : i32
    %lt3A_1889 = vector.broadcast %lt3A_1888 : i32 to vector<16xi32>
    %lt3A_1890 = arith.cmpi slt, %select_n3A, %lt3A_1889 : vector<16xi32>
    %add3A_1891 = arith.constant 16 : i32
    %add3A_1892 = vector.broadcast %add3A_1891 : i32 to vector<16xi32>
    %add3A_1893 = arith.addi %select_n3A, %add3A_1892 : vector<16xi32>
    %select_n3A_1894 = arith.select %lt3A_1890, %add3A_1893, %select_n3A : vector<16xi1>, vector<16xi32>
    %broadcast_in_dim3A_1895 = vector.shape_cast %select_n3A_1894 : vector<16xi32> to vector<16x1xi32>
    %gather3A_1896 = vector.shape_cast %broadcast_in_dim3A_1895 : vector<16x1xi32> to vector<16xi32>
    %gather3A_1897 = tpu.dynamic_gather %get3A_1874[%gather3A_1896] in [0] : vector<16xi32>, vector<16xi32> -> vector<16xi32>
    %select_n3A_1898 = arith.select %eq3A_19, %gather3A_1887, %gather3A_1897 : vector<16xi1>, vector<16xi32>
    %add3A_1899 = arith.constant 480 : i32
    %add3A_1900 = arith.addi %mul3A_2, %add3A_1899 : i32
    %add3A_1901 = vector.broadcast %add3A_1900 : i32 to vector<16xi32>
    %add3A_1902 = arith.addi %add3A_1901, %iota3A : vector<16xi32>
    %rem3A_1903 = arith.constant 2048 : i32
    %rem3A_1904 = vector.broadcast %rem3A_1903 : i32 to vector<16xi32>
    %rem3A_1905 = arith.remsi %add3A_1902, %rem3A_1904 : vector<16xi32>
    %ne3A_1906 = arith.constant 2047 : i32
    %ne3A_1907 = vector.broadcast %ne3A_1906 : i32 to vector<16xi32>
    %ne3A_1908 = arith.cmpi ne, %rem3A_1905, %ne3A_1907 : vector<16xi32>
    %shift_left3A_1909 = arith.constant 9 : i32
    %shift_left3A_1910 = vector.broadcast %shift_left3A_1909 : i32 to vector<16xi32>
    %shift_left3A_1911 = arith.shli %get3A_1874, %shift_left3A_1910 : vector<16xi32>
    %shift_right_arithmetic3A_1912 = arith.constant 1 : i32
    %shift_right_arithmetic3A_1913 = vector.broadcast %shift_right_arithmetic3A_1912 : i32 to vector<16xi32>
    %shift_right_arithmetic3A_1914 = arith.shrsi %select_n3A_1898, %shift_right_arithmetic3A_1913 : vector<16xi32>
    %add3A_1915 = arith.addi %shift_left3A_1911, %shift_right_arithmetic3A_1914 : vector<16xi32>
    %jit3A_1916 = arith.constant 0 : i32
    %broadcast_in_dim3A_1917 = vector.broadcast %jit3A_1916 : i32 to vector<16xi32>
    %select_n3A_1918 = arith.select %ne3A_1908, %add3A_1915, %broadcast_in_dim3A_1917 : vector<16xi1>, vector<16xi32>
    %swap3A_1919 = arith.constant 3 : i32
    %swap3A_1920 = arith.index_cast %swap3A_1919 : i32 to index
    %swap3A_1921 = arith.constant 96 : index
    %swap3A_1922 = tpu.vector_load %arg6[%swap3A_1920, %swap3A_1921] {strides = array<i32>} : memref<4x128xi32, #tpu.memory_space<vmem>>, vector<1x16xi32>,
    %swap3A_1923 = vector.shape_cast %swap3A_1922 : vector<1x16xi32> to vector<16xi32>
    %swap3A_1924 = vector.shape_cast %select_n3A_1918 : vector<16xi32> to vector<1x16xi32>
    tpu.vector_store %arg6[%swap3A_1920, %swap3A_1921], %swap3A_1924 {strides = array<i32>} : memref<4x128xi32, #tpu.memory_space<vmem>>, vector<1x16xi32>,
    %and3A_1925 = arith.constant 1 : i32
    %and3A_1926 = vector.broadcast %and3A_1925 : i32 to vector<16xi32>
    %and3A_1927 = arith.andi %select_n3A_1898, %and3A_1926 : vector<16xi32>
    %swap3A_1928 = arith.constant 3 : i32
    %swap3A_1929 = arith.index_cast %swap3A_1928 : i32 to index
    %swap3A_1930 = arith.constant 96 : index
    %swap3A_1931 = tpu.vector_load %arg7[%swap3A_1929, %swap3A_1930] {strides = array<i32>} : memref<4x128xi32, #tpu.memory_space<vmem>>, vector<1x16xi32>,
    %swap3A_1932 = vector.shape_cast %swap3A_1931 : vector<1x16xi32> to vector<16xi32>
    %swap3A_1933 = vector.shape_cast %and3A_1927 : vector<16xi32> to vector<1x16xi32>
    tpu.vector_store %arg7[%swap3A_1929, %swap3A_1930], %swap3A_1933 {strides = array<i32>} : memref<4x128xi32, #tpu.memory_space<vmem>>, vector<1x16xi32>,
    %get3A_1934 = arith.constant 496 : index
    %get3A_1935 = tpu.vector_load %arg5[%get3A_1934] {strides = array<i32>} : memref<528xi32, #tpu.memory_space<vmem>>, vector<16xi32>,
    %get3A_1936 = vector.shape_cast %get3A_1935 : vector<16xi32> to vector<16xi32>
    %get3A_1937 = arith.constant 512 : index
    %get3A_1938 = tpu.vector_load %arg5[%get3A_1937] {strides = array<i32>} : memref<528xi32, #tpu.memory_space<vmem>>, vector<16xi32>,
    %get3A_1939 = vector.shape_cast %get3A_1938 : vector<16xi32> to vector<16xi32>
    %lt3A_1940 = arith.constant 0 : i32
    %lt3A_1941 = vector.broadcast %lt3A_1940 : i32 to vector<16xi32>
    %lt3A_1942 = arith.cmpi slt, %broadcast_in_dim3A_16, %lt3A_1941 : vector<16xi32>
    %add3A_1943 = arith.constant 16 : i32
    %add3A_1944 = vector.broadcast %add3A_1943 : i32 to vector<16xi32>
    %add3A_1945 = arith.addi %broadcast_in_dim3A_16, %add3A_1944 : vector<16xi32>
    %select_n3A_1946 = arith.select %lt3A_1942, %add3A_1945, %broadcast_in_dim3A_16 : vector<16xi1>, vector<16xi32>
    %broadcast_in_dim3A_1947 = vector.shape_cast %select_n3A_1946 : vector<16xi32> to vector<16x1xi32>
    %gather3A_1948 = vector.shape_cast %broadcast_in_dim3A_1947 : vector<16x1xi32> to vector<16xi32>
    %gather3A_1949 = tpu.dynamic_gather %get3A_1939[%gather3A_1948] in [0] : vector<16xi32>, vector<16xi32> -> vector<16xi32>
    %lt3A_1950 = arith.constant 0 : i32
    %lt3A_1951 = vector.broadcast %lt3A_1950 : i32 to vector<16xi32>
    %lt3A_1952 = arith.cmpi slt, %select_n3A, %lt3A_1951 : vector<16xi32>
    %add3A_1953 = arith.constant 16 : i32
    %add3A_1954 = vector.broadcast %add3A_1953 : i32 to vector<16xi32>
    %add3A_1955 = arith.addi %select_n3A, %add3A_1954 : vector<16xi32>
    %select_n3A_1956 = arith.select %lt3A_1952, %add3A_1955, %select_n3A : vector<16xi1>, vector<16xi32>
    %broadcast_in_dim3A_1957 = vector.shape_cast %select_n3A_1956 : vector<16xi32> to vector<16x1xi32>
    %gather3A_1958 = vector.shape_cast %broadcast_in_dim3A_1957 : vector<16x1xi32> to vector<16xi32>
    %gather3A_1959 = tpu.dynamic_gather %get3A_1936[%gather3A_1958] in [0] : vector<16xi32>, vector<16xi32> -> vector<16xi32>
    %select_n3A_1960 = arith.select %eq3A_19, %gather3A_1949, %gather3A_1959 : vector<16xi1>, vector<16xi32>
    %add3A_1961 = arith.constant 496 : i32
    %add3A_1962 = arith.addi %mul3A_2, %add3A_1961 : i32
    %add3A_1963 = vector.broadcast %add3A_1962 : i32 to vector<16xi32>
    %add3A_1964 = arith.addi %add3A_1963, %iota3A : vector<16xi32>
    %rem3A_1965 = arith.constant 2048 : i32
    %rem3A_1966 = vector.broadcast %rem3A_1965 : i32 to vector<16xi32>
    %rem3A_1967 = arith.remsi %add3A_1964, %rem3A_1966 : vector<16xi32>
    %ne3A_1968 = arith.constant 2047 : i32
    %ne3A_1969 = vector.broadcast %ne3A_1968 : i32 to vector<16xi32>
    %ne3A_1970 = arith.cmpi ne, %rem3A_1967, %ne3A_1969 : vector<16xi32>
    %shift_left3A_1971 = arith.constant 9 : i32
    %shift_left3A_1972 = vector.broadcast %shift_left3A_1971 : i32 to vector<16xi32>
    %shift_left3A_1973 = arith.shli %get3A_1936, %shift_left3A_1972 : vector<16xi32>
    %shift_right_arithmetic3A_1974 = arith.constant 1 : i32
    %shift_right_arithmetic3A_1975 = vector.broadcast %shift_right_arithmetic3A_1974 : i32 to vector<16xi32>
    %shift_right_arithmetic3A_1976 = arith.shrsi %select_n3A_1960, %shift_right_arithmetic3A_1975 : vector<16xi32>
    %add3A_1977 = arith.addi %shift_left3A_1973, %shift_right_arithmetic3A_1976 : vector<16xi32>
    %jit3A_1978 = arith.constant 0 : i32
    %broadcast_in_dim3A_1979 = vector.broadcast %jit3A_1978 : i32 to vector<16xi32>
    %select_n3A_1980 = arith.select %ne3A_1970, %add3A_1977, %broadcast_in_dim3A_1979 : vector<16xi1>, vector<16xi32>
    %swap3A_1981 = arith.constant 3 : i32
    %swap3A_1982 = arith.index_cast %swap3A_1981 : i32 to index
    %swap3A_1983 = arith.constant 112 : index
    %swap3A_1984 = tpu.vector_load %arg6[%swap3A_1982, %swap3A_1983] {strides = array<i32>} : memref<4x128xi32, #tpu.memory_space<vmem>>, vector<1x16xi32>,
    %swap3A_1985 = vector.shape_cast %swap3A_1984 : vector<1x16xi32> to vector<16xi32>
    %swap3A_1986 = vector.shape_cast %select_n3A_1980 : vector<16xi32> to vector<1x16xi32>
    tpu.vector_store %arg6[%swap3A_1982, %swap3A_1983], %swap3A_1986 {strides = array<i32>} : memref<4x128xi32, #tpu.memory_space<vmem>>, vector<1x16xi32>,
    %and3A_1987 = arith.constant 1 : i32
    %and3A_1988 = vector.broadcast %and3A_1987 : i32 to vector<16xi32>
    %and3A_1989 = arith.andi %select_n3A_1960, %and3A_1988 : vector<16xi32>
    %swap3A_1990 = arith.constant 3 : i32
    %swap3A_1991 = arith.index_cast %swap3A_1990 : i32 to index
    %swap3A_1992 = arith.constant 112 : index
    %swap3A_1993 = tpu.vector_load %arg7[%swap3A_1991, %swap3A_1992] {strides = array<i32>} : memref<4x128xi32, #tpu.memory_space<vmem>>, vector<1x16xi32>,
    %swap3A_1994 = vector.shape_cast %swap3A_1993 : vector<1x16xi32> to vector<16xi32>
    %swap3A_1995 = vector.shape_cast %and3A_1989 : vector<16xi32> to vector<1x16xi32>
    tpu.vector_store %arg7[%swap3A_1991, %swap3A_1992], %swap3A_1995 {strides = array<i32>} : memref<4x128xi32, #tpu.memory_space<vmem>>, vector<1x16xi32>,
    %dma_start3A = arith.constant 0 : i32
    %dma_start3A_1996 = arith.constant 0 : i32
    %dma_start3A_1997 = arith.constant 0 : i32
    %dma_start3A_1998 = tpu.memref_slice %arg8[%dma_start3A_1996, %dma_start3A_1997] : memref<4x128xi32, #tpu.memory_space<vmem>> -> memref<1x128xi32, #tpu.memory_space<vmem>>
    %dma_start3A_1999 = tpu.memref_squeeze %dma_start3A_1998 : memref<1x128xi32, #tpu.memory_space<vmem>> -> memref<128xi32, #tpu.memory_space<vmem>>
    %dma_start3A_2000 = arith.constant 0 : i32
    %dma_start3A_2001 = tpu.memref_slice %arg6[%dma_start3A, %dma_start3A_2000] : memref<4x128xi32, #tpu.memory_space<vmem>> -> memref<1x128xi32, #tpu.memory_space<vmem>>
    %dma_start3A_2002 = tpu.memref_squeeze %dma_start3A_2001 : memref<1x128xi32, #tpu.memory_space<vmem>> -> memref<128xi32, #tpu.memory_space<vmem>>
    %dma_start3A_2003 = arith.constant 0 : i32
    %dma_start3A_2004 = tpu.memref_slice %arg2[%dma_start3A_2003] : memref<512000xi32, #tpu.memory_space<hbm>> -> memref<512000xi32, #tpu.memory_space<hbm>>
    tpu.enqueue_indirect_dma source(%dma_start3A_2004 : memref<512000xi32, #tpu.memory_space<hbm>>) target(%dma_start3A_1999 : memref<128xi32, #tpu.memory_space<vmem>>) offsets(%dma_start3A_2002 : memref<128xi32, #tpu.memory_space<vmem>>) semaphore(%arg10 : memref<!tpu.dma_semaphore, #tpu.memory_space<semaphore_mem>>)
    %dma_start3A_2005 = arith.constant 1 : i32
    %dma_start3A_2006 = arith.constant 1 : i32
    %dma_start3A_2007 = arith.constant 0 : i32
    %dma_start3A_2008 = tpu.memref_slice %arg8[%dma_start3A_2006, %dma_start3A_2007] : memref<4x128xi32, #tpu.memory_space<vmem>> -> memref<1x128xi32, #tpu.memory_space<vmem>>
    %dma_start3A_2009 = tpu.memref_squeeze %dma_start3A_2008 : memref<1x128xi32, #tpu.memory_space<vmem>> -> memref<128xi32, #tpu.memory_space<vmem>>
    %dma_start3A_2010 = arith.constant 0 : i32
    %dma_start3A_2011 = tpu.memref_slice %arg6[%dma_start3A_2005, %dma_start3A_2010] : memref<4x128xi32, #tpu.memory_space<vmem>> -> memref<1x128xi32, #tpu.memory_space<vmem>>
    %dma_start3A_2012 = tpu.memref_squeeze %dma_start3A_2011 : memref<1x128xi32, #tpu.memory_space<vmem>> -> memref<128xi32, #tpu.memory_space<vmem>>
    %dma_start3A_2013 = arith.constant 0 : i32
    %dma_start3A_2014 = tpu.memref_slice %arg2[%dma_start3A_2013] : memref<512000xi32, #tpu.memory_space<hbm>> -> memref<512000xi32, #tpu.memory_space<hbm>>
    tpu.enqueue_indirect_dma source(%dma_start3A_2014 : memref<512000xi32, #tpu.memory_space<hbm>>) target(%dma_start3A_2009 : memref<128xi32, #tpu.memory_space<vmem>>) offsets(%dma_start3A_2012 : memref<128xi32, #tpu.memory_space<vmem>>) semaphore(%arg10 : memref<!tpu.dma_semaphore, #tpu.memory_space<semaphore_mem>>)
    %dma_start3A_2015 = arith.constant 2 : i32
    %dma_start3A_2016 = arith.constant 2 : i32
    %dma_start3A_2017 = arith.constant 0 : i32
    %dma_start3A_2018 = tpu.memref_slice %arg8[%dma_start3A_2016, %dma_start3A_2017] : memref<4x128xi32, #tpu.memory_space<vmem>> -> memref<1x128xi32, #tpu.memory_space<vmem>>
    %dma_start3A_2019 = tpu.memref_squeeze %dma_start3A_2018 : memref<1x128xi32, #tpu.memory_space<vmem>> -> memref<128xi32, #tpu.memory_space<vmem>>
    %dma_start3A_2020 = arith.constant 0 : i32
    %dma_start3A_2021 = tpu.memref_slice %arg6[%dma_start3A_2015, %dma_start3A_2020] : memref<4x128xi32, #tpu.memory_space<vmem>> -> memref<1x128xi32, #tpu.memory_space<vmem>>
    %dma_start3A_2022 = tpu.memref_squeeze %dma_start3A_2021 : memref<1x128xi32, #tpu.memory_space<vmem>> -> memref<128xi32, #tpu.memory_space<vmem>>
    %dma_start3A_2023 = arith.constant 0 : i32
    %dma_start3A_2024 = tpu.memref_slice %arg2[%dma_start3A_2023] : memref<512000xi32, #tpu.memory_space<hbm>> -> memref<512000xi32, #tpu.memory_space<hbm>>
    tpu.enqueue_indirect_dma source(%dma_start3A_2024 : memref<512000xi32, #tpu.memory_space<hbm>>) target(%dma_start3A_2019 : memref<128xi32, #tpu.memory_space<vmem>>) offsets(%dma_start3A_2022 : memref<128xi32, #tpu.memory_space<vmem>>) semaphore(%arg10 : memref<!tpu.dma_semaphore, #tpu.memory_space<semaphore_mem>>)
    %dma_start3A_2025 = arith.constant 3 : i32
    %dma_start3A_2026 = arith.constant 3 : i32
    %dma_start3A_2027 = arith.constant 0 : i32
    %dma_start3A_2028 = tpu.memref_slice %arg8[%dma_start3A_2026, %dma_start3A_2027] : memref<4x128xi32, #tpu.memory_space<vmem>> -> memref<1x128xi32, #tpu.memory_space<vmem>>
    %dma_start3A_2029 = tpu.memref_squeeze %dma_start3A_2028 : memref<1x128xi32, #tpu.memory_space<vmem>> -> memref<128xi32, #tpu.memory_space<vmem>>
    %dma_start3A_2030 = arith.constant 0 : i32
    %dma_start3A_2031 = tpu.memref_slice %arg6[%dma_start3A_2025, %dma_start3A_2030] : memref<4x128xi32, #tpu.memory_space<vmem>> -> memref<1x128xi32, #tpu.memory_space<vmem>>
    %dma_start3A_2032 = tpu.memref_squeeze %dma_start3A_2031 : memref<1x128xi32, #tpu.memory_space<vmem>> -> memref<128xi32, #tpu.memory_space<vmem>>
    %dma_start3A_2033 = arith.constant 0 : i32
    %dma_start3A_2034 = tpu.memref_slice %arg2[%dma_start3A_2033] : memref<512000xi32, #tpu.memory_space<hbm>> -> memref<512000xi32, #tpu.memory_space<hbm>>
    tpu.enqueue_indirect_dma source(%dma_start3A_2034 : memref<512000xi32, #tpu.memory_space<hbm>>) target(%dma_start3A_2029 : memref<128xi32, #tpu.memory_space<vmem>>) offsets(%dma_start3A_2032 : memref<128xi32, #tpu.memory_space<vmem>>) semaphore(%arg10 : memref<!tpu.dma_semaphore, #tpu.memory_space<semaphore_mem>>)
    %dma_wait3A = arith.constant 0 : i32
    %dma_wait3A_2035 = arith.constant 0 : i32
    %dma_wait3A_2036 = arith.constant 0 : i32
    %dma_wait3A_2037 = tpu.memref_slice %arg8[%dma_wait3A_2035, %dma_wait3A_2036] : memref<4x128xi32, #tpu.memory_space<vmem>> -> memref<1x128xi32, #tpu.memory_space<vmem>>
    %dma_wait3A_2038 = tpu.memref_squeeze %dma_wait3A_2037 : memref<1x128xi32, #tpu.memory_space<vmem>> -> memref<128xi32, #tpu.memory_space<vmem>>
    %dma_wait3A_2039 = arith.constant 0 : i32
    %dma_wait3A_2040 = tpu.memref_slice %arg6[%dma_wait3A, %dma_wait3A_2039] : memref<4x128xi32, #tpu.memory_space<vmem>> -> memref<1x128xi32, #tpu.memory_space<vmem>>
    %dma_wait3A_2041 = tpu.memref_squeeze %dma_wait3A_2040 : memref<1x128xi32, #tpu.memory_space<vmem>> -> memref<128xi32, #tpu.memory_space<vmem>>
    %dma_wait3A_2042 = arith.constant 0 : i32
    %dma_wait3A_2043 = tpu.memref_slice %arg2[%dma_wait3A_2042] : memref<512000xi32, #tpu.memory_space<hbm>> -> memref<512000xi32, #tpu.memory_space<hbm>>
    tpu.wait_indirect_dma semaphore(%arg10 : memref<!tpu.dma_semaphore, #tpu.memory_space<semaphore_mem>>) src(%dma_wait3A_2043 : memref<512000xi32, #tpu.memory_space<hbm>>) dst(%dma_wait3A_2038 : memref<128xi32, #tpu.memory_space<vmem>>)
    %dma_wait3A_2044 = arith.constant 1 : i32
    %dma_wait3A_2045 = arith.constant 1 : i32
    %dma_wait3A_2046 = arith.constant 0 : i32
    %dma_wait3A_2047 = tpu.memref_slice %arg8[%dma_wait3A_2045, %dma_wait3A_2046] : memref<4x128xi32, #tpu.memory_space<vmem>> -> memref<1x128xi32, #tpu.memory_space<vmem>>
    %dma_wait3A_2048 = tpu.memref_squeeze %dma_wait3A_2047 : memref<1x128xi32, #tpu.memory_space<vmem>> -> memref<128xi32, #tpu.memory_space<vmem>>
    %dma_wait3A_2049 = arith.constant 0 : i32
    %dma_wait3A_2050 = tpu.memref_slice %arg6[%dma_wait3A_2044, %dma_wait3A_2049] : memref<4x128xi32, #tpu.memory_space<vmem>> -> memref<1x128xi32, #tpu.memory_space<vmem>>
    %dma_wait3A_2051 = tpu.memref_squeeze %dma_wait3A_2050 : memref<1x128xi32, #tpu.memory_space<vmem>> -> memref<128xi32, #tpu.memory_space<vmem>>
    %dma_wait3A_2052 = arith.constant 0 : i32
    %dma_wait3A_2053 = tpu.memref_slice %arg2[%dma_wait3A_2052] : memref<512000xi32, #tpu.memory_space<hbm>> -> memref<512000xi32, #tpu.memory_space<hbm>>
    tpu.wait_indirect_dma semaphore(%arg10 : memref<!tpu.dma_semaphore, #tpu.memory_space<semaphore_mem>>) src(%dma_wait3A_2053 : memref<512000xi32, #tpu.memory_space<hbm>>) dst(%dma_wait3A_2048 : memref<128xi32, #tpu.memory_space<vmem>>)
    %dma_wait3A_2054 = arith.constant 2 : i32
    %dma_wait3A_2055 = arith.constant 2 : i32
    %dma_wait3A_2056 = arith.constant 0 : i32
    %dma_wait3A_2057 = tpu.memref_slice %arg8[%dma_wait3A_2055, %dma_wait3A_2056] : memref<4x128xi32, #tpu.memory_space<vmem>> -> memref<1x128xi32, #tpu.memory_space<vmem>>
    %dma_wait3A_2058 = tpu.memref_squeeze %dma_wait3A_2057 : memref<1x128xi32, #tpu.memory_space<vmem>> -> memref<128xi32, #tpu.memory_space<vmem>>
    %dma_wait3A_2059 = arith.constant 0 : i32
    %dma_wait3A_2060 = tpu.memref_slice %arg6[%dma_wait3A_2054, %dma_wait3A_2059] : memref<4x128xi32, #tpu.memory_space<vmem>> -> memref<1x128xi32, #tpu.memory_space<vmem>>
    %dma_wait3A_2061 = tpu.memref_squeeze %dma_wait3A_2060 : memref<1x128xi32, #tpu.memory_space<vmem>> -> memref<128xi32, #tpu.memory_space<vmem>>
    %dma_wait3A_2062 = arith.constant 0 : i32
    %dma_wait3A_2063 = tpu.memref_slice %arg2[%dma_wait3A_2062] : memref<512000xi32, #tpu.memory_space<hbm>> -> memref<512000xi32, #tpu.memory_space<hbm>>
    tpu.wait_indirect_dma semaphore(%arg10 : memref<!tpu.dma_semaphore, #tpu.memory_space<semaphore_mem>>) src(%dma_wait3A_2063 : memref<512000xi32, #tpu.memory_space<hbm>>) dst(%dma_wait3A_2058 : memref<128xi32, #tpu.memory_space<vmem>>)
    %dma_wait3A_2064 = arith.constant 3 : i32
    %dma_wait3A_2065 = arith.constant 3 : i32
    %dma_wait3A_2066 = arith.constant 0 : i32
    %dma_wait3A_2067 = tpu.memref_slice %arg8[%dma_wait3A_2065, %dma_wait3A_2066] : memref<4x128xi32, #tpu.memory_space<vmem>> -> memref<1x128xi32, #tpu.memory_space<vmem>>
    %dma_wait3A_2068 = tpu.memref_squeeze %dma_wait3A_2067 : memref<1x128xi32, #tpu.memory_space<vmem>> -> memref<128xi32, #tpu.memory_space<vmem>>
    %dma_wait3A_2069 = arith.constant 0 : i32
    %dma_wait3A_2070 = tpu.memref_slice %arg6[%dma_wait3A_2064, %dma_wait3A_2069] : memref<4x128xi32, #tpu.memory_space<vmem>> -> memref<1x128xi32, #tpu.memory_space<vmem>>
    %dma_wait3A_2071 = tpu.memref_squeeze %dma_wait3A_2070 : memref<1x128xi32, #tpu.memory_space<vmem>> -> memref<128xi32, #tpu.memory_space<vmem>>
    %dma_wait3A_2072 = arith.constant 0 : i32
    %dma_wait3A_2073 = tpu.memref_slice %arg2[%dma_wait3A_2072] : memref<512000xi32, #tpu.memory_space<hbm>> -> memref<512000xi32, #tpu.memory_space<hbm>>
    tpu.wait_indirect_dma semaphore(%arg10 : memref<!tpu.dma_semaphore, #tpu.memory_space<semaphore_mem>>) src(%dma_wait3A_2073 : memref<512000xi32, #tpu.memory_space<hbm>>) dst(%dma_wait3A_2068 : memref<128xi32, #tpu.memory_space<vmem>>)
    %broadcast_in_dim3A_2074 = arith.constant 0.000000e+00 : f32
    %broadcast_in_dim3A_2075 = vector.broadcast %broadcast_in_dim3A_2074 : f32 to vector<16xf32>
    %add3A_2076 = arith.constant 0 : i32
    %add3A_2077 = arith.addi %mul3A_2, %add3A_2076 : i32
    %add3A_2078 = arith.constant 0 : i32
    %add3A_2079 = arith.addi %add3A_2077, %add3A_2078 : i32
    %add3A_2080 = vector.broadcast %add3A_2079 : i32 to vector<16xi32>
    %add3A_2081 = arith.addi %add3A_2080, %iota3A : vector<16xi32>
    %get3A_2082 = arith.constant 0 : i32
    %get3A_2083 = arith.index_cast %get3A_2082 : i32 to index
    %get3A_2084 = arith.constant 0 : index
    %get3A_2085 = tpu.vector_load %arg8[%get3A_2083, %get3A_2084] {strides = array<i32>} : memref<4x128xi32, #tpu.memory_space<vmem>>, vector<1x16xi32>,
    %get3A_2086 = vector.shape_cast %get3A_2085 : vector<1x16xi32> to vector<16xi32>
    %get3A_2087 = arith.constant 0 : i32
    %get3A_2088 = arith.index_cast %get3A_2087 : i32 to index
    %get3A_2089 = arith.constant 0 : index
    %get3A_2090 = tpu.vector_load %arg7[%get3A_2088, %get3A_2089] {strides = array<i32>} : memref<4x128xi32, #tpu.memory_space<vmem>>, vector<1x16xi32>,
    %get3A_2091 = vector.shape_cast %get3A_2090 : vector<1x16xi32> to vector<16xi32>
    %ne3A_2092 = arith.constant 0 : i32
    %ne3A_2093 = vector.broadcast %ne3A_2092 : i32 to vector<16xi32>
    %ne3A_2094 = arith.cmpi ne, %get3A_2091, %ne3A_2093 : vector<16xi32>
    %and3A_2095 = arith.constant -65536 : i32
    %and3A_2096 = vector.broadcast %and3A_2095 : i32 to vector<16xi32>
    %and3A_2097 = arith.andi %get3A_2086, %and3A_2096 : vector<16xi32>
    %shift_left3A_2098 = arith.constant 16 : i32
    %shift_left3A_2099 = vector.broadcast %shift_left3A_2098 : i32 to vector<16xi32>
    %shift_left3A_2100 = arith.shli %get3A_2086, %shift_left3A_2099 : vector<16xi32>
    %select_n3A_2101 = arith.select %ne3A_2094, %and3A_2097, %shift_left3A_2100 : vector<16xi1>, vector<16xi32>
    %bitcast_convert_type3A = tpu.bitcast %select_n3A_2101 : vector<16xi32> -> vector<16xf32>
    %rem3A_2102 = arith.constant 2048 : i32
    %rem3A_2103 = vector.broadcast %rem3A_2102 : i32 to vector<16xi32>
    %rem3A_2104 = arith.remsi %add3A_2081, %rem3A_2103 : vector<16xi32>
    %ne3A_2105 = arith.constant 2047 : i32
    %ne3A_2106 = vector.broadcast %ne3A_2105 : i32 to vector<16xi32>
    %ne3A_2107 = arith.cmpi ne, %rem3A_2104, %ne3A_2106 : vector<16xi32>
    %jit3A_2108 = arith.constant 0.000000e+00 : f32
    %broadcast_in_dim3A_2109 = vector.broadcast %jit3A_2108 : f32 to vector<16xf32>
    %select_n3A_2110 = arith.select %ne3A_2107, %bitcast_convert_type3A, %broadcast_in_dim3A_2109 : vector<16xi1>, vector<16xf32>
    %add3A_2111 = arith.addf %broadcast_in_dim3A_2075, %select_n3A_2110 : vector<16xf32>
    %add3A_2112 = arith.constant 0 : i32
    %add3A_2113 = arith.addi %mul3A_2, %add3A_2112 : i32
    %add3A_2114 = arith.constant 16 : i32
    %add3A_2115 = arith.addi %add3A_2113, %add3A_2114 : i32
    %add3A_2116 = vector.broadcast %add3A_2115 : i32 to vector<16xi32>
    %add3A_2117 = arith.addi %add3A_2116, %iota3A : vector<16xi32>
    %get3A_2118 = arith.constant 0 : i32
    %get3A_2119 = arith.index_cast %get3A_2118 : i32 to index
    %get3A_2120 = arith.constant 16 : index
    %get3A_2121 = tpu.vector_load %arg8[%get3A_2119, %get3A_2120] {strides = array<i32>} : memref<4x128xi32, #tpu.memory_space<vmem>>, vector<1x16xi32>,
    %get3A_2122 = vector.shape_cast %get3A_2121 : vector<1x16xi32> to vector<16xi32>
    %get3A_2123 = arith.constant 0 : i32
    %get3A_2124 = arith.index_cast %get3A_2123 : i32 to index
    %get3A_2125 = arith.constant 16 : index
    %get3A_2126 = tpu.vector_load %arg7[%get3A_2124, %get3A_2125] {strides = array<i32>} : memref<4x128xi32, #tpu.memory_space<vmem>>, vector<1x16xi32>,
    %get3A_2127 = vector.shape_cast %get3A_2126 : vector<1x16xi32> to vector<16xi32>
    %ne3A_2128 = arith.constant 0 : i32
    %ne3A_2129 = vector.broadcast %ne3A_2128 : i32 to vector<16xi32>
    %ne3A_2130 = arith.cmpi ne, %get3A_2127, %ne3A_2129 : vector<16xi32>
    %and3A_2131 = arith.constant -65536 : i32
    %and3A_2132 = vector.broadcast %and3A_2131 : i32 to vector<16xi32>
    %and3A_2133 = arith.andi %get3A_2122, %and3A_2132 : vector<16xi32>
    %shift_left3A_2134 = arith.constant 16 : i32
    %shift_left3A_2135 = vector.broadcast %shift_left3A_2134 : i32 to vector<16xi32>
    %shift_left3A_2136 = arith.shli %get3A_2122, %shift_left3A_2135 : vector<16xi32>
    %select_n3A_2137 = arith.select %ne3A_2130, %and3A_2133, %shift_left3A_2136 : vector<16xi1>, vector<16xi32>
    %bitcast_convert_type3A_2138 = tpu.bitcast %select_n3A_2137 : vector<16xi32> -> vector<16xf32>
    %rem3A_2139 = arith.constant 2048 : i32
    %rem3A_2140 = vector.broadcast %rem3A_2139 : i32 to vector<16xi32>
    %rem3A_2141 = arith.remsi %add3A_2117, %rem3A_2140 : vector<16xi32>
    %ne3A_2142 = arith.constant 2047 : i32
    %ne3A_2143 = vector.broadcast %ne3A_2142 : i32 to vector<16xi32>
    %ne3A_2144 = arith.cmpi ne, %rem3A_2141, %ne3A_2143 : vector<16xi32>
    %jit3A_2145 = arith.constant 0.000000e+00 : f32
    %broadcast_in_dim3A_2146 = vector.broadcast %jit3A_2145 : f32 to vector<16xf32>
    %select_n3A_2147 = arith.select %ne3A_2144, %bitcast_convert_type3A_2138, %broadcast_in_dim3A_2146 : vector<16xi1>, vector<16xf32>
    %add3A_2148 = arith.addf %add3A_2111, %select_n3A_2147 : vector<16xf32>
    %add3A_2149 = arith.constant 0 : i32
    %add3A_2150 = arith.addi %mul3A_2, %add3A_2149 : i32
    %add3A_2151 = arith.constant 32 : i32
    %add3A_2152 = arith.addi %add3A_2150, %add3A_2151 : i32
    %add3A_2153 = vector.broadcast %add3A_2152 : i32 to vector<16xi32>
    %add3A_2154 = arith.addi %add3A_2153, %iota3A : vector<16xi32>
    %get3A_2155 = arith.constant 0 : i32
    %get3A_2156 = arith.index_cast %get3A_2155 : i32 to index
    %get3A_2157 = arith.constant 32 : index
    %get3A_2158 = tpu.vector_load %arg8[%get3A_2156, %get3A_2157] {strides = array<i32>} : memref<4x128xi32, #tpu.memory_space<vmem>>, vector<1x16xi32>,
    %get3A_2159 = vector.shape_cast %get3A_2158 : vector<1x16xi32> to vector<16xi32>
    %get3A_2160 = arith.constant 0 : i32
    %get3A_2161 = arith.index_cast %get3A_2160 : i32 to index
    %get3A_2162 = arith.constant 32 : index
    %get3A_2163 = tpu.vector_load %arg7[%get3A_2161, %get3A_2162] {strides = array<i32>} : memref<4x128xi32, #tpu.memory_space<vmem>>, vector<1x16xi32>,
    %get3A_2164 = vector.shape_cast %get3A_2163 : vector<1x16xi32> to vector<16xi32>
    %ne3A_2165 = arith.constant 0 : i32
    %ne3A_2166 = vector.broadcast %ne3A_2165 : i32 to vector<16xi32>
    %ne3A_2167 = arith.cmpi ne, %get3A_2164, %ne3A_2166 : vector<16xi32>
    %and3A_2168 = arith.constant -65536 : i32
    %and3A_2169 = vector.broadcast %and3A_2168 : i32 to vector<16xi32>
    %and3A_2170 = arith.andi %get3A_2159, %and3A_2169 : vector<16xi32>
    %shift_left3A_2171 = arith.constant 16 : i32
    %shift_left3A_2172 = vector.broadcast %shift_left3A_2171 : i32 to vector<16xi32>
    %shift_left3A_2173 = arith.shli %get3A_2159, %shift_left3A_2172 : vector<16xi32>
    %select_n3A_2174 = arith.select %ne3A_2167, %and3A_2170, %shift_left3A_2173 : vector<16xi1>, vector<16xi32>
    %bitcast_convert_type3A_2175 = tpu.bitcast %select_n3A_2174 : vector<16xi32> -> vector<16xf32>
    %rem3A_2176 = arith.constant 2048 : i32
    %rem3A_2177 = vector.broadcast %rem3A_2176 : i32 to vector<16xi32>
    %rem3A_2178 = arith.remsi %add3A_2154, %rem3A_2177 : vector<16xi32>
    %ne3A_2179 = arith.constant 2047 : i32
    %ne3A_2180 = vector.broadcast %ne3A_2179 : i32 to vector<16xi32>
    %ne3A_2181 = arith.cmpi ne, %rem3A_2178, %ne3A_2180 : vector<16xi32>
    %jit3A_2182 = arith.constant 0.000000e+00 : f32
    %broadcast_in_dim3A_2183 = vector.broadcast %jit3A_2182 : f32 to vector<16xf32>
    %select_n3A_2184 = arith.select %ne3A_2181, %bitcast_convert_type3A_2175, %broadcast_in_dim3A_2183 : vector<16xi1>, vector<16xf32>
    %add3A_2185 = arith.addf %add3A_2148, %select_n3A_2184 : vector<16xf32>
    %add3A_2186 = arith.constant 0 : i32
    %add3A_2187 = arith.addi %mul3A_2, %add3A_2186 : i32
    %add3A_2188 = arith.constant 48 : i32
    %add3A_2189 = arith.addi %add3A_2187, %add3A_2188 : i32
    %add3A_2190 = vector.broadcast %add3A_2189 : i32 to vector<16xi32>
    %add3A_2191 = arith.addi %add3A_2190, %iota3A : vector<16xi32>
    %get3A_2192 = arith.constant 0 : i32
    %get3A_2193 = arith.index_cast %get3A_2192 : i32 to index
    %get3A_2194 = arith.constant 48 : index
    %get3A_2195 = tpu.vector_load %arg8[%get3A_2193, %get3A_2194] {strides = array<i32>} : memref<4x128xi32, #tpu.memory_space<vmem>>, vector<1x16xi32>,
    %get3A_2196 = vector.shape_cast %get3A_2195 : vector<1x16xi32> to vector<16xi32>
    %get3A_2197 = arith.constant 0 : i32
    %get3A_2198 = arith.index_cast %get3A_2197 : i32 to index
    %get3A_2199 = arith.constant 48 : index
    %get3A_2200 = tpu.vector_load %arg7[%get3A_2198, %get3A_2199] {strides = array<i32>} : memref<4x128xi32, #tpu.memory_space<vmem>>, vector<1x16xi32>,
    %get3A_2201 = vector.shape_cast %get3A_2200 : vector<1x16xi32> to vector<16xi32>
    %ne3A_2202 = arith.constant 0 : i32
    %ne3A_2203 = vector.broadcast %ne3A_2202 : i32 to vector<16xi32>
    %ne3A_2204 = arith.cmpi ne, %get3A_2201, %ne3A_2203 : vector<16xi32>
    %and3A_2205 = arith.constant -65536 : i32
    %and3A_2206 = vector.broadcast %and3A_2205 : i32 to vector<16xi32>
    %and3A_2207 = arith.andi %get3A_2196, %and3A_2206 : vector<16xi32>
    %shift_left3A_2208 = arith.constant 16 : i32
    %shift_left3A_2209 = vector.broadcast %shift_left3A_2208 : i32 to vector<16xi32>
    %shift_left3A_2210 = arith.shli %get3A_2196, %shift_left3A_2209 : vector<16xi32>
    %select_n3A_2211 = arith.select %ne3A_2204, %and3A_2207, %shift_left3A_2210 : vector<16xi1>, vector<16xi32>
    %bitcast_convert_type3A_2212 = tpu.bitcast %select_n3A_2211 : vector<16xi32> -> vector<16xf32>
    %rem3A_2213 = arith.constant 2048 : i32
    %rem3A_2214 = vector.broadcast %rem3A_2213 : i32 to vector<16xi32>
    %rem3A_2215 = arith.remsi %add3A_2191, %rem3A_2214 : vector<16xi32>
    %ne3A_2216 = arith.constant 2047 : i32
    %ne3A_2217 = vector.broadcast %ne3A_2216 : i32 to vector<16xi32>
    %ne3A_2218 = arith.cmpi ne, %rem3A_2215, %ne3A_2217 : vector<16xi32>
    %jit3A_2219 = arith.constant 0.000000e+00 : f32
    %broadcast_in_dim3A_2220 = vector.broadcast %jit3A_2219 : f32 to vector<16xf32>
    %select_n3A_2221 = arith.select %ne3A_2218, %bitcast_convert_type3A_2212, %broadcast_in_dim3A_2220 : vector<16xi1>, vector<16xf32>
    %add3A_2222 = arith.addf %add3A_2185, %select_n3A_2221 : vector<16xf32>
    %add3A_2223 = arith.constant 0 : i32
    %add3A_2224 = arith.addi %mul3A_2, %add3A_2223 : i32
    %add3A_2225 = arith.constant 64 : i32
    %add3A_2226 = arith.addi %add3A_2224, %add3A_2225 : i32
    %add3A_2227 = vector.broadcast %add3A_2226 : i32 to vector<16xi32>
    %add3A_2228 = arith.addi %add3A_2227, %iota3A : vector<16xi32>
    %get3A_2229 = arith.constant 0 : i32
    %get3A_2230 = arith.index_cast %get3A_2229 : i32 to index
    %get3A_2231 = arith.constant 64 : index
    %get3A_2232 = tpu.vector_load %arg8[%get3A_2230, %get3A_2231] {strides = array<i32>} : memref<4x128xi32, #tpu.memory_space<vmem>>, vector<1x16xi32>,
    %get3A_2233 = vector.shape_cast %get3A_2232 : vector<1x16xi32> to vector<16xi32>
    %get3A_2234 = arith.constant 0 : i32
    %get3A_2235 = arith.index_cast %get3A_2234 : i32 to index
    %get3A_2236 = arith.constant 64 : index
    %get3A_2237 = tpu.vector_load %arg7[%get3A_2235, %get3A_2236] {strides = array<i32>} : memref<4x128xi32, #tpu.memory_space<vmem>>, vector<1x16xi32>,
    %get3A_2238 = vector.shape_cast %get3A_2237 : vector<1x16xi32> to vector<16xi32>
    %ne3A_2239 = arith.constant 0 : i32
    %ne3A_2240 = vector.broadcast %ne3A_2239 : i32 to vector<16xi32>
    %ne3A_2241 = arith.cmpi ne, %get3A_2238, %ne3A_2240 : vector<16xi32>
    %and3A_2242 = arith.constant -65536 : i32
    %and3A_2243 = vector.broadcast %and3A_2242 : i32 to vector<16xi32>
    %and3A_2244 = arith.andi %get3A_2233, %and3A_2243 : vector<16xi32>
    %shift_left3A_2245 = arith.constant 16 : i32
    %shift_left3A_2246 = vector.broadcast %shift_left3A_2245 : i32 to vector<16xi32>
    %shift_left3A_2247 = arith.shli %get3A_2233, %shift_left3A_2246 : vector<16xi32>
    %select_n3A_2248 = arith.select %ne3A_2241, %and3A_2244, %shift_left3A_2247 : vector<16xi1>, vector<16xi32>
    %bitcast_convert_type3A_2249 = tpu.bitcast %select_n3A_2248 : vector<16xi32> -> vector<16xf32>
    %rem3A_2250 = arith.constant 2048 : i32
    %rem3A_2251 = vector.broadcast %rem3A_2250 : i32 to vector<16xi32>
    %rem3A_2252 = arith.remsi %add3A_2228, %rem3A_2251 : vector<16xi32>
    %ne3A_2253 = arith.constant 2047 : i32
    %ne3A_2254 = vector.broadcast %ne3A_2253 : i32 to vector<16xi32>
    %ne3A_2255 = arith.cmpi ne, %rem3A_2252, %ne3A_2254 : vector<16xi32>
    %jit3A_2256 = arith.constant 0.000000e+00 : f32
    %broadcast_in_dim3A_2257 = vector.broadcast %jit3A_2256 : f32 to vector<16xf32>
    %select_n3A_2258 = arith.select %ne3A_2255, %bitcast_convert_type3A_2249, %broadcast_in_dim3A_2257 : vector<16xi1>, vector<16xf32>
    %add3A_2259 = arith.addf %add3A_2222, %select_n3A_2258 : vector<16xf32>
    %add3A_2260 = arith.constant 0 : i32
    %add3A_2261 = arith.addi %mul3A_2, %add3A_2260 : i32
    %add3A_2262 = arith.constant 80 : i32
    %add3A_2263 = arith.addi %add3A_2261, %add3A_2262 : i32
    %add3A_2264 = vector.broadcast %add3A_2263 : i32 to vector<16xi32>
    %add3A_2265 = arith.addi %add3A_2264, %iota3A : vector<16xi32>
    %get3A_2266 = arith.constant 0 : i32
    %get3A_2267 = arith.index_cast %get3A_2266 : i32 to index
    %get3A_2268 = arith.constant 80 : index
    %get3A_2269 = tpu.vector_load %arg8[%get3A_2267, %get3A_2268] {strides = array<i32>} : memref<4x128xi32, #tpu.memory_space<vmem>>, vector<1x16xi32>,
    %get3A_2270 = vector.shape_cast %get3A_2269 : vector<1x16xi32> to vector<16xi32>
    %get3A_2271 = arith.constant 0 : i32
    %get3A_2272 = arith.index_cast %get3A_2271 : i32 to index
    %get3A_2273 = arith.constant 80 : index
    %get3A_2274 = tpu.vector_load %arg7[%get3A_2272, %get3A_2273] {strides = array<i32>} : memref<4x128xi32, #tpu.memory_space<vmem>>, vector<1x16xi32>,
    %get3A_2275 = vector.shape_cast %get3A_2274 : vector<1x16xi32> to vector<16xi32>
    %ne3A_2276 = arith.constant 0 : i32
    %ne3A_2277 = vector.broadcast %ne3A_2276 : i32 to vector<16xi32>
    %ne3A_2278 = arith.cmpi ne, %get3A_2275, %ne3A_2277 : vector<16xi32>
    %and3A_2279 = arith.constant -65536 : i32
    %and3A_2280 = vector.broadcast %and3A_2279 : i32 to vector<16xi32>
    %and3A_2281 = arith.andi %get3A_2270, %and3A_2280 : vector<16xi32>
    %shift_left3A_2282 = arith.constant 16 : i32
    %shift_left3A_2283 = vector.broadcast %shift_left3A_2282 : i32 to vector<16xi32>
    %shift_left3A_2284 = arith.shli %get3A_2270, %shift_left3A_2283 : vector<16xi32>
    %select_n3A_2285 = arith.select %ne3A_2278, %and3A_2281, %shift_left3A_2284 : vector<16xi1>, vector<16xi32>
    %bitcast_convert_type3A_2286 = tpu.bitcast %select_n3A_2285 : vector<16xi32> -> vector<16xf32>
    %rem3A_2287 = arith.constant 2048 : i32
    %rem3A_2288 = vector.broadcast %rem3A_2287 : i32 to vector<16xi32>
    %rem3A_2289 = arith.remsi %add3A_2265, %rem3A_2288 : vector<16xi32>
    %ne3A_2290 = arith.constant 2047 : i32
    %ne3A_2291 = vector.broadcast %ne3A_2290 : i32 to vector<16xi32>
    %ne3A_2292 = arith.cmpi ne, %rem3A_2289, %ne3A_2291 : vector<16xi32>
    %jit3A_2293 = arith.constant 0.000000e+00 : f32
    %broadcast_in_dim3A_2294 = vector.broadcast %jit3A_2293 : f32 to vector<16xf32>
    %select_n3A_2295 = arith.select %ne3A_2292, %bitcast_convert_type3A_2286, %broadcast_in_dim3A_2294 : vector<16xi1>, vector<16xf32>
    %add3A_2296 = arith.addf %add3A_2259, %select_n3A_2295 : vector<16xf32>
    %add3A_2297 = arith.constant 0 : i32
    %add3A_2298 = arith.addi %mul3A_2, %add3A_2297 : i32
    %add3A_2299 = arith.constant 96 : i32
    %add3A_2300 = arith.addi %add3A_2298, %add3A_2299 : i32
    %add3A_2301 = vector.broadcast %add3A_2300 : i32 to vector<16xi32>
    %add3A_2302 = arith.addi %add3A_2301, %iota3A : vector<16xi32>
    %get3A_2303 = arith.constant 0 : i32
    %get3A_2304 = arith.index_cast %get3A_2303 : i32 to index
    %get3A_2305 = arith.constant 96 : index
    %get3A_2306 = tpu.vector_load %arg8[%get3A_2304, %get3A_2305] {strides = array<i32>} : memref<4x128xi32, #tpu.memory_space<vmem>>, vector<1x16xi32>,
    %get3A_2307 = vector.shape_cast %get3A_2306 : vector<1x16xi32> to vector<16xi32>
    %get3A_2308 = arith.constant 0 : i32
    %get3A_2309 = arith.index_cast %get3A_2308 : i32 to index
    %get3A_2310 = arith.constant 96 : index
    %get3A_2311 = tpu.vector_load %arg7[%get3A_2309, %get3A_2310] {strides = array<i32>} : memref<4x128xi32, #tpu.memory_space<vmem>>, vector<1x16xi32>,
    %get3A_2312 = vector.shape_cast %get3A_2311 : vector<1x16xi32> to vector<16xi32>
    %ne3A_2313 = arith.constant 0 : i32
    %ne3A_2314 = vector.broadcast %ne3A_2313 : i32 to vector<16xi32>
    %ne3A_2315 = arith.cmpi ne, %get3A_2312, %ne3A_2314 : vector<16xi32>
    %and3A_2316 = arith.constant -65536 : i32
    %and3A_2317 = vector.broadcast %and3A_2316 : i32 to vector<16xi32>
    %and3A_2318 = arith.andi %get3A_2307, %and3A_2317 : vector<16xi32>
    %shift_left3A_2319 = arith.constant 16 : i32
    %shift_left3A_2320 = vector.broadcast %shift_left3A_2319 : i32 to vector<16xi32>
    %shift_left3A_2321 = arith.shli %get3A_2307, %shift_left3A_2320 : vector<16xi32>
    %select_n3A_2322 = arith.select %ne3A_2315, %and3A_2318, %shift_left3A_2321 : vector<16xi1>, vector<16xi32>
    %bitcast_convert_type3A_2323 = tpu.bitcast %select_n3A_2322 : vector<16xi32> -> vector<16xf32>
    %rem3A_2324 = arith.constant 2048 : i32
    %rem3A_2325 = vector.broadcast %rem3A_2324 : i32 to vector<16xi32>
    %rem3A_2326 = arith.remsi %add3A_2302, %rem3A_2325 : vector<16xi32>
    %ne3A_2327 = arith.constant 2047 : i32
    %ne3A_2328 = vector.broadcast %ne3A_2327 : i32 to vector<16xi32>
    %ne3A_2329 = arith.cmpi ne, %rem3A_2326, %ne3A_2328 : vector<16xi32>
    %jit3A_2330 = arith.constant 0.000000e+00 : f32
    %broadcast_in_dim3A_2331 = vector.broadcast %jit3A_2330 : f32 to vector<16xf32>
    %select_n3A_2332 = arith.select %ne3A_2329, %bitcast_convert_type3A_2323, %broadcast_in_dim3A_2331 : vector<16xi1>, vector<16xf32>
    %add3A_2333 = arith.addf %add3A_2296, %select_n3A_2332 : vector<16xf32>
    %add3A_2334 = arith.constant 0 : i32
    %add3A_2335 = arith.addi %mul3A_2, %add3A_2334 : i32
    %add3A_2336 = arith.constant 112 : i32
    %add3A_2337 = arith.addi %add3A_2335, %add3A_2336 : i32
    %add3A_2338 = vector.broadcast %add3A_2337 : i32 to vector<16xi32>
    %add3A_2339 = arith.addi %add3A_2338, %iota3A : vector<16xi32>
    %get3A_2340 = arith.constant 0 : i32
    %get3A_2341 = arith.index_cast %get3A_2340 : i32 to index
    %get3A_2342 = arith.constant 112 : index
    %get3A_2343 = tpu.vector_load %arg8[%get3A_2341, %get3A_2342] {strides = array<i32>} : memref<4x128xi32, #tpu.memory_space<vmem>>, vector<1x16xi32>,
    %get3A_2344 = vector.shape_cast %get3A_2343 : vector<1x16xi32> to vector<16xi32>
    %get3A_2345 = arith.constant 0 : i32
    %get3A_2346 = arith.index_cast %get3A_2345 : i32 to index
    %get3A_2347 = arith.constant 112 : index
    %get3A_2348 = tpu.vector_load %arg7[%get3A_2346, %get3A_2347] {strides = array<i32>} : memref<4x128xi32, #tpu.memory_space<vmem>>, vector<1x16xi32>,
    %get3A_2349 = vector.shape_cast %get3A_2348 : vector<1x16xi32> to vector<16xi32>
    %ne3A_2350 = arith.constant 0 : i32
    %ne3A_2351 = vector.broadcast %ne3A_2350 : i32 to vector<16xi32>
    %ne3A_2352 = arith.cmpi ne, %get3A_2349, %ne3A_2351 : vector<16xi32>
    %and3A_2353 = arith.constant -65536 : i32
    %and3A_2354 = vector.broadcast %and3A_2353 : i32 to vector<16xi32>
    %and3A_2355 = arith.andi %get3A_2344, %and3A_2354 : vector<16xi32>
    %shift_left3A_2356 = arith.constant 16 : i32
    %shift_left3A_2357 = vector.broadcast %shift_left3A_2356 : i32 to vector<16xi32>
    %shift_left3A_2358 = arith.shli %get3A_2344, %shift_left3A_2357 : vector<16xi32>
    %select_n3A_2359 = arith.select %ne3A_2352, %and3A_2355, %shift_left3A_2358 : vector<16xi1>, vector<16xi32>
    %bitcast_convert_type3A_2360 = tpu.bitcast %select_n3A_2359 : vector<16xi32> -> vector<16xf32>
    %rem3A_2361 = arith.constant 2048 : i32
    %rem3A_2362 = vector.broadcast %rem3A_2361 : i32 to vector<16xi32>
    %rem3A_2363 = arith.remsi %add3A_2339, %rem3A_2362 : vector<16xi32>
    %ne3A_2364 = arith.constant 2047 : i32
    %ne3A_2365 = vector.broadcast %ne3A_2364 : i32 to vector<16xi32>
    %ne3A_2366 = arith.cmpi ne, %rem3A_2363, %ne3A_2365 : vector<16xi32>
    %jit3A_2367 = arith.constant 0.000000e+00 : f32
    %broadcast_in_dim3A_2368 = vector.broadcast %jit3A_2367 : f32 to vector<16xf32>
    %select_n3A_2369 = arith.select %ne3A_2366, %bitcast_convert_type3A_2360, %broadcast_in_dim3A_2368 : vector<16xi1>, vector<16xf32>
    %add3A_2370 = arith.addf %add3A_2333, %select_n3A_2369 : vector<16xf32>
    %add3A_2371 = arith.constant 128 : i32
    %add3A_2372 = arith.addi %mul3A_2, %add3A_2371 : i32
    %add3A_2373 = arith.constant 0 : i32
    %add3A_2374 = arith.addi %add3A_2372, %add3A_2373 : i32
    %add3A_2375 = vector.broadcast %add3A_2374 : i32 to vector<16xi32>
    %add3A_2376 = arith.addi %add3A_2375, %iota3A : vector<16xi32>
    %get3A_2377 = arith.constant 1 : i32
    %get3A_2378 = arith.index_cast %get3A_2377 : i32 to index
    %get3A_2379 = arith.constant 0 : index
    %get3A_2380 = tpu.vector_load %arg8[%get3A_2378, %get3A_2379] {strides = array<i32>} : memref<4x128xi32, #tpu.memory_space<vmem>>, vector<1x16xi32>,
    %get3A_2381 = vector.shape_cast %get3A_2380 : vector<1x16xi32> to vector<16xi32>
    %get3A_2382 = arith.constant 1 : i32
    %get3A_2383 = arith.index_cast %get3A_2382 : i32 to index
    %get3A_2384 = arith.constant 0 : index
    %get3A_2385 = tpu.vector_load %arg7[%get3A_2383, %get3A_2384] {strides = array<i32>} : memref<4x128xi32, #tpu.memory_space<vmem>>, vector<1x16xi32>,
    %get3A_2386 = vector.shape_cast %get3A_2385 : vector<1x16xi32> to vector<16xi32>
    %ne3A_2387 = arith.constant 0 : i32
    %ne3A_2388 = vector.broadcast %ne3A_2387 : i32 to vector<16xi32>
    %ne3A_2389 = arith.cmpi ne, %get3A_2386, %ne3A_2388 : vector<16xi32>
    %and3A_2390 = arith.constant -65536 : i32
    %and3A_2391 = vector.broadcast %and3A_2390 : i32 to vector<16xi32>
    %and3A_2392 = arith.andi %get3A_2381, %and3A_2391 : vector<16xi32>
    %shift_left3A_2393 = arith.constant 16 : i32
    %shift_left3A_2394 = vector.broadcast %shift_left3A_2393 : i32 to vector<16xi32>
    %shift_left3A_2395 = arith.shli %get3A_2381, %shift_left3A_2394 : vector<16xi32>
    %select_n3A_2396 = arith.select %ne3A_2389, %and3A_2392, %shift_left3A_2395 : vector<16xi1>, vector<16xi32>
    %bitcast_convert_type3A_2397 = tpu.bitcast %select_n3A_2396 : vector<16xi32> -> vector<16xf32>
    %rem3A_2398 = arith.constant 2048 : i32
    %rem3A_2399 = vector.broadcast %rem3A_2398 : i32 to vector<16xi32>
    %rem3A_2400 = arith.remsi %add3A_2376, %rem3A_2399 : vector<16xi32>
    %ne3A_2401 = arith.constant 2047 : i32
    %ne3A_2402 = vector.broadcast %ne3A_2401 : i32 to vector<16xi32>
    %ne3A_2403 = arith.cmpi ne, %rem3A_2400, %ne3A_2402 : vector<16xi32>
    %jit3A_2404 = arith.constant 0.000000e+00 : f32
    %broadcast_in_dim3A_2405 = vector.broadcast %jit3A_2404 : f32 to vector<16xf32>
    %select_n3A_2406 = arith.select %ne3A_2403, %bitcast_convert_type3A_2397, %broadcast_in_dim3A_2405 : vector<16xi1>, vector<16xf32>
    %add3A_2407 = arith.addf %add3A_2370, %select_n3A_2406 : vector<16xf32>
    %add3A_2408 = arith.constant 128 : i32
    %add3A_2409 = arith.addi %mul3A_2, %add3A_2408 : i32
    %add3A_2410 = arith.constant 16 : i32
    %add3A_2411 = arith.addi %add3A_2409, %add3A_2410 : i32
    %add3A_2412 = vector.broadcast %add3A_2411 : i32 to vector<16xi32>
    %add3A_2413 = arith.addi %add3A_2412, %iota3A : vector<16xi32>
    %get3A_2414 = arith.constant 1 : i32
    %get3A_2415 = arith.index_cast %get3A_2414 : i32 to index
    %get3A_2416 = arith.constant 16 : index
    %get3A_2417 = tpu.vector_load %arg8[%get3A_2415, %get3A_2416] {strides = array<i32>} : memref<4x128xi32, #tpu.memory_space<vmem>>, vector<1x16xi32>,
    %get3A_2418 = vector.shape_cast %get3A_2417 : vector<1x16xi32> to vector<16xi32>
    %get3A_2419 = arith.constant 1 : i32
    %get3A_2420 = arith.index_cast %get3A_2419 : i32 to index
    %get3A_2421 = arith.constant 16 : index
    %get3A_2422 = tpu.vector_load %arg7[%get3A_2420, %get3A_2421] {strides = array<i32>} : memref<4x128xi32, #tpu.memory_space<vmem>>, vector<1x16xi32>,
    %get3A_2423 = vector.shape_cast %get3A_2422 : vector<1x16xi32> to vector<16xi32>
    %ne3A_2424 = arith.constant 0 : i32
    %ne3A_2425 = vector.broadcast %ne3A_2424 : i32 to vector<16xi32>
    %ne3A_2426 = arith.cmpi ne, %get3A_2423, %ne3A_2425 : vector<16xi32>
    %and3A_2427 = arith.constant -65536 : i32
    %and3A_2428 = vector.broadcast %and3A_2427 : i32 to vector<16xi32>
    %and3A_2429 = arith.andi %get3A_2418, %and3A_2428 : vector<16xi32>
    %shift_left3A_2430 = arith.constant 16 : i32
    %shift_left3A_2431 = vector.broadcast %shift_left3A_2430 : i32 to vector<16xi32>
    %shift_left3A_2432 = arith.shli %get3A_2418, %shift_left3A_2431 : vector<16xi32>
    %select_n3A_2433 = arith.select %ne3A_2426, %and3A_2429, %shift_left3A_2432 : vector<16xi1>, vector<16xi32>
    %bitcast_convert_type3A_2434 = tpu.bitcast %select_n3A_2433 : vector<16xi32> -> vector<16xf32>
    %rem3A_2435 = arith.constant 2048 : i32
    %rem3A_2436 = vector.broadcast %rem3A_2435 : i32 to vector<16xi32>
    %rem3A_2437 = arith.remsi %add3A_2413, %rem3A_2436 : vector<16xi32>
    %ne3A_2438 = arith.constant 2047 : i32
    %ne3A_2439 = vector.broadcast %ne3A_2438 : i32 to vector<16xi32>
    %ne3A_2440 = arith.cmpi ne, %rem3A_2437, %ne3A_2439 : vector<16xi32>
    %jit3A_2441 = arith.constant 0.000000e+00 : f32
    %broadcast_in_dim3A_2442 = vector.broadcast %jit3A_2441 : f32 to vector<16xf32>
    %select_n3A_2443 = arith.select %ne3A_2440, %bitcast_convert_type3A_2434, %broadcast_in_dim3A_2442 : vector<16xi1>, vector<16xf32>
    %add3A_2444 = arith.addf %add3A_2407, %select_n3A_2443 : vector<16xf32>
    %add3A_2445 = arith.constant 128 : i32
    %add3A_2446 = arith.addi %mul3A_2, %add3A_2445 : i32
    %add3A_2447 = arith.constant 32 : i32
    %add3A_2448 = arith.addi %add3A_2446, %add3A_2447 : i32
    %add3A_2449 = vector.broadcast %add3A_2448 : i32 to vector<16xi32>
    %add3A_2450 = arith.addi %add3A_2449, %iota3A : vector<16xi32>
    %get3A_2451 = arith.constant 1 : i32
    %get3A_2452 = arith.index_cast %get3A_2451 : i32 to index
    %get3A_2453 = arith.constant 32 : index
    %get3A_2454 = tpu.vector_load %arg8[%get3A_2452, %get3A_2453] {strides = array<i32>} : memref<4x128xi32, #tpu.memory_space<vmem>>, vector<1x16xi32>,
    %get3A_2455 = vector.shape_cast %get3A_2454 : vector<1x16xi32> to vector<16xi32>
    %get3A_2456 = arith.constant 1 : i32
    %get3A_2457 = arith.index_cast %get3A_2456 : i32 to index
    %get3A_2458 = arith.constant 32 : index
    %get3A_2459 = tpu.vector_load %arg7[%get3A_2457, %get3A_2458] {strides = array<i32>} : memref<4x128xi32, #tpu.memory_space<vmem>>, vector<1x16xi32>,
    %get3A_2460 = vector.shape_cast %get3A_2459 : vector<1x16xi32> to vector<16xi32>
    %ne3A_2461 = arith.constant 0 : i32
    %ne3A_2462 = vector.broadcast %ne3A_2461 : i32 to vector<16xi32>
    %ne3A_2463 = arith.cmpi ne, %get3A_2460, %ne3A_2462 : vector<16xi32>
    %and3A_2464 = arith.constant -65536 : i32
    %and3A_2465 = vector.broadcast %and3A_2464 : i32 to vector<16xi32>
    %and3A_2466 = arith.andi %get3A_2455, %and3A_2465 : vector<16xi32>
    %shift_left3A_2467 = arith.constant 16 : i32
    %shift_left3A_2468 = vector.broadcast %shift_left3A_2467 : i32 to vector<16xi32>
    %shift_left3A_2469 = arith.shli %get3A_2455, %shift_left3A_2468 : vector<16xi32>
    %select_n3A_2470 = arith.select %ne3A_2463, %and3A_2466, %shift_left3A_2469 : vector<16xi1>, vector<16xi32>
    %bitcast_convert_type3A_2471 = tpu.bitcast %select_n3A_2470 : vector<16xi32> -> vector<16xf32>
    %rem3A_2472 = arith.constant 2048 : i32
    %rem3A_2473 = vector.broadcast %rem3A_2472 : i32 to vector<16xi32>
    %rem3A_2474 = arith.remsi %add3A_2450, %rem3A_2473 : vector<16xi32>
    %ne3A_2475 = arith.constant 2047 : i32
    %ne3A_2476 = vector.broadcast %ne3A_2475 : i32 to vector<16xi32>
    %ne3A_2477 = arith.cmpi ne, %rem3A_2474, %ne3A_2476 : vector<16xi32>
    %jit3A_2478 = arith.constant 0.000000e+00 : f32
    %broadcast_in_dim3A_2479 = vector.broadcast %jit3A_2478 : f32 to vector<16xf32>
    %select_n3A_2480 = arith.select %ne3A_2477, %bitcast_convert_type3A_2471, %broadcast_in_dim3A_2479 : vector<16xi1>, vector<16xf32>
    %add3A_2481 = arith.addf %add3A_2444, %select_n3A_2480 : vector<16xf32>
    %add3A_2482 = arith.constant 128 : i32
    %add3A_2483 = arith.addi %mul3A_2, %add3A_2482 : i32
    %add3A_2484 = arith.constant 48 : i32
    %add3A_2485 = arith.addi %add3A_2483, %add3A_2484 : i32
    %add3A_2486 = vector.broadcast %add3A_2485 : i32 to vector<16xi32>
    %add3A_2487 = arith.addi %add3A_2486, %iota3A : vector<16xi32>
    %get3A_2488 = arith.constant 1 : i32
    %get3A_2489 = arith.index_cast %get3A_2488 : i32 to index
    %get3A_2490 = arith.constant 48 : index
    %get3A_2491 = tpu.vector_load %arg8[%get3A_2489, %get3A_2490] {strides = array<i32>} : memref<4x128xi32, #tpu.memory_space<vmem>>, vector<1x16xi32>,
    %get3A_2492 = vector.shape_cast %get3A_2491 : vector<1x16xi32> to vector<16xi32>
    %get3A_2493 = arith.constant 1 : i32
    %get3A_2494 = arith.index_cast %get3A_2493 : i32 to index
    %get3A_2495 = arith.constant 48 : index
    %get3A_2496 = tpu.vector_load %arg7[%get3A_2494, %get3A_2495] {strides = array<i32>} : memref<4x128xi32, #tpu.memory_space<vmem>>, vector<1x16xi32>,
    %get3A_2497 = vector.shape_cast %get3A_2496 : vector<1x16xi32> to vector<16xi32>
    %ne3A_2498 = arith.constant 0 : i32
    %ne3A_2499 = vector.broadcast %ne3A_2498 : i32 to vector<16xi32>
    %ne3A_2500 = arith.cmpi ne, %get3A_2497, %ne3A_2499 : vector<16xi32>
    %and3A_2501 = arith.constant -65536 : i32
    %and3A_2502 = vector.broadcast %and3A_2501 : i32 to vector<16xi32>
    %and3A_2503 = arith.andi %get3A_2492, %and3A_2502 : vector<16xi32>
    %shift_left3A_2504 = arith.constant 16 : i32
    %shift_left3A_2505 = vector.broadcast %shift_left3A_2504 : i32 to vector<16xi32>
    %shift_left3A_2506 = arith.shli %get3A_2492, %shift_left3A_2505 : vector<16xi32>
    %select_n3A_2507 = arith.select %ne3A_2500, %and3A_2503, %shift_left3A_2506 : vector<16xi1>, vector<16xi32>
    %bitcast_convert_type3A_2508 = tpu.bitcast %select_n3A_2507 : vector<16xi32> -> vector<16xf32>
    %rem3A_2509 = arith.constant 2048 : i32
    %rem3A_2510 = vector.broadcast %rem3A_2509 : i32 to vector<16xi32>
    %rem3A_2511 = arith.remsi %add3A_2487, %rem3A_2510 : vector<16xi32>
    %ne3A_2512 = arith.constant 2047 : i32
    %ne3A_2513 = vector.broadcast %ne3A_2512 : i32 to vector<16xi32>
    %ne3A_2514 = arith.cmpi ne, %rem3A_2511, %ne3A_2513 : vector<16xi32>
    %jit3A_2515 = arith.constant 0.000000e+00 : f32
    %broadcast_in_dim3A_2516 = vector.broadcast %jit3A_2515 : f32 to vector<16xf32>
    %select_n3A_2517 = arith.select %ne3A_2514, %bitcast_convert_type3A_2508, %broadcast_in_dim3A_2516 : vector<16xi1>, vector<16xf32>
    %add3A_2518 = arith.addf %add3A_2481, %select_n3A_2517 : vector<16xf32>
    %add3A_2519 = arith.constant 128 : i32
    %add3A_2520 = arith.addi %mul3A_2, %add3A_2519 : i32
    %add3A_2521 = arith.constant 64 : i32
    %add3A_2522 = arith.addi %add3A_2520, %add3A_2521 : i32
    %add3A_2523 = vector.broadcast %add3A_2522 : i32 to vector<16xi32>
    %add3A_2524 = arith.addi %add3A_2523, %iota3A : vector<16xi32>
    %get3A_2525 = arith.constant 1 : i32
    %get3A_2526 = arith.index_cast %get3A_2525 : i32 to index
    %get3A_2527 = arith.constant 64 : index
    %get3A_2528 = tpu.vector_load %arg8[%get3A_2526, %get3A_2527] {strides = array<i32>} : memref<4x128xi32, #tpu.memory_space<vmem>>, vector<1x16xi32>,
    %get3A_2529 = vector.shape_cast %get3A_2528 : vector<1x16xi32> to vector<16xi32>
    %get3A_2530 = arith.constant 1 : i32
    %get3A_2531 = arith.index_cast %get3A_2530 : i32 to index
    %get3A_2532 = arith.constant 64 : index
    %get3A_2533 = tpu.vector_load %arg7[%get3A_2531, %get3A_2532] {strides = array<i32>} : memref<4x128xi32, #tpu.memory_space<vmem>>, vector<1x16xi32>,
    %get3A_2534 = vector.shape_cast %get3A_2533 : vector<1x16xi32> to vector<16xi32>
    %ne3A_2535 = arith.constant 0 : i32
    %ne3A_2536 = vector.broadcast %ne3A_2535 : i32 to vector<16xi32>
    %ne3A_2537 = arith.cmpi ne, %get3A_2534, %ne3A_2536 : vector<16xi32>
    %and3A_2538 = arith.constant -65536 : i32
    %and3A_2539 = vector.broadcast %and3A_2538 : i32 to vector<16xi32>
    %and3A_2540 = arith.andi %get3A_2529, %and3A_2539 : vector<16xi32>
    %shift_left3A_2541 = arith.constant 16 : i32
    %shift_left3A_2542 = vector.broadcast %shift_left3A_2541 : i32 to vector<16xi32>
    %shift_left3A_2543 = arith.shli %get3A_2529, %shift_left3A_2542 : vector<16xi32>
    %select_n3A_2544 = arith.select %ne3A_2537, %and3A_2540, %shift_left3A_2543 : vector<16xi1>, vector<16xi32>
    %bitcast_convert_type3A_2545 = tpu.bitcast %select_n3A_2544 : vector<16xi32> -> vector<16xf32>
    %rem3A_2546 = arith.constant 2048 : i32
    %rem3A_2547 = vector.broadcast %rem3A_2546 : i32 to vector<16xi32>
    %rem3A_2548 = arith.remsi %add3A_2524, %rem3A_2547 : vector<16xi32>
    %ne3A_2549 = arith.constant 2047 : i32
    %ne3A_2550 = vector.broadcast %ne3A_2549 : i32 to vector<16xi32>
    %ne3A_2551 = arith.cmpi ne, %rem3A_2548, %ne3A_2550 : vector<16xi32>
    %jit3A_2552 = arith.constant 0.000000e+00 : f32
    %broadcast_in_dim3A_2553 = vector.broadcast %jit3A_2552 : f32 to vector<16xf32>
    %select_n3A_2554 = arith.select %ne3A_2551, %bitcast_convert_type3A_2545, %broadcast_in_dim3A_2553 : vector<16xi1>, vector<16xf32>
    %add3A_2555 = arith.addf %add3A_2518, %select_n3A_2554 : vector<16xf32>
    %add3A_2556 = arith.constant 128 : i32
    %add3A_2557 = arith.addi %mul3A_2, %add3A_2556 : i32
    %add3A_2558 = arith.constant 80 : i32
    %add3A_2559 = arith.addi %add3A_2557, %add3A_2558 : i32
    %add3A_2560 = vector.broadcast %add3A_2559 : i32 to vector<16xi32>
    %add3A_2561 = arith.addi %add3A_2560, %iota3A : vector<16xi32>
    %get3A_2562 = arith.constant 1 : i32
    %get3A_2563 = arith.index_cast %get3A_2562 : i32 to index
    %get3A_2564 = arith.constant 80 : index
    %get3A_2565 = tpu.vector_load %arg8[%get3A_2563, %get3A_2564] {strides = array<i32>} : memref<4x128xi32, #tpu.memory_space<vmem>>, vector<1x16xi32>,
    %get3A_2566 = vector.shape_cast %get3A_2565 : vector<1x16xi32> to vector<16xi32>
    %get3A_2567 = arith.constant 1 : i32
    %get3A_2568 = arith.index_cast %get3A_2567 : i32 to index
    %get3A_2569 = arith.constant 80 : index
    %get3A_2570 = tpu.vector_load %arg7[%get3A_2568, %get3A_2569] {strides = array<i32>} : memref<4x128xi32, #tpu.memory_space<vmem>>, vector<1x16xi32>,
    %get3A_2571 = vector.shape_cast %get3A_2570 : vector<1x16xi32> to vector<16xi32>
    %ne3A_2572 = arith.constant 0 : i32
    %ne3A_2573 = vector.broadcast %ne3A_2572 : i32 to vector<16xi32>
    %ne3A_2574 = arith.cmpi ne, %get3A_2571, %ne3A_2573 : vector<16xi32>
    %and3A_2575 = arith.constant -65536 : i32
    %and3A_2576 = vector.broadcast %and3A_2575 : i32 to vector<16xi32>
    %and3A_2577 = arith.andi %get3A_2566, %and3A_2576 : vector<16xi32>
    %shift_left3A_2578 = arith.constant 16 : i32
    %shift_left3A_2579 = vector.broadcast %shift_left3A_2578 : i32 to vector<16xi32>
    %shift_left3A_2580 = arith.shli %get3A_2566, %shift_left3A_2579 : vector<16xi32>
    %select_n3A_2581 = arith.select %ne3A_2574, %and3A_2577, %shift_left3A_2580 : vector<16xi1>, vector<16xi32>
    %bitcast_convert_type3A_2582 = tpu.bitcast %select_n3A_2581 : vector<16xi32> -> vector<16xf32>
    %rem3A_2583 = arith.constant 2048 : i32
    %rem3A_2584 = vector.broadcast %rem3A_2583 : i32 to vector<16xi32>
    %rem3A_2585 = arith.remsi %add3A_2561, %rem3A_2584 : vector<16xi32>
    %ne3A_2586 = arith.constant 2047 : i32
    %ne3A_2587 = vector.broadcast %ne3A_2586 : i32 to vector<16xi32>
    %ne3A_2588 = arith.cmpi ne, %rem3A_2585, %ne3A_2587 : vector<16xi32>
    %jit3A_2589 = arith.constant 0.000000e+00 : f32
    %broadcast_in_dim3A_2590 = vector.broadcast %jit3A_2589 : f32 to vector<16xf32>
    %select_n3A_2591 = arith.select %ne3A_2588, %bitcast_convert_type3A_2582, %broadcast_in_dim3A_2590 : vector<16xi1>, vector<16xf32>
    %add3A_2592 = arith.addf %add3A_2555, %select_n3A_2591 : vector<16xf32>
    %add3A_2593 = arith.constant 128 : i32
    %add3A_2594 = arith.addi %mul3A_2, %add3A_2593 : i32
    %add3A_2595 = arith.constant 96 : i32
    %add3A_2596 = arith.addi %add3A_2594, %add3A_2595 : i32
    %add3A_2597 = vector.broadcast %add3A_2596 : i32 to vector<16xi32>
    %add3A_2598 = arith.addi %add3A_2597, %iota3A : vector<16xi32>
    %get3A_2599 = arith.constant 1 : i32
    %get3A_2600 = arith.index_cast %get3A_2599 : i32 to index
    %get3A_2601 = arith.constant 96 : index
    %get3A_2602 = tpu.vector_load %arg8[%get3A_2600, %get3A_2601] {strides = array<i32>} : memref<4x128xi32, #tpu.memory_space<vmem>>, vector<1x16xi32>,
    %get3A_2603 = vector.shape_cast %get3A_2602 : vector<1x16xi32> to vector<16xi32>
    %get3A_2604 = arith.constant 1 : i32
    %get3A_2605 = arith.index_cast %get3A_2604 : i32 to index
    %get3A_2606 = arith.constant 96 : index
    %get3A_2607 = tpu.vector_load %arg7[%get3A_2605, %get3A_2606] {strides = array<i32>} : memref<4x128xi32, #tpu.memory_space<vmem>>, vector<1x16xi32>,
    %get3A_2608 = vector.shape_cast %get3A_2607 : vector<1x16xi32> to vector<16xi32>
    %ne3A_2609 = arith.constant 0 : i32
    %ne3A_2610 = vector.broadcast %ne3A_2609 : i32 to vector<16xi32>
    %ne3A_2611 = arith.cmpi ne, %get3A_2608, %ne3A_2610 : vector<16xi32>
    %and3A_2612 = arith.constant -65536 : i32
    %and3A_2613 = vector.broadcast %and3A_2612 : i32 to vector<16xi32>
    %and3A_2614 = arith.andi %get3A_2603, %and3A_2613 : vector<16xi32>
    %shift_left3A_2615 = arith.constant 16 : i32
    %shift_left3A_2616 = vector.broadcast %shift_left3A_2615 : i32 to vector<16xi32>
    %shift_left3A_2617 = arith.shli %get3A_2603, %shift_left3A_2616 : vector<16xi32>
    %select_n3A_2618 = arith.select %ne3A_2611, %and3A_2614, %shift_left3A_2617 : vector<16xi1>, vector<16xi32>
    %bitcast_convert_type3A_2619 = tpu.bitcast %select_n3A_2618 : vector<16xi32> -> vector<16xf32>
    %rem3A_2620 = arith.constant 2048 : i32
    %rem3A_2621 = vector.broadcast %rem3A_2620 : i32 to vector<16xi32>
    %rem3A_2622 = arith.remsi %add3A_2598, %rem3A_2621 : vector<16xi32>
    %ne3A_2623 = arith.constant 2047 : i32
    %ne3A_2624 = vector.broadcast %ne3A_2623 : i32 to vector<16xi32>
    %ne3A_2625 = arith.cmpi ne, %rem3A_2622, %ne3A_2624 : vector<16xi32>
    %jit3A_2626 = arith.constant 0.000000e+00 : f32
    %broadcast_in_dim3A_2627 = vector.broadcast %jit3A_2626 : f32 to vector<16xf32>
    %select_n3A_2628 = arith.select %ne3A_2625, %bitcast_convert_type3A_2619, %broadcast_in_dim3A_2627 : vector<16xi1>, vector<16xf32>
    %add3A_2629 = arith.addf %add3A_2592, %select_n3A_2628 : vector<16xf32>
    %add3A_2630 = arith.constant 128 : i32
    %add3A_2631 = arith.addi %mul3A_2, %add3A_2630 : i32
    %add3A_2632 = arith.constant 112 : i32
    %add3A_2633 = arith.addi %add3A_2631, %add3A_2632 : i32
    %add3A_2634 = vector.broadcast %add3A_2633 : i32 to vector<16xi32>
    %add3A_2635 = arith.addi %add3A_2634, %iota3A : vector<16xi32>
    %get3A_2636 = arith.constant 1 : i32
    %get3A_2637 = arith.index_cast %get3A_2636 : i32 to index
    %get3A_2638 = arith.constant 112 : index
    %get3A_2639 = tpu.vector_load %arg8[%get3A_2637, %get3A_2638] {strides = array<i32>} : memref<4x128xi32, #tpu.memory_space<vmem>>, vector<1x16xi32>,
    %get3A_2640 = vector.shape_cast %get3A_2639 : vector<1x16xi32> to vector<16xi32>
    %get3A_2641 = arith.constant 1 : i32
    %get3A_2642 = arith.index_cast %get3A_2641 : i32 to index
    %get3A_2643 = arith.constant 112 : index
    %get3A_2644 = tpu.vector_load %arg7[%get3A_2642, %get3A_2643] {strides = array<i32>} : memref<4x128xi32, #tpu.memory_space<vmem>>, vector<1x16xi32>,
    %get3A_2645 = vector.shape_cast %get3A_2644 : vector<1x16xi32> to vector<16xi32>
    %ne3A_2646 = arith.constant 0 : i32
    %ne3A_2647 = vector.broadcast %ne3A_2646 : i32 to vector<16xi32>
    %ne3A_2648 = arith.cmpi ne, %get3A_2645, %ne3A_2647 : vector<16xi32>
    %and3A_2649 = arith.constant -65536 : i32
    %and3A_2650 = vector.broadcast %and3A_2649 : i32 to vector<16xi32>
    %and3A_2651 = arith.andi %get3A_2640, %and3A_2650 : vector<16xi32>
    %shift_left3A_2652 = arith.constant 16 : i32
    %shift_left3A_2653 = vector.broadcast %shift_left3A_2652 : i32 to vector<16xi32>
    %shift_left3A_2654 = arith.shli %get3A_2640, %shift_left3A_2653 : vector<16xi32>
    %select_n3A_2655 = arith.select %ne3A_2648, %and3A_2651, %shift_left3A_2654 : vector<16xi1>, vector<16xi32>
    %bitcast_convert_type3A_2656 = tpu.bitcast %select_n3A_2655 : vector<16xi32> -> vector<16xf32>
    %rem3A_2657 = arith.constant 2048 : i32
    %rem3A_2658 = vector.broadcast %rem3A_2657 : i32 to vector<16xi32>
    %rem3A_2659 = arith.remsi %add3A_2635, %rem3A_2658 : vector<16xi32>
    %ne3A_2660 = arith.constant 2047 : i32
    %ne3A_2661 = vector.broadcast %ne3A_2660 : i32 to vector<16xi32>
    %ne3A_2662 = arith.cmpi ne, %rem3A_2659, %ne3A_2661 : vector<16xi32>
    %jit3A_2663 = arith.constant 0.000000e+00 : f32
    %broadcast_in_dim3A_2664 = vector.broadcast %jit3A_2663 : f32 to vector<16xf32>
    %select_n3A_2665 = arith.select %ne3A_2662, %bitcast_convert_type3A_2656, %broadcast_in_dim3A_2664 : vector<16xi1>, vector<16xf32>
    %add3A_2666 = arith.addf %add3A_2629, %select_n3A_2665 : vector<16xf32>
    %add3A_2667 = arith.constant 256 : i32
    %add3A_2668 = arith.addi %mul3A_2, %add3A_2667 : i32
    %add3A_2669 = arith.constant 0 : i32
    %add3A_2670 = arith.addi %add3A_2668, %add3A_2669 : i32
    %add3A_2671 = vector.broadcast %add3A_2670 : i32 to vector<16xi32>
    %add3A_2672 = arith.addi %add3A_2671, %iota3A : vector<16xi32>
    %get3A_2673 = arith.constant 2 : i32
    %get3A_2674 = arith.index_cast %get3A_2673 : i32 to index
    %get3A_2675 = arith.constant 0 : index
    %get3A_2676 = tpu.vector_load %arg8[%get3A_2674, %get3A_2675] {strides = array<i32>} : memref<4x128xi32, #tpu.memory_space<vmem>>, vector<1x16xi32>,
    %get3A_2677 = vector.shape_cast %get3A_2676 : vector<1x16xi32> to vector<16xi32>
    %get3A_2678 = arith.constant 2 : i32
    %get3A_2679 = arith.index_cast %get3A_2678 : i32 to index
    %get3A_2680 = arith.constant 0 : index
    %get3A_2681 = tpu.vector_load %arg7[%get3A_2679, %get3A_2680] {strides = array<i32>} : memref<4x128xi32, #tpu.memory_space<vmem>>, vector<1x16xi32>,
    %get3A_2682 = vector.shape_cast %get3A_2681 : vector<1x16xi32> to vector<16xi32>
    %ne3A_2683 = arith.constant 0 : i32
    %ne3A_2684 = vector.broadcast %ne3A_2683 : i32 to vector<16xi32>
    %ne3A_2685 = arith.cmpi ne, %get3A_2682, %ne3A_2684 : vector<16xi32>
    %and3A_2686 = arith.constant -65536 : i32
    %and3A_2687 = vector.broadcast %and3A_2686 : i32 to vector<16xi32>
    %and3A_2688 = arith.andi %get3A_2677, %and3A_2687 : vector<16xi32>
    %shift_left3A_2689 = arith.constant 16 : i32
    %shift_left3A_2690 = vector.broadcast %shift_left3A_2689 : i32 to vector<16xi32>
    %shift_left3A_2691 = arith.shli %get3A_2677, %shift_left3A_2690 : vector<16xi32>
    %select_n3A_2692 = arith.select %ne3A_2685, %and3A_2688, %shift_left3A_2691 : vector<16xi1>, vector<16xi32>
    %bitcast_convert_type3A_2693 = tpu.bitcast %select_n3A_2692 : vector<16xi32> -> vector<16xf32>
    %rem3A_2694 = arith.constant 2048 : i32
    %rem3A_2695 = vector.broadcast %rem3A_2694 : i32 to vector<16xi32>
    %rem3A_2696 = arith.remsi %add3A_2672, %rem3A_2695 : vector<16xi32>
    %ne3A_2697 = arith.constant 2047 : i32
    %ne3A_2698 = vector.broadcast %ne3A_2697 : i32 to vector<16xi32>
    %ne3A_2699 = arith.cmpi ne, %rem3A_2696, %ne3A_2698 : vector<16xi32>
    %jit3A_2700 = arith.constant 0.000000e+00 : f32
    %broadcast_in_dim3A_2701 = vector.broadcast %jit3A_2700 : f32 to vector<16xf32>
    %select_n3A_2702 = arith.select %ne3A_2699, %bitcast_convert_type3A_2693, %broadcast_in_dim3A_2701 : vector<16xi1>, vector<16xf32>
    %add3A_2703 = arith.addf %add3A_2666, %select_n3A_2702 : vector<16xf32>
    %add3A_2704 = arith.constant 256 : i32
    %add3A_2705 = arith.addi %mul3A_2, %add3A_2704 : i32
    %add3A_2706 = arith.constant 16 : i32
    %add3A_2707 = arith.addi %add3A_2705, %add3A_2706 : i32
    %add3A_2708 = vector.broadcast %add3A_2707 : i32 to vector<16xi32>
    %add3A_2709 = arith.addi %add3A_2708, %iota3A : vector<16xi32>
    %get3A_2710 = arith.constant 2 : i32
    %get3A_2711 = arith.index_cast %get3A_2710 : i32 to index
    %get3A_2712 = arith.constant 16 : index
    %get3A_2713 = tpu.vector_load %arg8[%get3A_2711, %get3A_2712] {strides = array<i32>} : memref<4x128xi32, #tpu.memory_space<vmem>>, vector<1x16xi32>,
    %get3A_2714 = vector.shape_cast %get3A_2713 : vector<1x16xi32> to vector<16xi32>
    %get3A_2715 = arith.constant 2 : i32
    %get3A_2716 = arith.index_cast %get3A_2715 : i32 to index
    %get3A_2717 = arith.constant 16 : index
    %get3A_2718 = tpu.vector_load %arg7[%get3A_2716, %get3A_2717] {strides = array<i32>} : memref<4x128xi32, #tpu.memory_space<vmem>>, vector<1x16xi32>,
    %get3A_2719 = vector.shape_cast %get3A_2718 : vector<1x16xi32> to vector<16xi32>
    %ne3A_2720 = arith.constant 0 : i32
    %ne3A_2721 = vector.broadcast %ne3A_2720 : i32 to vector<16xi32>
    %ne3A_2722 = arith.cmpi ne, %get3A_2719, %ne3A_2721 : vector<16xi32>
    %and3A_2723 = arith.constant -65536 : i32
    %and3A_2724 = vector.broadcast %and3A_2723 : i32 to vector<16xi32>
    %and3A_2725 = arith.andi %get3A_2714, %and3A_2724 : vector<16xi32>
    %shift_left3A_2726 = arith.constant 16 : i32
    %shift_left3A_2727 = vector.broadcast %shift_left3A_2726 : i32 to vector<16xi32>
    %shift_left3A_2728 = arith.shli %get3A_2714, %shift_left3A_2727 : vector<16xi32>
    %select_n3A_2729 = arith.select %ne3A_2722, %and3A_2725, %shift_left3A_2728 : vector<16xi1>, vector<16xi32>
    %bitcast_convert_type3A_2730 = tpu.bitcast %select_n3A_2729 : vector<16xi32> -> vector<16xf32>
    %rem3A_2731 = arith.constant 2048 : i32
    %rem3A_2732 = vector.broadcast %rem3A_2731 : i32 to vector<16xi32>
    %rem3A_2733 = arith.remsi %add3A_2709, %rem3A_2732 : vector<16xi32>
    %ne3A_2734 = arith.constant 2047 : i32
    %ne3A_2735 = vector.broadcast %ne3A_2734 : i32 to vector<16xi32>
    %ne3A_2736 = arith.cmpi ne, %rem3A_2733, %ne3A_2735 : vector<16xi32>
    %jit3A_2737 = arith.constant 0.000000e+00 : f32
    %broadcast_in_dim3A_2738 = vector.broadcast %jit3A_2737 : f32 to vector<16xf32>
    %select_n3A_2739 = arith.select %ne3A_2736, %bitcast_convert_type3A_2730, %broadcast_in_dim3A_2738 : vector<16xi1>, vector<16xf32>
    %add3A_2740 = arith.addf %add3A_2703, %select_n3A_2739 : vector<16xf32>
    %add3A_2741 = arith.constant 256 : i32
    %add3A_2742 = arith.addi %mul3A_2, %add3A_2741 : i32
    %add3A_2743 = arith.constant 32 : i32
    %add3A_2744 = arith.addi %add3A_2742, %add3A_2743 : i32
    %add3A_2745 = vector.broadcast %add3A_2744 : i32 to vector<16xi32>
    %add3A_2746 = arith.addi %add3A_2745, %iota3A : vector<16xi32>
    %get3A_2747 = arith.constant 2 : i32
    %get3A_2748 = arith.index_cast %get3A_2747 : i32 to index
    %get3A_2749 = arith.constant 32 : index
    %get3A_2750 = tpu.vector_load %arg8[%get3A_2748, %get3A_2749] {strides = array<i32>} : memref<4x128xi32, #tpu.memory_space<vmem>>, vector<1x16xi32>,
    %get3A_2751 = vector.shape_cast %get3A_2750 : vector<1x16xi32> to vector<16xi32>
    %get3A_2752 = arith.constant 2 : i32
    %get3A_2753 = arith.index_cast %get3A_2752 : i32 to index
    %get3A_2754 = arith.constant 32 : index
    %get3A_2755 = tpu.vector_load %arg7[%get3A_2753, %get3A_2754] {strides = array<i32>} : memref<4x128xi32, #tpu.memory_space<vmem>>, vector<1x16xi32>,
    %get3A_2756 = vector.shape_cast %get3A_2755 : vector<1x16xi32> to vector<16xi32>
    %ne3A_2757 = arith.constant 0 : i32
    %ne3A_2758 = vector.broadcast %ne3A_2757 : i32 to vector<16xi32>
    %ne3A_2759 = arith.cmpi ne, %get3A_2756, %ne3A_2758 : vector<16xi32>
    %and3A_2760 = arith.constant -65536 : i32
    %and3A_2761 = vector.broadcast %and3A_2760 : i32 to vector<16xi32>
    %and3A_2762 = arith.andi %get3A_2751, %and3A_2761 : vector<16xi32>
    %shift_left3A_2763 = arith.constant 16 : i32
    %shift_left3A_2764 = vector.broadcast %shift_left3A_2763 : i32 to vector<16xi32>
    %shift_left3A_2765 = arith.shli %get3A_2751, %shift_left3A_2764 : vector<16xi32>
    %select_n3A_2766 = arith.select %ne3A_2759, %and3A_2762, %shift_left3A_2765 : vector<16xi1>, vector<16xi32>
    %bitcast_convert_type3A_2767 = tpu.bitcast %select_n3A_2766 : vector<16xi32> -> vector<16xf32>
    %rem3A_2768 = arith.constant 2048 : i32
    %rem3A_2769 = vector.broadcast %rem3A_2768 : i32 to vector<16xi32>
    %rem3A_2770 = arith.remsi %add3A_2746, %rem3A_2769 : vector<16xi32>
    %ne3A_2771 = arith.constant 2047 : i32
    %ne3A_2772 = vector.broadcast %ne3A_2771 : i32 to vector<16xi32>
    %ne3A_2773 = arith.cmpi ne, %rem3A_2770, %ne3A_2772 : vector<16xi32>
    %jit3A_2774 = arith.constant 0.000000e+00 : f32
    %broadcast_in_dim3A_2775 = vector.broadcast %jit3A_2774 : f32 to vector<16xf32>
    %select_n3A_2776 = arith.select %ne3A_2773, %bitcast_convert_type3A_2767, %broadcast_in_dim3A_2775 : vector<16xi1>, vector<16xf32>
    %add3A_2777 = arith.addf %add3A_2740, %select_n3A_2776 : vector<16xf32>
    %add3A_2778 = arith.constant 256 : i32
    %add3A_2779 = arith.addi %mul3A_2, %add3A_2778 : i32
    %add3A_2780 = arith.constant 48 : i32
    %add3A_2781 = arith.addi %add3A_2779, %add3A_2780 : i32
    %add3A_2782 = vector.broadcast %add3A_2781 : i32 to vector<16xi32>
    %add3A_2783 = arith.addi %add3A_2782, %iota3A : vector<16xi32>
    %get3A_2784 = arith.constant 2 : i32
    %get3A_2785 = arith.index_cast %get3A_2784 : i32 to index
    %get3A_2786 = arith.constant 48 : index
    %get3A_2787 = tpu.vector_load %arg8[%get3A_2785, %get3A_2786] {strides = array<i32>} : memref<4x128xi32, #tpu.memory_space<vmem>>, vector<1x16xi32>,
    %get3A_2788 = vector.shape_cast %get3A_2787 : vector<1x16xi32> to vector<16xi32>
    %get3A_2789 = arith.constant 2 : i32
    %get3A_2790 = arith.index_cast %get3A_2789 : i32 to index
    %get3A_2791 = arith.constant 48 : index
    %get3A_2792 = tpu.vector_load %arg7[%get3A_2790, %get3A_2791] {strides = array<i32>} : memref<4x128xi32, #tpu.memory_space<vmem>>, vector<1x16xi32>,
    %get3A_2793 = vector.shape_cast %get3A_2792 : vector<1x16xi32> to vector<16xi32>
    %ne3A_2794 = arith.constant 0 : i32
    %ne3A_2795 = vector.broadcast %ne3A_2794 : i32 to vector<16xi32>
    %ne3A_2796 = arith.cmpi ne, %get3A_2793, %ne3A_2795 : vector<16xi32>
    %and3A_2797 = arith.constant -65536 : i32
    %and3A_2798 = vector.broadcast %and3A_2797 : i32 to vector<16xi32>
    %and3A_2799 = arith.andi %get3A_2788, %and3A_2798 : vector<16xi32>
    %shift_left3A_2800 = arith.constant 16 : i32
    %shift_left3A_2801 = vector.broadcast %shift_left3A_2800 : i32 to vector<16xi32>
    %shift_left3A_2802 = arith.shli %get3A_2788, %shift_left3A_2801 : vector<16xi32>
    %select_n3A_2803 = arith.select %ne3A_2796, %and3A_2799, %shift_left3A_2802 : vector<16xi1>, vector<16xi32>
    %bitcast_convert_type3A_2804 = tpu.bitcast %select_n3A_2803 : vector<16xi32> -> vector<16xf32>
    %rem3A_2805 = arith.constant 2048 : i32
    %rem3A_2806 = vector.broadcast %rem3A_2805 : i32 to vector<16xi32>
    %rem3A_2807 = arith.remsi %add3A_2783, %rem3A_2806 : vector<16xi32>
    %ne3A_2808 = arith.constant 2047 : i32
    %ne3A_2809 = vector.broadcast %ne3A_2808 : i32 to vector<16xi32>
    %ne3A_2810 = arith.cmpi ne, %rem3A_2807, %ne3A_2809 : vector<16xi32>
    %jit3A_2811 = arith.constant 0.000000e+00 : f32
    %broadcast_in_dim3A_2812 = vector.broadcast %jit3A_2811 : f32 to vector<16xf32>
    %select_n3A_2813 = arith.select %ne3A_2810, %bitcast_convert_type3A_2804, %broadcast_in_dim3A_2812 : vector<16xi1>, vector<16xf32>
    %add3A_2814 = arith.addf %add3A_2777, %select_n3A_2813 : vector<16xf32>
    %add3A_2815 = arith.constant 256 : i32
    %add3A_2816 = arith.addi %mul3A_2, %add3A_2815 : i32
    %add3A_2817 = arith.constant 64 : i32
    %add3A_2818 = arith.addi %add3A_2816, %add3A_2817 : i32
    %add3A_2819 = vector.broadcast %add3A_2818 : i32 to vector<16xi32>
    %add3A_2820 = arith.addi %add3A_2819, %iota3A : vector<16xi32>
    %get3A_2821 = arith.constant 2 : i32
    %get3A_2822 = arith.index_cast %get3A_2821 : i32 to index
    %get3A_2823 = arith.constant 64 : index
    %get3A_2824 = tpu.vector_load %arg8[%get3A_2822, %get3A_2823] {strides = array<i32>} : memref<4x128xi32, #tpu.memory_space<vmem>>, vector<1x16xi32>,
    %get3A_2825 = vector.shape_cast %get3A_2824 : vector<1x16xi32> to vector<16xi32>
    %get3A_2826 = arith.constant 2 : i32
    %get3A_2827 = arith.index_cast %get3A_2826 : i32 to index
    %get3A_2828 = arith.constant 64 : index
    %get3A_2829 = tpu.vector_load %arg7[%get3A_2827, %get3A_2828] {strides = array<i32>} : memref<4x128xi32, #tpu.memory_space<vmem>>, vector<1x16xi32>,
    %get3A_2830 = vector.shape_cast %get3A_2829 : vector<1x16xi32> to vector<16xi32>
    %ne3A_2831 = arith.constant 0 : i32
    %ne3A_2832 = vector.broadcast %ne3A_2831 : i32 to vector<16xi32>
    %ne3A_2833 = arith.cmpi ne, %get3A_2830, %ne3A_2832 : vector<16xi32>
    %and3A_2834 = arith.constant -65536 : i32
    %and3A_2835 = vector.broadcast %and3A_2834 : i32 to vector<16xi32>
    %and3A_2836 = arith.andi %get3A_2825, %and3A_2835 : vector<16xi32>
    %shift_left3A_2837 = arith.constant 16 : i32
    %shift_left3A_2838 = vector.broadcast %shift_left3A_2837 : i32 to vector<16xi32>
    %shift_left3A_2839 = arith.shli %get3A_2825, %shift_left3A_2838 : vector<16xi32>
    %select_n3A_2840 = arith.select %ne3A_2833, %and3A_2836, %shift_left3A_2839 : vector<16xi1>, vector<16xi32>
    %bitcast_convert_type3A_2841 = tpu.bitcast %select_n3A_2840 : vector<16xi32> -> vector<16xf32>
    %rem3A_2842 = arith.constant 2048 : i32
    %rem3A_2843 = vector.broadcast %rem3A_2842 : i32 to vector<16xi32>
    %rem3A_2844 = arith.remsi %add3A_2820, %rem3A_2843 : vector<16xi32>
    %ne3A_2845 = arith.constant 2047 : i32
    %ne3A_2846 = vector.broadcast %ne3A_2845 : i32 to vector<16xi32>
    %ne3A_2847 = arith.cmpi ne, %rem3A_2844, %ne3A_2846 : vector<16xi32>
    %jit3A_2848 = arith.constant 0.000000e+00 : f32
    %broadcast_in_dim3A_2849 = vector.broadcast %jit3A_2848 : f32 to vector<16xf32>
    %select_n3A_2850 = arith.select %ne3A_2847, %bitcast_convert_type3A_2841, %broadcast_in_dim3A_2849 : vector<16xi1>, vector<16xf32>
    %add3A_2851 = arith.addf %add3A_2814, %select_n3A_2850 : vector<16xf32>
    %add3A_2852 = arith.constant 256 : i32
    %add3A_2853 = arith.addi %mul3A_2, %add3A_2852 : i32
    %add3A_2854 = arith.constant 80 : i32
    %add3A_2855 = arith.addi %add3A_2853, %add3A_2854 : i32
    %add3A_2856 = vector.broadcast %add3A_2855 : i32 to vector<16xi32>
    %add3A_2857 = arith.addi %add3A_2856, %iota3A : vector<16xi32>
    %get3A_2858 = arith.constant 2 : i32
    %get3A_2859 = arith.index_cast %get3A_2858 : i32 to index
    %get3A_2860 = arith.constant 80 : index
    %get3A_2861 = tpu.vector_load %arg8[%get3A_2859, %get3A_2860] {strides = array<i32>} : memref<4x128xi32, #tpu.memory_space<vmem>>, vector<1x16xi32>,
    %get3A_2862 = vector.shape_cast %get3A_2861 : vector<1x16xi32> to vector<16xi32>
    %get3A_2863 = arith.constant 2 : i32
    %get3A_2864 = arith.index_cast %get3A_2863 : i32 to index
    %get3A_2865 = arith.constant 80 : index
    %get3A_2866 = tpu.vector_load %arg7[%get3A_2864, %get3A_2865] {strides = array<i32>} : memref<4x128xi32, #tpu.memory_space<vmem>>, vector<1x16xi32>,
    %get3A_2867 = vector.shape_cast %get3A_2866 : vector<1x16xi32> to vector<16xi32>
    %ne3A_2868 = arith.constant 0 : i32
    %ne3A_2869 = vector.broadcast %ne3A_2868 : i32 to vector<16xi32>
    %ne3A_2870 = arith.cmpi ne, %get3A_2867, %ne3A_2869 : vector<16xi32>
    %and3A_2871 = arith.constant -65536 : i32
    %and3A_2872 = vector.broadcast %and3A_2871 : i32 to vector<16xi32>
    %and3A_2873 = arith.andi %get3A_2862, %and3A_2872 : vector<16xi32>
    %shift_left3A_2874 = arith.constant 16 : i32
    %shift_left3A_2875 = vector.broadcast %shift_left3A_2874 : i32 to vector<16xi32>
    %shift_left3A_2876 = arith.shli %get3A_2862, %shift_left3A_2875 : vector<16xi32>
    %select_n3A_2877 = arith.select %ne3A_2870, %and3A_2873, %shift_left3A_2876 : vector<16xi1>, vector<16xi32>
    %bitcast_convert_type3A_2878 = tpu.bitcast %select_n3A_2877 : vector<16xi32> -> vector<16xf32>
    %rem3A_2879 = arith.constant 2048 : i32
    %rem3A_2880 = vector.broadcast %rem3A_2879 : i32 to vector<16xi32>
    %rem3A_2881 = arith.remsi %add3A_2857, %rem3A_2880 : vector<16xi32>
    %ne3A_2882 = arith.constant 2047 : i32
    %ne3A_2883 = vector.broadcast %ne3A_2882 : i32 to vector<16xi32>
    %ne3A_2884 = arith.cmpi ne, %rem3A_2881, %ne3A_2883 : vector<16xi32>
    %jit3A_2885 = arith.constant 0.000000e+00 : f32
    %broadcast_in_dim3A_2886 = vector.broadcast %jit3A_2885 : f32 to vector<16xf32>
    %select_n3A_2887 = arith.select %ne3A_2884, %bitcast_convert_type3A_2878, %broadcast_in_dim3A_2886 : vector<16xi1>, vector<16xf32>
    %add3A_2888 = arith.addf %add3A_2851, %select_n3A_2887 : vector<16xf32>
    %add3A_2889 = arith.constant 256 : i32
    %add3A_2890 = arith.addi %mul3A_2, %add3A_2889 : i32
    %add3A_2891 = arith.constant 96 : i32
    %add3A_2892 = arith.addi %add3A_2890, %add3A_2891 : i32
    %add3A_2893 = vector.broadcast %add3A_2892 : i32 to vector<16xi32>
    %add3A_2894 = arith.addi %add3A_2893, %iota3A : vector<16xi32>
    %get3A_2895 = arith.constant 2 : i32
    %get3A_2896 = arith.index_cast %get3A_2895 : i32 to index
    %get3A_2897 = arith.constant 96 : index
    %get3A_2898 = tpu.vector_load %arg8[%get3A_2896, %get3A_2897] {strides = array<i32>} : memref<4x128xi32, #tpu.memory_space<vmem>>, vector<1x16xi32>,
    %get3A_2899 = vector.shape_cast %get3A_2898 : vector<1x16xi32> to vector<16xi32>
    %get3A_2900 = arith.constant 2 : i32
    %get3A_2901 = arith.index_cast %get3A_2900 : i32 to index
    %get3A_2902 = arith.constant 96 : index
    %get3A_2903 = tpu.vector_load %arg7[%get3A_2901, %get3A_2902] {strides = array<i32>} : memref<4x128xi32, #tpu.memory_space<vmem>>, vector<1x16xi32>,
    %get3A_2904 = vector.shape_cast %get3A_2903 : vector<1x16xi32> to vector<16xi32>
    %ne3A_2905 = arith.constant 0 : i32
    %ne3A_2906 = vector.broadcast %ne3A_2905 : i32 to vector<16xi32>
    %ne3A_2907 = arith.cmpi ne, %get3A_2904, %ne3A_2906 : vector<16xi32>
    %and3A_2908 = arith.constant -65536 : i32
    %and3A_2909 = vector.broadcast %and3A_2908 : i32 to vector<16xi32>
    %and3A_2910 = arith.andi %get3A_2899, %and3A_2909 : vector<16xi32>
    %shift_left3A_2911 = arith.constant 16 : i32
    %shift_left3A_2912 = vector.broadcast %shift_left3A_2911 : i32 to vector<16xi32>
    %shift_left3A_2913 = arith.shli %get3A_2899, %shift_left3A_2912 : vector<16xi32>
    %select_n3A_2914 = arith.select %ne3A_2907, %and3A_2910, %shift_left3A_2913 : vector<16xi1>, vector<16xi32>
    %bitcast_convert_type3A_2915 = tpu.bitcast %select_n3A_2914 : vector<16xi32> -> vector<16xf32>
    %rem3A_2916 = arith.constant 2048 : i32
    %rem3A_2917 = vector.broadcast %rem3A_2916 : i32 to vector<16xi32>
    %rem3A_2918 = arith.remsi %add3A_2894, %rem3A_2917 : vector<16xi32>
    %ne3A_2919 = arith.constant 2047 : i32
    %ne3A_2920 = vector.broadcast %ne3A_2919 : i32 to vector<16xi32>
    %ne3A_2921 = arith.cmpi ne, %rem3A_2918, %ne3A_2920 : vector<16xi32>
    %jit3A_2922 = arith.constant 0.000000e+00 : f32
    %broadcast_in_dim3A_2923 = vector.broadcast %jit3A_2922 : f32 to vector<16xf32>
    %select_n3A_2924 = arith.select %ne3A_2921, %bitcast_convert_type3A_2915, %broadcast_in_dim3A_2923 : vector<16xi1>, vector<16xf32>
    %add3A_2925 = arith.addf %add3A_2888, %select_n3A_2924 : vector<16xf32>
    %add3A_2926 = arith.constant 256 : i32
    %add3A_2927 = arith.addi %mul3A_2, %add3A_2926 : i32
    %add3A_2928 = arith.constant 112 : i32
    %add3A_2929 = arith.addi %add3A_2927, %add3A_2928 : i32
    %add3A_2930 = vector.broadcast %add3A_2929 : i32 to vector<16xi32>
    %add3A_2931 = arith.addi %add3A_2930, %iota3A : vector<16xi32>
    %get3A_2932 = arith.constant 2 : i32
    %get3A_2933 = arith.index_cast %get3A_2932 : i32 to index
    %get3A_2934 = arith.constant 112 : index
    %get3A_2935 = tpu.vector_load %arg8[%get3A_2933, %get3A_2934] {strides = array<i32>} : memref<4x128xi32, #tpu.memory_space<vmem>>, vector<1x16xi32>,
    %get3A_2936 = vector.shape_cast %get3A_2935 : vector<1x16xi32> to vector<16xi32>
    %get3A_2937 = arith.constant 2 : i32
    %get3A_2938 = arith.index_cast %get3A_2937 : i32 to index
    %get3A_2939 = arith.constant 112 : index
    %get3A_2940 = tpu.vector_load %arg7[%get3A_2938, %get3A_2939] {strides = array<i32>} : memref<4x128xi32, #tpu.memory_space<vmem>>, vector<1x16xi32>,
    %get3A_2941 = vector.shape_cast %get3A_2940 : vector<1x16xi32> to vector<16xi32>
    %ne3A_2942 = arith.constant 0 : i32
    %ne3A_2943 = vector.broadcast %ne3A_2942 : i32 to vector<16xi32>
    %ne3A_2944 = arith.cmpi ne, %get3A_2941, %ne3A_2943 : vector<16xi32>
    %and3A_2945 = arith.constant -65536 : i32
    %and3A_2946 = vector.broadcast %and3A_2945 : i32 to vector<16xi32>
    %and3A_2947 = arith.andi %get3A_2936, %and3A_2946 : vector<16xi32>
    %shift_left3A_2948 = arith.constant 16 : i32
    %shift_left3A_2949 = vector.broadcast %shift_left3A_2948 : i32 to vector<16xi32>
    %shift_left3A_2950 = arith.shli %get3A_2936, %shift_left3A_2949 : vector<16xi32>
    %select_n3A_2951 = arith.select %ne3A_2944, %and3A_2947, %shift_left3A_2950 : vector<16xi1>, vector<16xi32>
    %bitcast_convert_type3A_2952 = tpu.bitcast %select_n3A_2951 : vector<16xi32> -> vector<16xf32>
    %rem3A_2953 = arith.constant 2048 : i32
    %rem3A_2954 = vector.broadcast %rem3A_2953 : i32 to vector<16xi32>
    %rem3A_2955 = arith.remsi %add3A_2931, %rem3A_2954 : vector<16xi32>
    %ne3A_2956 = arith.constant 2047 : i32
    %ne3A_2957 = vector.broadcast %ne3A_2956 : i32 to vector<16xi32>
    %ne3A_2958 = arith.cmpi ne, %rem3A_2955, %ne3A_2957 : vector<16xi32>
    %jit3A_2959 = arith.constant 0.000000e+00 : f32
    %broadcast_in_dim3A_2960 = vector.broadcast %jit3A_2959 : f32 to vector<16xf32>
    %select_n3A_2961 = arith.select %ne3A_2958, %bitcast_convert_type3A_2952, %broadcast_in_dim3A_2960 : vector<16xi1>, vector<16xf32>
    %add3A_2962 = arith.addf %add3A_2925, %select_n3A_2961 : vector<16xf32>
    %add3A_2963 = arith.constant 384 : i32
    %add3A_2964 = arith.addi %mul3A_2, %add3A_2963 : i32
    %add3A_2965 = arith.constant 0 : i32
    %add3A_2966 = arith.addi %add3A_2964, %add3A_2965 : i32
    %add3A_2967 = vector.broadcast %add3A_2966 : i32 to vector<16xi32>
    %add3A_2968 = arith.addi %add3A_2967, %iota3A : vector<16xi32>
    %get3A_2969 = arith.constant 3 : i32
    %get3A_2970 = arith.index_cast %get3A_2969 : i32 to index
    %get3A_2971 = arith.constant 0 : index
    %get3A_2972 = tpu.vector_load %arg8[%get3A_2970, %get3A_2971] {strides = array<i32>} : memref<4x128xi32, #tpu.memory_space<vmem>>, vector<1x16xi32>,
    %get3A_2973 = vector.shape_cast %get3A_2972 : vector<1x16xi32> to vector<16xi32>
    %get3A_2974 = arith.constant 3 : i32
    %get3A_2975 = arith.index_cast %get3A_2974 : i32 to index
    %get3A_2976 = arith.constant 0 : index
    %get3A_2977 = tpu.vector_load %arg7[%get3A_2975, %get3A_2976] {strides = array<i32>} : memref<4x128xi32, #tpu.memory_space<vmem>>, vector<1x16xi32>,
    %get3A_2978 = vector.shape_cast %get3A_2977 : vector<1x16xi32> to vector<16xi32>
    %ne3A_2979 = arith.constant 0 : i32
    %ne3A_2980 = vector.broadcast %ne3A_2979 : i32 to vector<16xi32>
    %ne3A_2981 = arith.cmpi ne, %get3A_2978, %ne3A_2980 : vector<16xi32>
    %and3A_2982 = arith.constant -65536 : i32
    %and3A_2983 = vector.broadcast %and3A_2982 : i32 to vector<16xi32>
    %and3A_2984 = arith.andi %get3A_2973, %and3A_2983 : vector<16xi32>
    %shift_left3A_2985 = arith.constant 16 : i32
    %shift_left3A_2986 = vector.broadcast %shift_left3A_2985 : i32 to vector<16xi32>
    %shift_left3A_2987 = arith.shli %get3A_2973, %shift_left3A_2986 : vector<16xi32>
    %select_n3A_2988 = arith.select %ne3A_2981, %and3A_2984, %shift_left3A_2987 : vector<16xi1>, vector<16xi32>
    %bitcast_convert_type3A_2989 = tpu.bitcast %select_n3A_2988 : vector<16xi32> -> vector<16xf32>
    %rem3A_2990 = arith.constant 2048 : i32
    %rem3A_2991 = vector.broadcast %rem3A_2990 : i32 to vector<16xi32>
    %rem3A_2992 = arith.remsi %add3A_2968, %rem3A_2991 : vector<16xi32>
    %ne3A_2993 = arith.constant 2047 : i32
    %ne3A_2994 = vector.broadcast %ne3A_2993 : i32 to vector<16xi32>
    %ne3A_2995 = arith.cmpi ne, %rem3A_2992, %ne3A_2994 : vector<16xi32>
    %jit3A_2996 = arith.constant 0.000000e+00 : f32
    %broadcast_in_dim3A_2997 = vector.broadcast %jit3A_2996 : f32 to vector<16xf32>
    %select_n3A_2998 = arith.select %ne3A_2995, %bitcast_convert_type3A_2989, %broadcast_in_dim3A_2997 : vector<16xi1>, vector<16xf32>
    %add3A_2999 = arith.addf %add3A_2962, %select_n3A_2998 : vector<16xf32>
    %add3A_3000 = arith.constant 384 : i32
    %add3A_3001 = arith.addi %mul3A_2, %add3A_3000 : i32
    %add3A_3002 = arith.constant 16 : i32
    %add3A_3003 = arith.addi %add3A_3001, %add3A_3002 : i32
    %add3A_3004 = vector.broadcast %add3A_3003 : i32 to vector<16xi32>
    %add3A_3005 = arith.addi %add3A_3004, %iota3A : vector<16xi32>
    %get3A_3006 = arith.constant 3 : i32
    %get3A_3007 = arith.index_cast %get3A_3006 : i32 to index
    %get3A_3008 = arith.constant 16 : index
    %get3A_3009 = tpu.vector_load %arg8[%get3A_3007, %get3A_3008] {strides = array<i32>} : memref<4x128xi32, #tpu.memory_space<vmem>>, vector<1x16xi32>,
    %get3A_3010 = vector.shape_cast %get3A_3009 : vector<1x16xi32> to vector<16xi32>
    %get3A_3011 = arith.constant 3 : i32
    %get3A_3012 = arith.index_cast %get3A_3011 : i32 to index
    %get3A_3013 = arith.constant 16 : index
    %get3A_3014 = tpu.vector_load %arg7[%get3A_3012, %get3A_3013] {strides = array<i32>} : memref<4x128xi32, #tpu.memory_space<vmem>>, vector<1x16xi32>,
    %get3A_3015 = vector.shape_cast %get3A_3014 : vector<1x16xi32> to vector<16xi32>
    %ne3A_3016 = arith.constant 0 : i32
    %ne3A_3017 = vector.broadcast %ne3A_3016 : i32 to vector<16xi32>
    %ne3A_3018 = arith.cmpi ne, %get3A_3015, %ne3A_3017 : vector<16xi32>
    %and3A_3019 = arith.constant -65536 : i32
    %and3A_3020 = vector.broadcast %and3A_3019 : i32 to vector<16xi32>
    %and3A_3021 = arith.andi %get3A_3010, %and3A_3020 : vector<16xi32>
    %shift_left3A_3022 = arith.constant 16 : i32
    %shift_left3A_3023 = vector.broadcast %shift_left3A_3022 : i32 to vector<16xi32>
    %shift_left3A_3024 = arith.shli %get3A_3010, %shift_left3A_3023 : vector<16xi32>
    %select_n3A_3025 = arith.select %ne3A_3018, %and3A_3021, %shift_left3A_3024 : vector<16xi1>, vector<16xi32>
    %bitcast_convert_type3A_3026 = tpu.bitcast %select_n3A_3025 : vector<16xi32> -> vector<16xf32>
    %rem3A_3027 = arith.constant 2048 : i32
    %rem3A_3028 = vector.broadcast %rem3A_3027 : i32 to vector<16xi32>
    %rem3A_3029 = arith.remsi %add3A_3005, %rem3A_3028 : vector<16xi32>
    %ne3A_3030 = arith.constant 2047 : i32
    %ne3A_3031 = vector.broadcast %ne3A_3030 : i32 to vector<16xi32>
    %ne3A_3032 = arith.cmpi ne, %rem3A_3029, %ne3A_3031 : vector<16xi32>
    %jit3A_3033 = arith.constant 0.000000e+00 : f32
    %broadcast_in_dim3A_3034 = vector.broadcast %jit3A_3033 : f32 to vector<16xf32>
    %select_n3A_3035 = arith.select %ne3A_3032, %bitcast_convert_type3A_3026, %broadcast_in_dim3A_3034 : vector<16xi1>, vector<16xf32>
    %add3A_3036 = arith.addf %add3A_2999, %select_n3A_3035 : vector<16xf32>
    %add3A_3037 = arith.constant 384 : i32
    %add3A_3038 = arith.addi %mul3A_2, %add3A_3037 : i32
    %add3A_3039 = arith.constant 32 : i32
    %add3A_3040 = arith.addi %add3A_3038, %add3A_3039 : i32
    %add3A_3041 = vector.broadcast %add3A_3040 : i32 to vector<16xi32>
    %add3A_3042 = arith.addi %add3A_3041, %iota3A : vector<16xi32>
    %get3A_3043 = arith.constant 3 : i32
    %get3A_3044 = arith.index_cast %get3A_3043 : i32 to index
    %get3A_3045 = arith.constant 32 : index
    %get3A_3046 = tpu.vector_load %arg8[%get3A_3044, %get3A_3045] {strides = array<i32>} : memref<4x128xi32, #tpu.memory_space<vmem>>, vector<1x16xi32>,
    %get3A_3047 = vector.shape_cast %get3A_3046 : vector<1x16xi32> to vector<16xi32>
    %get3A_3048 = arith.constant 3 : i32
    %get3A_3049 = arith.index_cast %get3A_3048 : i32 to index
    %get3A_3050 = arith.constant 32 : index
    %get3A_3051 = tpu.vector_load %arg7[%get3A_3049, %get3A_3050] {strides = array<i32>} : memref<4x128xi32, #tpu.memory_space<vmem>>, vector<1x16xi32>,
    %get3A_3052 = vector.shape_cast %get3A_3051 : vector<1x16xi32> to vector<16xi32>
    %ne3A_3053 = arith.constant 0 : i32
    %ne3A_3054 = vector.broadcast %ne3A_3053 : i32 to vector<16xi32>
    %ne3A_3055 = arith.cmpi ne, %get3A_3052, %ne3A_3054 : vector<16xi32>
    %and3A_3056 = arith.constant -65536 : i32
    %and3A_3057 = vector.broadcast %and3A_3056 : i32 to vector<16xi32>
    %and3A_3058 = arith.andi %get3A_3047, %and3A_3057 : vector<16xi32>
    %shift_left3A_3059 = arith.constant 16 : i32
    %shift_left3A_3060 = vector.broadcast %shift_left3A_3059 : i32 to vector<16xi32>
    %shift_left3A_3061 = arith.shli %get3A_3047, %shift_left3A_3060 : vector<16xi32>
    %select_n3A_3062 = arith.select %ne3A_3055, %and3A_3058, %shift_left3A_3061 : vector<16xi1>, vector<16xi32>
    %bitcast_convert_type3A_3063 = tpu.bitcast %select_n3A_3062 : vector<16xi32> -> vector<16xf32>
    %rem3A_3064 = arith.constant 2048 : i32
    %rem3A_3065 = vector.broadcast %rem3A_3064 : i32 to vector<16xi32>
    %rem3A_3066 = arith.remsi %add3A_3042, %rem3A_3065 : vector<16xi32>
    %ne3A_3067 = arith.constant 2047 : i32
    %ne3A_3068 = vector.broadcast %ne3A_3067 : i32 to vector<16xi32>
    %ne3A_3069 = arith.cmpi ne, %rem3A_3066, %ne3A_3068 : vector<16xi32>
    %jit3A_3070 = arith.constant 0.000000e+00 : f32
    %broadcast_in_dim3A_3071 = vector.broadcast %jit3A_3070 : f32 to vector<16xf32>
    %select_n3A_3072 = arith.select %ne3A_3069, %bitcast_convert_type3A_3063, %broadcast_in_dim3A_3071 : vector<16xi1>, vector<16xf32>
    %add3A_3073 = arith.addf %add3A_3036, %select_n3A_3072 : vector<16xf32>
    %add3A_3074 = arith.constant 384 : i32
    %add3A_3075 = arith.addi %mul3A_2, %add3A_3074 : i32
    %add3A_3076 = arith.constant 48 : i32
    %add3A_3077 = arith.addi %add3A_3075, %add3A_3076 : i32
    %add3A_3078 = vector.broadcast %add3A_3077 : i32 to vector<16xi32>
    %add3A_3079 = arith.addi %add3A_3078, %iota3A : vector<16xi32>
    %get3A_3080 = arith.constant 3 : i32
    %get3A_3081 = arith.index_cast %get3A_3080 : i32 to index
    %get3A_3082 = arith.constant 48 : index
    %get3A_3083 = tpu.vector_load %arg8[%get3A_3081, %get3A_3082] {strides = array<i32>} : memref<4x128xi32, #tpu.memory_space<vmem>>, vector<1x16xi32>,
    %get3A_3084 = vector.shape_cast %get3A_3083 : vector<1x16xi32> to vector<16xi32>
    %get3A_3085 = arith.constant 3 : i32
    %get3A_3086 = arith.index_cast %get3A_3085 : i32 to index
    %get3A_3087 = arith.constant 48 : index
    %get3A_3088 = tpu.vector_load %arg7[%get3A_3086, %get3A_3087] {strides = array<i32>} : memref<4x128xi32, #tpu.memory_space<vmem>>, vector<1x16xi32>,
    %get3A_3089 = vector.shape_cast %get3A_3088 : vector<1x16xi32> to vector<16xi32>
    %ne3A_3090 = arith.constant 0 : i32
    %ne3A_3091 = vector.broadcast %ne3A_3090 : i32 to vector<16xi32>
    %ne3A_3092 = arith.cmpi ne, %get3A_3089, %ne3A_3091 : vector<16xi32>
    %and3A_3093 = arith.constant -65536 : i32
    %and3A_3094 = vector.broadcast %and3A_3093 : i32 to vector<16xi32>
    %and3A_3095 = arith.andi %get3A_3084, %and3A_3094 : vector<16xi32>
    %shift_left3A_3096 = arith.constant 16 : i32
    %shift_left3A_3097 = vector.broadcast %shift_left3A_3096 : i32 to vector<16xi32>
    %shift_left3A_3098 = arith.shli %get3A_3084, %shift_left3A_3097 : vector<16xi32>
    %select_n3A_3099 = arith.select %ne3A_3092, %and3A_3095, %shift_left3A_3098 : vector<16xi1>, vector<16xi32>
    %bitcast_convert_type3A_3100 = tpu.bitcast %select_n3A_3099 : vector<16xi32> -> vector<16xf32>
    %rem3A_3101 = arith.constant 2048 : i32
    %rem3A_3102 = vector.broadcast %rem3A_3101 : i32 to vector<16xi32>
    %rem3A_3103 = arith.remsi %add3A_3079, %rem3A_3102 : vector<16xi32>
    %ne3A_3104 = arith.constant 2047 : i32
    %ne3A_3105 = vector.broadcast %ne3A_3104 : i32 to vector<16xi32>
    %ne3A_3106 = arith.cmpi ne, %rem3A_3103, %ne3A_3105 : vector<16xi32>
    %jit3A_3107 = arith.constant 0.000000e+00 : f32
    %broadcast_in_dim3A_3108 = vector.broadcast %jit3A_3107 : f32 to vector<16xf32>
    %select_n3A_3109 = arith.select %ne3A_3106, %bitcast_convert_type3A_3100, %broadcast_in_dim3A_3108 : vector<16xi1>, vector<16xf32>
    %add3A_3110 = arith.addf %add3A_3073, %select_n3A_3109 : vector<16xf32>
    %add3A_3111 = arith.constant 384 : i32
    %add3A_3112 = arith.addi %mul3A_2, %add3A_3111 : i32
    %add3A_3113 = arith.constant 64 : i32
    %add3A_3114 = arith.addi %add3A_3112, %add3A_3113 : i32
    %add3A_3115 = vector.broadcast %add3A_3114 : i32 to vector<16xi32>
    %add3A_3116 = arith.addi %add3A_3115, %iota3A : vector<16xi32>
    %get3A_3117 = arith.constant 3 : i32
    %get3A_3118 = arith.index_cast %get3A_3117 : i32 to index
    %get3A_3119 = arith.constant 64 : index
    %get3A_3120 = tpu.vector_load %arg8[%get3A_3118, %get3A_3119] {strides = array<i32>} : memref<4x128xi32, #tpu.memory_space<vmem>>, vector<1x16xi32>,
    %get3A_3121 = vector.shape_cast %get3A_3120 : vector<1x16xi32> to vector<16xi32>
    %get3A_3122 = arith.constant 3 : i32
    %get3A_3123 = arith.index_cast %get3A_3122 : i32 to index
    %get3A_3124 = arith.constant 64 : index
    %get3A_3125 = tpu.vector_load %arg7[%get3A_3123, %get3A_3124] {strides = array<i32>} : memref<4x128xi32, #tpu.memory_space<vmem>>, vector<1x16xi32>,
    %get3A_3126 = vector.shape_cast %get3A_3125 : vector<1x16xi32> to vector<16xi32>
    %ne3A_3127 = arith.constant 0 : i32
    %ne3A_3128 = vector.broadcast %ne3A_3127 : i32 to vector<16xi32>
    %ne3A_3129 = arith.cmpi ne, %get3A_3126, %ne3A_3128 : vector<16xi32>
    %and3A_3130 = arith.constant -65536 : i32
    %and3A_3131 = vector.broadcast %and3A_3130 : i32 to vector<16xi32>
    %and3A_3132 = arith.andi %get3A_3121, %and3A_3131 : vector<16xi32>
    %shift_left3A_3133 = arith.constant 16 : i32
    %shift_left3A_3134 = vector.broadcast %shift_left3A_3133 : i32 to vector<16xi32>
    %shift_left3A_3135 = arith.shli %get3A_3121, %shift_left3A_3134 : vector<16xi32>
    %select_n3A_3136 = arith.select %ne3A_3129, %and3A_3132, %shift_left3A_3135 : vector<16xi1>, vector<16xi32>
    %bitcast_convert_type3A_3137 = tpu.bitcast %select_n3A_3136 : vector<16xi32> -> vector<16xf32>
    %rem3A_3138 = arith.constant 2048 : i32
    %rem3A_3139 = vector.broadcast %rem3A_3138 : i32 to vector<16xi32>
    %rem3A_3140 = arith.remsi %add3A_3116, %rem3A_3139 : vector<16xi32>
    %ne3A_3141 = arith.constant 2047 : i32
    %ne3A_3142 = vector.broadcast %ne3A_3141 : i32 to vector<16xi32>
    %ne3A_3143 = arith.cmpi ne, %rem3A_3140, %ne3A_3142 : vector<16xi32>
    %jit3A_3144 = arith.constant 0.000000e+00 : f32
    %broadcast_in_dim3A_3145 = vector.broadcast %jit3A_3144 : f32 to vector<16xf32>
    %select_n3A_3146 = arith.select %ne3A_3143, %bitcast_convert_type3A_3137, %broadcast_in_dim3A_3145 : vector<16xi1>, vector<16xf32>
    %add3A_3147 = arith.addf %add3A_3110, %select_n3A_3146 : vector<16xf32>
    %add3A_3148 = arith.constant 384 : i32
    %add3A_3149 = arith.addi %mul3A_2, %add3A_3148 : i32
    %add3A_3150 = arith.constant 80 : i32
    %add3A_3151 = arith.addi %add3A_3149, %add3A_3150 : i32
    %add3A_3152 = vector.broadcast %add3A_3151 : i32 to vector<16xi32>
    %add3A_3153 = arith.addi %add3A_3152, %iota3A : vector<16xi32>
    %get3A_3154 = arith.constant 3 : i32
    %get3A_3155 = arith.index_cast %get3A_3154 : i32 to index
    %get3A_3156 = arith.constant 80 : index
    %get3A_3157 = tpu.vector_load %arg8[%get3A_3155, %get3A_3156] {strides = array<i32>} : memref<4x128xi32, #tpu.memory_space<vmem>>, vector<1x16xi32>,
    %get3A_3158 = vector.shape_cast %get3A_3157 : vector<1x16xi32> to vector<16xi32>
    %get3A_3159 = arith.constant 3 : i32
    %get3A_3160 = arith.index_cast %get3A_3159 : i32 to index
    %get3A_3161 = arith.constant 80 : index
    %get3A_3162 = tpu.vector_load %arg7[%get3A_3160, %get3A_3161] {strides = array<i32>} : memref<4x128xi32, #tpu.memory_space<vmem>>, vector<1x16xi32>,
    %get3A_3163 = vector.shape_cast %get3A_3162 : vector<1x16xi32> to vector<16xi32>
    %ne3A_3164 = arith.constant 0 : i32
    %ne3A_3165 = vector.broadcast %ne3A_3164 : i32 to vector<16xi32>
    %ne3A_3166 = arith.cmpi ne, %get3A_3163, %ne3A_3165 : vector<16xi32>
    %and3A_3167 = arith.constant -65536 : i32
    %and3A_3168 = vector.broadcast %and3A_3167 : i32 to vector<16xi32>
    %and3A_3169 = arith.andi %get3A_3158, %and3A_3168 : vector<16xi32>
    %shift_left3A_3170 = arith.constant 16 : i32
    %shift_left3A_3171 = vector.broadcast %shift_left3A_3170 : i32 to vector<16xi32>
    %shift_left3A_3172 = arith.shli %get3A_3158, %shift_left3A_3171 : vector<16xi32>
    %select_n3A_3173 = arith.select %ne3A_3166, %and3A_3169, %shift_left3A_3172 : vector<16xi1>, vector<16xi32>
    %bitcast_convert_type3A_3174 = tpu.bitcast %select_n3A_3173 : vector<16xi32> -> vector<16xf32>
    %rem3A_3175 = arith.constant 2048 : i32
    %rem3A_3176 = vector.broadcast %rem3A_3175 : i32 to vector<16xi32>
    %rem3A_3177 = arith.remsi %add3A_3153, %rem3A_3176 : vector<16xi32>
    %ne3A_3178 = arith.constant 2047 : i32
    %ne3A_3179 = vector.broadcast %ne3A_3178 : i32 to vector<16xi32>
    %ne3A_3180 = arith.cmpi ne, %rem3A_3177, %ne3A_3179 : vector<16xi32>
    %jit3A_3181 = arith.constant 0.000000e+00 : f32
    %broadcast_in_dim3A_3182 = vector.broadcast %jit3A_3181 : f32 to vector<16xf32>
    %select_n3A_3183 = arith.select %ne3A_3180, %bitcast_convert_type3A_3174, %broadcast_in_dim3A_3182 : vector<16xi1>, vector<16xf32>
    %add3A_3184 = arith.addf %add3A_3147, %select_n3A_3183 : vector<16xf32>
    %add3A_3185 = arith.constant 384 : i32
    %add3A_3186 = arith.addi %mul3A_2, %add3A_3185 : i32
    %add3A_3187 = arith.constant 96 : i32
    %add3A_3188 = arith.addi %add3A_3186, %add3A_3187 : i32
    %add3A_3189 = vector.broadcast %add3A_3188 : i32 to vector<16xi32>
    %add3A_3190 = arith.addi %add3A_3189, %iota3A : vector<16xi32>
    %get3A_3191 = arith.constant 3 : i32
    %get3A_3192 = arith.index_cast %get3A_3191 : i32 to index
    %get3A_3193 = arith.constant 96 : index
    %get3A_3194 = tpu.vector_load %arg8[%get3A_3192, %get3A_3193] {strides = array<i32>} : memref<4x128xi32, #tpu.memory_space<vmem>>, vector<1x16xi32>,
    %get3A_3195 = vector.shape_cast %get3A_3194 : vector<1x16xi32> to vector<16xi32>
    %get3A_3196 = arith.constant 3 : i32
    %get3A_3197 = arith.index_cast %get3A_3196 : i32 to index
    %get3A_3198 = arith.constant 96 : index
    %get3A_3199 = tpu.vector_load %arg7[%get3A_3197, %get3A_3198] {strides = array<i32>} : memref<4x128xi32, #tpu.memory_space<vmem>>, vector<1x16xi32>,
    %get3A_3200 = vector.shape_cast %get3A_3199 : vector<1x16xi32> to vector<16xi32>
    %ne3A_3201 = arith.constant 0 : i32
    %ne3A_3202 = vector.broadcast %ne3A_3201 : i32 to vector<16xi32>
    %ne3A_3203 = arith.cmpi ne, %get3A_3200, %ne3A_3202 : vector<16xi32>
    %and3A_3204 = arith.constant -65536 : i32
    %and3A_3205 = vector.broadcast %and3A_3204 : i32 to vector<16xi32>
    %and3A_3206 = arith.andi %get3A_3195, %and3A_3205 : vector<16xi32>
    %shift_left3A_3207 = arith.constant 16 : i32
    %shift_left3A_3208 = vector.broadcast %shift_left3A_3207 : i32 to vector<16xi32>
    %shift_left3A_3209 = arith.shli %get3A_3195, %shift_left3A_3208 : vector<16xi32>
    %select_n3A_3210 = arith.select %ne3A_3203, %and3A_3206, %shift_left3A_3209 : vector<16xi1>, vector<16xi32>
    %bitcast_convert_type3A_3211 = tpu.bitcast %select_n3A_3210 : vector<16xi32> -> vector<16xf32>
    %rem3A_3212 = arith.constant 2048 : i32
    %rem3A_3213 = vector.broadcast %rem3A_3212 : i32 to vector<16xi32>
    %rem3A_3214 = arith.remsi %add3A_3190, %rem3A_3213 : vector<16xi32>
    %ne3A_3215 = arith.constant 2047 : i32
    %ne3A_3216 = vector.broadcast %ne3A_3215 : i32 to vector<16xi32>
    %ne3A_3217 = arith.cmpi ne, %rem3A_3214, %ne3A_3216 : vector<16xi32>
    %jit3A_3218 = arith.constant 0.000000e+00 : f32
    %broadcast_in_dim3A_3219 = vector.broadcast %jit3A_3218 : f32 to vector<16xf32>
    %select_n3A_3220 = arith.select %ne3A_3217, %bitcast_convert_type3A_3211, %broadcast_in_dim3A_3219 : vector<16xi1>, vector<16xf32>
    %add3A_3221 = arith.addf %add3A_3184, %select_n3A_3220 : vector<16xf32>
    %add3A_3222 = arith.constant 384 : i32
    %add3A_3223 = arith.addi %mul3A_2, %add3A_3222 : i32
    %add3A_3224 = arith.constant 112 : i32
    %add3A_3225 = arith.addi %add3A_3223, %add3A_3224 : i32
    %add3A_3226 = vector.broadcast %add3A_3225 : i32 to vector<16xi32>
    %add3A_3227 = arith.addi %add3A_3226, %iota3A : vector<16xi32>
    %get3A_3228 = arith.constant 3 : i32
    %get3A_3229 = arith.index_cast %get3A_3228 : i32 to index
    %get3A_3230 = arith.constant 112 : index
    %get3A_3231 = tpu.vector_load %arg8[%get3A_3229, %get3A_3230] {strides = array<i32>} : memref<4x128xi32, #tpu.memory_space<vmem>>, vector<1x16xi32>,
    %get3A_3232 = vector.shape_cast %get3A_3231 : vector<1x16xi32> to vector<16xi32>
    %get3A_3233 = arith.constant 3 : i32
    %get3A_3234 = arith.index_cast %get3A_3233 : i32 to index
    %get3A_3235 = arith.constant 112 : index
    %get3A_3236 = tpu.vector_load %arg7[%get3A_3234, %get3A_3235] {strides = array<i32>} : memref<4x128xi32, #tpu.memory_space<vmem>>, vector<1x16xi32>,
    %get3A_3237 = vector.shape_cast %get3A_3236 : vector<1x16xi32> to vector<16xi32>
    %ne3A_3238 = arith.constant 0 : i32
    %ne3A_3239 = vector.broadcast %ne3A_3238 : i32 to vector<16xi32>
    %ne3A_3240 = arith.cmpi ne, %get3A_3237, %ne3A_3239 : vector<16xi32>
    %and3A_3241 = arith.constant -65536 : i32
    %and3A_3242 = vector.broadcast %and3A_3241 : i32 to vector<16xi32>
    %and3A_3243 = arith.andi %get3A_3232, %and3A_3242 : vector<16xi32>
    %shift_left3A_3244 = arith.constant 16 : i32
    %shift_left3A_3245 = vector.broadcast %shift_left3A_3244 : i32 to vector<16xi32>
    %shift_left3A_3246 = arith.shli %get3A_3232, %shift_left3A_3245 : vector<16xi32>
    %select_n3A_3247 = arith.select %ne3A_3240, %and3A_3243, %shift_left3A_3246 : vector<16xi1>, vector<16xi32>
    %bitcast_convert_type3A_3248 = tpu.bitcast %select_n3A_3247 : vector<16xi32> -> vector<16xf32>
    %rem3A_3249 = arith.constant 2048 : i32
    %rem3A_3250 = vector.broadcast %rem3A_3249 : i32 to vector<16xi32>
    %rem3A_3251 = arith.remsi %add3A_3227, %rem3A_3250 : vector<16xi32>
    %ne3A_3252 = arith.constant 2047 : i32
    %ne3A_3253 = vector.broadcast %ne3A_3252 : i32 to vector<16xi32>
    %ne3A_3254 = arith.cmpi ne, %rem3A_3251, %ne3A_3253 : vector<16xi32>
    %jit3A_3255 = arith.constant 0.000000e+00 : f32
    %broadcast_in_dim3A_3256 = vector.broadcast %jit3A_3255 : f32 to vector<16xf32>
    %select_n3A_3257 = arith.select %ne3A_3254, %bitcast_convert_type3A_3248, %broadcast_in_dim3A_3256 : vector<16xi1>, vector<16xf32>
    %add3A_3258 = arith.addf %add3A_3221, %select_n3A_3257 : vector<16xf32>
    %swap3A_3259 = arith.constant 0 : index
    %swap3A_3260 = tpu.vector_load %arg9[%swap3A_3259] {strides = array<i32>} : memref<16xf32, #tpu.memory_space<vmem>>, vector<16xf32>,
    %swap3A_3261 = vector.shape_cast %swap3A_3260 : vector<16xf32> to vector<16xf32>
    %swap3A_3262 = vector.shape_cast %add3A_3258 : vector<16xf32> to vector<16xf32>
    tpu.vector_store %arg9[%swap3A_3259], %swap3A_3262 {strides = array<i32>} : memref<16xf32, #tpu.memory_space<vmem>>, vector<16xf32>,
    "tpu.region"() ({
      %run_scoped3A = tpu.sem_alloc : memref<!tpu.dma_semaphore, #tpu.memory_space<semaphore_mem>>
      %dma_start3A_3263 = arith.constant 0 : i32
      %dma_start3A_3264 = tpu.memref_slice %arg4[%add3A, %dma_start3A_3263] : memref<32x16xf32, #tpu.memory_space<hbm>> -> memref<1x16xf32, #tpu.memory_space<hbm>>
      %dma_start3A_3265 = tpu.memref_squeeze %dma_start3A_3264 : memref<1x16xf32, #tpu.memory_space<hbm>> -> memref<16xf32, #tpu.memory_space<hbm>>
      %dma_start3A_3266 = arith.constant 0 : i32
      %dma_start3A_3267 = tpu.memref_slice %arg4[%add3A, %dma_start3A_3266] : memref<32x16xf32, #tpu.memory_space<hbm>> -> memref<1x16xf32, #tpu.memory_space<hbm>>
      %dma_start3A_3268 = tpu.memref_squeeze %dma_start3A_3267 : memref<1x16xf32, #tpu.memory_space<hbm>> -> memref<16xf32, #tpu.memory_space<hbm>>
      tpu.enqueue_dma source(%arg9 : memref<16xf32, #tpu.memory_space<vmem>>) target(%dma_start3A_3268 : memref<16xf32, #tpu.memory_space<hbm>>) target_semaphore(%run_scoped3A : memref<!tpu.dma_semaphore, #tpu.memory_space<semaphore_mem>>)
      %dma_wait3A_3269 = arith.constant 0 : i32
      %dma_wait3A_3270 = tpu.memref_slice %arg4[%add3A, %dma_wait3A_3269] : memref<32x16xf32, #tpu.memory_space<hbm>> -> memref<1x16xf32, #tpu.memory_space<hbm>>
      %dma_wait3A_3271 = tpu.memref_squeeze %dma_wait3A_3270 : memref<1x16xf32, #tpu.memory_space<hbm>> -> memref<16xf32, #tpu.memory_space<hbm>>
      %dma_wait3A_3272 = arith.constant 0 : i32
      %dma_wait3A_3273 = tpu.memref_slice %arg4[%add3A, %dma_wait3A_3272] : memref<32x16xf32, #tpu.memory_space<hbm>> -> memref<1x16xf32, #tpu.memory_space<hbm>>
      %dma_wait3A_3274 = tpu.memref_squeeze %dma_wait3A_3273 : memref<1x16xf32, #tpu.memory_space<hbm>> -> memref<16xf32, #tpu.memory_space<hbm>>
      tpu.wait_dma2 semaphore(%run_scoped3A : memref<!tpu.dma_semaphore, #tpu.memory_space<semaphore_mem>>) src(%arg9 : memref<16xf32, #tpu.memory_space<vmem>>) dst(%dma_wait3A_3274 : memref<16xf32, #tpu.memory_space<hbm>>)
      tpu.yield
    }) : () -> ()
    return
  }
}

module attributes {stable_mosaic.version = 14 : i64} {
  func.func @_table_body(%arg0: memref<1000x1024xbf16, #tpu.memory_space<vmem>>, %arg1: memref<1024x1000xbf16, #tpu.memory_space<vmem>>, %arg2: memref<1024000xbf16, #tpu.memory_space<vmem>>) attributes {dimension_semantics = [], scalar_prefetch = 0 : i64, scratch_operands = 0 : i64, tpu.core_type = #tpu.core_type<tc>} {
    %get3A = arith.constant 0 : index
    %get3A_0 = arith.constant 0 : index
    %get3A_1 = vector.load %arg0[%get3A, %get3A_0] : memref<1000x1024xbf16, #tpu.memory_space<vmem>>, vector<1000x1024xbf16>
    %get3A_2 = arith.constant 0 : index
    %get3A_3 = arith.constant 0 : index
    %get3A_4 = vector.load %arg1[%get3A_2, %get3A_3] : memref<1024x1000xbf16, #tpu.memory_space<vmem>>, vector<1024x1000xbf16>
    %dot_general3A = arith.constant dense<0.000000e+00> : vector<1000x1000xf32>
    %dot_general3A_5 = tpu.matmul %get3A_1, %get3A_4, %dot_general3A {dimension_numbers = #tpu.dot_dimension_numbers<[1], [0], [0], [1], [0, 0, 1, 1], [], []>, transpose_lhs_hint = false} : vector<1000x1024xbf16>, vector<1024x1000xbf16>, vector<1000x1000xf32> -> vector<1000x1000xf32>
    %reduce_max3A = arith.constant dense<0xFF800000> : vector<1000xf32>
    %reduce_max3A_6 = vector.multi_reduction <maximumf>, %dot_general3A_5, %reduce_max3A [1] : vector<1000x1000xf32> to vector<1000xf32>
    %broadcast_in_dim3A = vector.shape_cast %reduce_max3A_6 : vector<1000xf32> to vector<1000x1xf32>
    %sub3A = vector.broadcast %broadcast_in_dim3A : vector<1000x1xf32> to vector<1000x1000xf32>
    %sub3A_7 = arith.subf %dot_general3A_5, %sub3A : vector<1000x1000xf32>
    %exp3A = math.exp %sub3A_7 : vector<1000x1000xf32>
    %reduce_sum3A = arith.constant dense<0.000000e+00> : vector<1000xf32>
    %reduce_sum3A_8 = vector.multi_reduction <add>, %exp3A, %reduce_sum3A [1] : vector<1000x1000xf32> to vector<1000xf32>
    %broadcast_in_dim3A_9 = vector.shape_cast %reduce_sum3A_8 : vector<1000xf32> to vector<1000x1xf32>
    %log3A = math.log %broadcast_in_dim3A_9 : vector<1000x1xf32>
    %add3A = arith.addf %broadcast_in_dim3A, %log3A : vector<1000x1xf32>
    %sub3A_10 = vector.broadcast %add3A : vector<1000x1xf32> to vector<1000x1000xf32>
    %sub3A_11 = arith.subf %sub3A_10, %dot_general3A_5 : vector<1000x1000xf32>
    %convert_element_type3A = arith.truncf %sub3A_11 : vector<1000x1000xf32> to vector<1000x1000xbf16>
    %jit3A = arith.constant 0 : i32
    %convert_element_type3A_12 = arith.sitofp %jit3A : i32 to bf16
    %pad3A = vector.broadcast %convert_element_type3A_12 : bf16 to vector<1000x24xbf16>
    %pad3A_13 = tpu.concatenate %convert_element_type3A, %pad3A in 1 : vector<1000x1000xbf16>, vector<1000x24xbf16> -> vector<1000x1024xbf16>
    %reshape3A = vector.shape_cast %pad3A_13 : vector<1000x1024xbf16> to vector<1024000xbf16>
    %swap3A = arith.constant 0 : index
    %swap3A_14 = vector.load %arg2[%swap3A] : memref<1024000xbf16, #tpu.memory_space<vmem>>, vector<1024000xbf16>
    tpu.vector_store %arg2[%swap3A], %reshape3A {strides = array<i32>} : memref<1024000xbf16, #tpu.memory_space<vmem>>, vector<1024000xbf16>,
    return
  }
}

</mosaic_0001>

<sc_bundles>
// kernel: kernel.4.cloned.1.call-start
scs
__scs_entry_jumppad:
0x0: {  	(pc) =	sbr.rel $0x88, $3  }
0x1: {  	(tag) =	ssettag $0x0;
	lr =	simm.s32 $0x1  }
0x2: {  	[smem:$0x3F9E] =	sst lr;
	_ =	strace $0xD0000000  }
0x3: {  	_ = 	snop  }
0x4: {  	_ = 	snop  }
0x5: {  	_ = 	snop  }
0x6: {  	_ = 	snop  }
0x7: {  	_ = 	snop  }
__scs_overlays_trampoline_lowered:
0x8: {  	[smem:$0x3FAD] =	sst s0  }
0x9: {  	[smem:$0x3FAE] =	sst s1  }
0xa: {  	[smem:$0x3FAF] =	sst s2  }
0xb: {  	[smem:$0x3FB0] =	sst s3  }
0xc: {  	[smem:$0x3FB1] =	sst s4  }
0xd: {  	[smem:$0x3FB2] =	sst s5  }
0xe: {  	[smem:$0x3FB3] =	sst s6  }
0xf: {  	[smem:$0x3FB4] =	sst s7  }
0x10: {  	[smem:$0x3FB5] =	sst s8  }
0x11: {  	[smem:$0x3FB6] =	sst s9;
	s0 =	simm.s32 @!p0 $0x0  }
0x12: {  	s1 =	sld [smem:$0x3F9C];
	s0 =	simm.s32 @p0 $0x1  }
0x13: {  	[smem:$0x3FB7] =	sst s0;
	s0 =	simm.s32 @!p1 $0x0  }
0x14: {  	s2 =	sld [smem:$0x3F9B];
	s0 =	simm.s32 @p1 $0x1  }
0x15: {  	[smem:$0x3FB8] =	sst s0;
	s0 =	simm.s32 @!p2 $0x0  }
0x16: {  	s3 =	sld [smem:$0x3FDB];
	s0 =	simm.s32 @p2 $0x1  }
0x17: {  	s4 =	simm.s32 $0x1BF5;
	[smem:$0x3FBA] =	sst s0  }
0x18: {  	s0 =	sld [smem:$0x3F9D];
	_ =	swait.ge [sflag:s4], $0x0  }
0x19: {  	s7 =	sld [smem:$0x3F9E]  }
0x1a: {  	s8 =	sadd.s32 $0xFFFFE003, lr  }
0x1b: {  	s9 =	sadd.s32 $0xFFFFFEF7, lr;
	s5 =	simm.s32 $0xFFFFFFFF;
	p2 =	slt.u32 s8, $0xFFFFF086  }
0x1c: {  	p1 =	slt.u32 s9, $0xF7A;
	s5 =	simm.s32 @!p2 $0x0  }
0x1d: {  	s5 =	simm.s32 @p1 $0x1;
	p0 =	seq.s32 s7, s2  }
0x1e: {  	s7 =	smul.u32 @!p0 $0xF7A, s2;
	p2 =	seq.s32 @!p0 s5, $0x0  }
0x1f: {  	s9 =	smul.u32 $0xF7A, s1;
	s8 =	simm.s32 @!p0 $0x1BF5;
	p2 =	por !p2, p0  }
0x20: {  	[sflag:s8] =	ssyncset.s32 @!p0 $0xFFFFF086;
	s6 =	sadd.s32 @!p0 s3, s7;
	s7 =	simm.s32 @!p0 $0x108  }
0x21: {  	s3 =	sadd.s32 s3, s9;
	s6 =	sadd.s32 @!p0 $0x88, s6;
	s7 =	simm.s32 @p2 $0x1082  }
0x22: {  	[simem:s7], [sflag:s8] =	dma.local @!p0 [hbm:s6], $0xF7A  }
0x23: {  	s9 =	sor.u32 $0xD0000000, s2;
	s6 =	simm.s32 $0x108;
	_ =	swait.ge @!p0 [sflag:s8], $0x0  }
0x24: {  	s3 =	sadd.s32 $0x88, s3;
	s6 =	simm.s32 @!p1 $0x1082;
	[sflag:s4] =	ssyncset.s32 $0xFFFFF086  }
0x25: {  	[simem:s6], [sflag:s4] =	dma.local [hbm:s3], $0xF7A  }
0x26: {  	[smem:$0x3F9E] =	sst s1;
	(tag) =	ssettag s2;
	_ =	strace s9  }
0x27: {  	s1 =	sld [smem:$0x3FAE]  }
0x28: {  	s2 =	sld [smem:$0x3FAF]  }
0x29: {  	s4 =	sld [smem:$0x3FB1]  }
0x2a: {  	p0 =	seq.s32 s5, $0x0;
	s5 =	sld [smem:$0x3FB2]  }
0x2b: {  	s6 =	sld [smem:$0x3FB3]  }
0x2c: {  	s7 =	sld [smem:$0x3FB4]  }
0x2d: {  	s3 =	simm.s32 $0x108;
	s8 =	sld [smem:$0x3FB5]  }
0x2e: {  	s3 =	simm.s32 @!p0 $0x1082;
	s9 =	sld [smem:$0x3FB6]  }
0x2f: {  	lr =	sadd.s32 s0, s3;
	s0 =	sld [smem:$0x3FAD]  }
0x30: {  	s3 =	sld [smem:$0x3FB0]  }
0x31: {  	[smem:$0x3FB9] =	sst s10  }
0x32: {  	s10 =	sld [smem:$0x3FB7];
	_ =	sdelay $0x3  }
0x33: {  	p0 =	seq.s32 s10, $0x1;
	s10 =	sld [smem:$0x3FB9];
	_ =	sdelay $0x3  }
0x34: {  	[smem:$0x3FB9] =	sst s10  }
0x35: {  	s10 =	sld [smem:$0x3FB8];
	_ =	sdelay $0x3  }
0x36: {  	p1 =	seq.s32 s10, $0x1;
	s10 =	sld [smem:$0x3FB9];
	_ =	sdelay $0x3  }
0x37: {  	[smem:$0x3FB9] =	sst s10  }
0x38: {  	s10 =	sld [smem:$0x3FBA]  }
0x39: {  	_ = 	snop;
	(pc) =	sbr.ind lr, $3  }
0x3a: {  	_ = 	snop  }
0x3b: {  	_ = 	snop  }
0x3c: {  	p2 =	seq.s32 s10, $0x1;
	s10 =	sld [smem:$0x3FB9]  }
0x3d: {  	_ =	shalt  }
0x3e: {  	_ =	shalt  }
0x3f: {  	_ =	shalt  }
0x40: {  	_ =	shalt  }
0x41: {  	_ =	shalt  }
0x42: {  	_ =	shalt  }
0x43: {  	_ =	shalt  }
0x44: {  	_ =	shalt  }
0x45: {  	_ =	shalt  }
0x46: {  	_ =	shalt  }
0x47: {  	_ =	shalt  }
0x48: {  	_ =	shalt  }
0x49: {  	_ =	shalt  }
0x4a: {  	_ =	shalt  }
0x4b: {  	_ =	shalt  }
0x4c: {  	_ =	shalt  }
0x4d: {  	_ =	shalt  }
0x4e: {  	_ =	shalt  }
0x4f: {  	_ =	shalt  }
0x50: {  	_ =	shalt  }
0x51: {  	_ =	shalt  }
0x52: {  	_ =	shalt  }
0x53: {  	_ =	shalt  }
0x54: {  	_ =	shalt  }
0x55: {  	_ =	shalt  }
0x56: {  	_ =	shalt  }
0x57: {  	_ =	shalt  }
0x58: {  	_ =	shalt  }
0x59: {  	_ =	shalt  }
0x5a: {  	_ =	shalt  }
0x5b: {  	_ =	shalt  }
0x5c: {  	_ =	shalt  }
0x5d: {  	_ =	shalt  }
0x5e: {  	_ =	shalt  }
0x5f: {  	_ =	shalt  }
0x60: {  	_ =	shalt  }
0x61: {  	_ =	shalt  }
0x62: {  	_ =	shalt  }
0x63: {  	_ =	shalt  }
0x64: {  	_ =	shalt  }
0x65: {  	_ =	shalt  }
0x66: {  	_ =	shalt  }
0x67: {  	_ =	shalt  }
0x68: {  	_ =	shalt  }
0x69: {  	_ =	shalt  }
0x6a: {  	_ =	shalt  }
0x6b: {  	_ =	shalt  }
0x6c: {  	_ =	shalt  }
0x6d: {  	_ =	shalt  }
0x6e: {  	_ =	shalt  }
0x6f: {  	_ =	shalt  }
0x70: {  	_ =	shalt  }
0x71: {  	_ =	shalt  }
0x72: {  	_ =	shalt  }
0x73: {  	_ =	shalt  }
0x74: {  	_ =	shalt  }
0x75: {  	_ =	shalt  }
0x76: {  	_ =	shalt  }
0x77: {  	_ =	shalt  }
0x78: {  	_ =	shalt  }
0x79: {  	_ =	shalt  }
0x7a: {  	_ =	shalt  }
0x7b: {  	_ =	shalt  }
0x7c: {  	_ =	shalt  }
0x7d: {  	_ =	shalt  }
0x7e: {  	_ =	shalt  }
0x7f: {  	_ =	shalt  }
0x80: {  	_ =	shalt  }
0x81: {  	_ =	shalt  }
0x82: {  	_ =	shalt  }
0x83: {  	_ =	shalt  }
0x84: {  	_ =	shalt  }
0x85: {  	_ =	shalt  }
0x86: {  	_ =	shalt  }
0x87: {  	_ =	shalt  }
.Lfunc_end0:
.L_simem_size_0:
called_computation_lowered:
.L_overlay_start_0:
0x88: {  	s2 =	sld [smem:$0x3FD9]  }
0x89: {  	s3 =	sld [smem:$0x3FFE];
	_ =	sdelay $0x1  }
0x8a: {  	s1 =	srdreg.scid  }
0x8b: {  	s0 =	sand.u32 $0x1, s1  }
0x8c: {  	s16 =	sshll.u32 s0, $0xA;
	s2 =	sadd.s32 s3, s2  }
0x8d: {  	s2 =	sadd.s32 s2, s16  }
0x8e: {  	[smem:$0x3FC5] =	sst s2  }
0x8f: {  	_ = 	snop  }
0x90: {  	(tm) =	ssettm $0x1  }
0x91: {  	s17 =	sld [smem:$0x3FFB];
	_ =	sdelay $0x3  }
0x92: {  	_ =	strace s17  }
0x93: {  	s2 =	sld [smem:$0x3FFC];
	_ =	sdelay $0x3  }
0x94: {  	_ =	strace s2  }
0x95: {  	s2 =	sld [smem:$0x3FFD];
	_ =	sdelay $0x3  }
0x96: {  	_ =	strace s2  }
0x97: {  	_ =	strace $0x8FFFFFFF  }
0x98: {  	s18 =	sld [smem:$0x3FDB];
	_ =	sdelay $0x1  }
0x99: {  	s19 =	simm.s32 $_scs_section_size  }
0x9a: {  	s4 =	simm.s32 $_size__tile_overlayer_lowered;
	s5 =	simm.s32 $_tile_overlayer_lowered  }
0x9b: {  	s22 =	simm.s32 $0x1BFF;
	s21 =	sshll.u32 s5, $0x1;
	s2 =	sadd.s32 s19, s18  }
0x9c: {  	s6 =	simm.s32 $0x0;
	s20 =	sshll.u32 s4, $0x1;
	s4 =	sadd.s32 s21, s2  }
0x9d: {  	[timem:s6], [sflag:s22] =	dma.local [hbm:s4], s20  }
0x9e: {  	_ =	swait.ge [sflag:s22], s20  }
0x9f: {  	s3 =	ssub.s32 $0x0, s20;
	[sflag:s22] =	ssyncset.done $0x0  }
0xa0: {  	[sflag:s22] =	ssyncadd.s32 s3;
	_ =	sdelay $0x1  }
0xa1: {  	s23 =	simm.s32 $0x1B8B  }
0xa2: {  	_ =	swait.ge [sflag:s23], $0x1  }
0xa3: {  	[sflag:s23] =	ssyncset.done $0x0  }
0xa4: {  	s25 =	simm.s32 $0x1B8E;
	s24 =	sld [smem:$0x3FFE];
	[sflag:s23] =	ssyncadd.s32 $0xFFFFFFFF  }
0xa5: {  	s26 =	simm.s32 $execute0_lowered;
	[smem:$0x3FD2] =	sst s25  }
0xa6: {  	s4 =	sshll.u32 s26, $0x1;
	_ =	strace $0x80000046;
	[dreg:$0x1] =	wrdreg $0xFFFFFFFF  }
0xa7: {  	s28 =	simm.s32 $_size_execute0_lowered;
	s2 =	sadd.s32 s2, s4;
	[dreg:$0x0] =	wrdreg $0x0  }
0xa8: {  	s4 =	sshll.u32 s28, $0x1;
	[dreg:$0x2] =	wrdreg s2  }
0xa9: {  	[dreg:$0x3] =	wrdreg s4  }
0xaa: {  	[dreg:$0x4] =	wrdreg $0xC0  }
0xab: {  	_ =	task [dreg:s6], $0x5FFFF  }
0xac: {  	[dreg:$0x1] =	wrdreg $0xFFFFFFFF  }
0xad: {  	[dreg:$0x0] =	wrdreg $0x60  }
0xae: {  	[dreg:$0x2] =	wrdreg s24  }
0xaf: {  	[dreg:$0x3] =	wrdreg $0x9  }
0xb0: {  	_ =	task.clear_ibuf [dreg:s6], $0x4FFFF;
	_ =	strace $0x90000046  }
0xb1: {  	s29 =	simm.s32 $0x9;
	_ =	strace $0x80000048  }
0xb2: {  	_ =	swait.ge [sflag:s29], $0x1  }
0xb3: {  	[sflag:s29] =	ssyncadd.s32 $0xFFFFFFFF  }
0xb4: {  	_ =	strace $0x90000048  }
0xb5: {  	_ =	sfence  }
0xb6: {  	s30 =	sld [smem:$0x0];
	_ =	sdelay $0x2  }
0xb7: {  	s31 =	sshll.u32 s1, $0xD;
	s1 =	sshrl.u32 s1, $0x2  }
0xb8: {  	s3 =	sand.u32 $0x4000, s31;
	s1 =	sadd.s32 s1, s30  }
0xb9: {  	s0 =	sor.u32 s3, s0;
	s1 =	sshll.u32 s1, $0x11  }
0xba: {  	s0 =	sor.u32 s1, s0  }
0xbb: {  	s0 =	sadd.s32 $0x8F2B, s0  }
0xbc: {  	[sflag:s0] =	ssyncadd.remote.s32 $0x1  }
0xbd: {  	_ =	sfence.sel $0xFFFF  }
0xbe: {  	[dreg:$0x0] =	wrdreg $0xFFFFFFFF;
	(pc) =	sbr.abs _section_cstart, $3  }
0xbf: {  	[dreg:$0x1] =	wrdreg $0xFFFFFFFF  }
0xc0: {  	_ =	task.clear_ibuf [dreg:s6], $0x2FFFF;
	_ =	strace $0x9FFFFFFF  }
0xc1: {  	(tm) =	ssettm $0x7FFFFFFF  }
tec
execute0_lowered:
.L_overlay_start_1:
0x0: {  	(tag) =	ssettag $0x1  }
0x1: {  	s2 =	rddreg [dreg:$0x0]  }
0x2: {  	s0 =	rddreg [dreg:$0x1];
	s4 =	srdreg.scid  }
0x3: {  	s1 =	stileid.u32;
	s3 =	simm.s32 $0x0;
	s10 =	simm.s32 $0x680  }
0x4: {  	s11 =	simm.s32 $0x300;
	s12 =	simm.s32 $0x700;
	s13 =	simm.s32 $0x380  }
0x5: {  	s14 =	simm.s32 $0x780;
	s15 =	simm.s32 $0x400;
	s16 =	simm.s32 $0x800  }
0x6: {  	v0 =	vimm.s32 $0xFEDCBA9;
	v1 =	vimm.s32 $0x87654321;
	s17 =	simm.s32 $0x1;
	s18 =	simm.s32 $0x880;
	s19 =	simm.s32 $0x2  }
0x7: {  	s4 =	sand.u32 $0x1, s4;
	s5 =	sshll.u32 s1, $0x1;
	[smem:$0x7FF] =	sst s3;
	v0 =	vunpack.c.l.s4.s8 v0;
	v1 =	vunpack.c.l.s4.s8 v1  }
0x8: {  	s8 =	sor.u32 s4, s5;
	_ =	strace $0x80000047;
	s4 =	ssub.s32 $0x2, s4  }
0x9: {  	s5 =	sshll.u32 s8, $0x6;
	s6 =	sshll.u32 s8, $0x4;
	s9 =	sshll.u32 s8, $0x9;
	v0 =	vunpack.c.0.s8.s32 v0;
	v1 =	vunpack.c.0.s8.s32 v1  }
0xa: {  	v2 =	vlaneseq.u32;
	s7 =	sshrl.u32 s4, $0x1;
	p0 =	sne.s32 s8, $0x1F;
	s9 =	sor.u32 $0x1F0, s9  }
0xb: {  	s8 =	simm.s32 $0x80;
	s5 =	sadd.s32 s5, s2;
	s6 =	sadd.s32 s6, s2;
	v2 =	vor.u32 s9, v2;
	v1 =	vcombine.low v1, v0  }
0xc: {  	vm1 =	vmmov $0x7fff;
	s7 =	ssub.s32 s4, s7;
	s4 =	sadd.s32 $0xFA00, s5;
	s5 =	sadd.s32 $0x101C0, s2;
	v2 =	vand.u32 $0x7FF, v2  }
0xd: {  	s6 =	sadd.s32 $0x10200, s6;
	s7 =	smax.u32 s7, $0x1;
	s9 =	simm.s32 $0x280;
	v0 =	vimm.s32 $0x0;
	vm0 =	veq.s32 v2, $0x7FF;
	v1 =	vand.u32 $0xF, v1  }
.LBB2_1:
0xe: {  	s20 =	simm.s32 @p0 $0x0  }
0xf: {  	[tilespmem:s20], [sflag:$0x2] =	stream.linear.gather @p0 [hbm4b:s4+s20], $0x208, $0x38;
	[tilespmem:$0x900] =	vst v63  }
0x10: {  	s20 =	simm.s32 @p0 $0x2  }
0x11: {  	_ =	swait.ge @p0 [sflag:s20], $0x208  }
0x12: {  	[sflag:s20] =	ssyncset.done @p0 $0x0  }
0x13: {  	[sflag:s20] =	ssyncadd.s32 @p0 $0xFFFFFDF8;
	s20 =	simm.s32 @!p0 $0x0  }
0x14: {  	[tilespmem:s20], [sflag:$0x2] =	stream.linear.gather @!p0 [hbm4b:s5+s20], $0x200, $0x38;
	[tilespmem:$0x900] =	vst v63  }
0x15: {  	s20 =	simm.s32 @!p0 $0x2  }
0x16: {  	_ =	swait.ge @!p0 [sflag:s20], $0x200  }
0x17: {  	[sflag:s20] =	ssyncset.done @!p0 $0x0  }
0x18: {  	[sflag:s20] =	ssyncadd.s32 @!p0 $0xFFFFFE00  }
0x19: {  	v2 =	vld [tilespmem:$0x0]  }
0x1a: {  	v3 =	vld [tilespmem:$0x10]  }
0x1b: {  	v4 =	vld [tilespmem:$0x10]  }
0x1c: {  	v5 =	vld [tilespmem:$0x20]  }
0x1d: {  	v6 =	vld [tilespmem:$0x20]  }
0x1e: {  	v7 =	vld [tilespmem:$0x30]  }
0x1f: {  	v9 =	vld [tilespmem:$0x30]  }
0x20: {  	v11 =	vld [tilespmem:$0x40]  }
0x21: {  	v52 =	vld [tilespmem:$0x40]  }
0x22: {  	v54 =	vld [tilespmem:$0x50]  }
0x23: {  	v16 =	vld [tilespmem:$0x60]  }
0x24: {  	v17 =	vld [tilespmem:$0x70]  }
0x25: {  	v57 =	vld [tilespmem:$0x70]  }
0x26: {  	v58 =	vld [tilespmem:$0x80]  }
0x27: {  	v59 =	vld [tilespmem:$0x80]  }
0x28: {  	v22 =	vld [tilespmem:$0x90];
	v3 =	vperm.xlane v3, v0;
	v8 =	vperm.xlane v2, v1  }
0x29: {  	v63 =	vld [tilespmem:$0xA0];
	v5 =	vperm.xlane v5, v0;
	v10 =	vperm.xlane v4, v1  }
0x2a: {  	v25 =	vld [tilespmem:$0xA0];
	v7 =	vperm.xlane v7, v0;
	v14 =	vperm.xlane v6, v1  }
0x2b: {  	v28 =	vld [tilespmem:$0xB0];
	v2 =	vshll.u32 v2, $0x9;
	v11 =	vperm.xlane v11, v0;
	v15 =	vperm.xlane v9, v1  }
0x2c: {  	v32 =	vld [tilespmem:$0xB0];
	v4 =	vshll.u32 v4, $0x9;
	v56 =	vperm.xlane v52, v1;
	v20 =	vperm.xlane v54, v1  }
0x2d: {  	v40 =	vld [tilespmem:$0xC0];
	v6 =	vshll.u32 v6, $0x9;
	v17 =	vperm.xlane v17, v0;
	v21 =	vperm.xlane v16, v1  }
0x2e: {  	v9 =	vshll.u32 v9, $0x9;
	v61 =	vperm.xlane v58, v0;
	v62 =	vperm.xlane v57, v1  }
0x2f: {  	v53 =	vld [tilespmem:$0x50];
	v16 =	vshll.u32 v16, $0x9;
	v27 =	vshll.u32 v57, $0x9;
	v30 =	vperm.xlane v59, v1  }
0x30: {  	v43 =	vld [tilespmem:$0xD0];
	v35 =	vshll.u32 v59, $0x9;
	v38 =	vperm.xlane v63, v0;
	v39 =	vperm.xlane v22, v1  }
0x31: {  	v41 =	vperm.xlane v28, v0;
	v42 =	vperm.xlane v25, v1;
	v46 =	vshll.u32 v22, $0x9  }
0x32: {  	v49 =	vshll.u32 v25, $0x9;
	v51 =	vperm.xlane v32, v1;
	v58 =	vperm.xlane v40, v1  }
0x33: {  	v3 =	vsel vm1, v8, v3;
	v5 =	vsel vm1, v10, v5;
	v7 =	vsel vm1, v14, v7  }
0x34: {  	v10 =	vperm.xlane v53, v0;
	v11 =	vsel vm1, v15, v11;
	v8 =	vshll.u32 v52, $0x9  }
0x35: {  	v24 =	vsel vm1, v21, v17;
	v45 =	vsel vm1, v39, v38;
	v15 =	vperm.xlane v43, v0  }
0x36: {  	v55 =	vld [tilespmem:$0x60];
	v12 =	vshra.s32 v3, $0x1;
	v13 =	vshra.s32 v5, $0x1;
	v3 =	vand.u32 $0x1, v3  }
0x37: {  	v5 =	vand.u32 $0x1, v5;
	v14 =	vshra.s32 v7, $0x1;
	v7 =	vand.u32 $0x1, v7;
	[tilespmem:$0x480] =	vst v3  }
0x38: {  	v18 =	vshra.s32 v11, $0x1;
	v11 =	vand.u32 $0x1, v11;
	v26 =	vshra.s32 v24, $0x1;
	[tilespmem:$0x490] =	vst v5  }
0x39: {  	v36 =	vld [tilespmem:$0xC0];
	v31 =	vand.u32 $0x1, v24;
	v48 =	vshra.s32 v45, $0x1;
	v52 =	vand.u32 $0x1, v45;
	[tilespmem:$0x4A0] =	vst v7  }
0x3a: {  	v59 =	vld [tilespmem:$0xF0];
	v2 =	vadd.s32 v2, v12;
	v4 =	vadd.s32 v4, v13;
	v6 =	vadd.s32 v6, v14;
	[tilespmem:$0x4B0] =	vst v11  }
0x3b: {  	v60 =	vld [tilespmem:$0x90];
	v10 =	vsel vm1, v56, v10;
	v13 =	vperm.xlane v55, v0;
	v9 =	vadd.s32 v9, v18;
	[tilespmem:$0x4E0] =	vst v31  }
0x3c: {  	v12 =	vshll.u32 v54, $0x9;
	v11 =	vsel vm1, v42, v41;
	v25 =	vsel vm1, v58, v15;
	[tilespmem:$0x510] =	vst v52  }
0x3d: {  	v53 =	vld [tilespmem:$0xE0];
	v19 =	vshra.s32 v10, $0x1;
	v10 =	vand.u32 $0x1, v10;
	[tilespmem:$0x290] =	vst v4;
	v4 =	vadd.s32 v16, v26  }
0x3e: {  	v47 =	vld [tilespmem:$0xD0];
	[tilespmem:$0x280] =	vst v2;
	v16 =	vperm.xlane v36, v0;
	v54 =	vand.u32 $0x1, v11;
	v26 =	vshll.u32 v40, $0x9  }
0x3f: {  	v50 =	vld [tilespmem:$0xE0];
	[tilespmem:$0x2A0] =	vst v6;
	v28 =	vshra.s32 v25, $0x1;
	v38 =	vperm.xlane v59, v1;
	v45 =	vshll.u32 v59, $0x9  }
0x40: {  	v39 =	vld [tilespmem:$0x120];
	[tilespmem:$0x2B0] =	vst v9;
	v8 =	vadd.s32 v8, v19;
	v13 =	vsel vm1, v20, v13;
	v19 =	vperm.xlane v60, v0  }
0x41: {  	[tilespmem:$0x4C0] =	vst v10;
	v20 =	vshra.s32 v13, $0x1;
	v3 =	vand.u32 $0x1, v13;
	v55 =	vsel vm1, v51, v16  }
0x42: {  	v56 =	vld [tilespmem:$0xF0];
	[tilespmem:$0x2E0] =	vst v4;
	v13 =	vshll.u32 v32, $0x9;
	v32 =	vperm.xlane v53, v1;
	v2 =	vadd.s32 v12, v20  }
0x43: {  	v42 =	vld [tilespmem:$0x130];
	v12 =	vsel vm1, v62, v61;
	v34 =	vsel vm1, v30, v19;
	[tilespmem:$0x4D0] =	vst v3;
	v3 =	vadd.s32 v46, v48  }
0x44: {  	v52 =	vld [tilespmem:$0x140];
	[tilespmem:$0x520] =	vst v54;
	v57 =	vshra.s32 v55, $0x1;
	v61 =	vperm.xlane v50, v0;
	v62 =	vperm.xlane v47, v1  }
0x45: {  	[tilespmem:$0x2C0] =	vst v8;
	v24 =	vand.u32 $0x1, v55;
	v20 =	vshll.u32 v39, $0x9;
	v29 =	vshra.s32 v12, $0x1  }
0x46: {  	v63 =	vld [tilespmem:$0x100];
	v33 =	vand.u32 $0x1, v12;
	v37 =	vshra.s32 v34, $0x1;
	v44 =	vand.u32 $0x1, v34;
	[tilespmem:$0x2D0] =	vst v2  }
0x47: {  	v36 =	vld [tilespmem:$0x120];
	v2 =	vshra.s32 v11, $0x1;
	v60 =	vadd.s32 v13, v57;
	v14 =	vperm.xlane v56, v0;
	[tilespmem:$0x310] =	vst v3  }
0x48: {  	v21 =	vld [tilespmem:$0x160];
	v3 =	vadd.s32 v26, v28;
	v12 =	vshll.u32 v53, $0x9;
	[tilespmem:$0x530] =	vst v24;
	v56 =	vperm.xlane v42, v0  }
0x49: {  	v58 =	vld [tilespmem:$0x150];
	v57 =	vperm.xlane v39, v1;
	v26 =	vperm.xlane v52, v1;
	v10 =	vshll.u32 v52, $0x9;
	[tilespmem:$0x4F0] =	vst v33  }
0x4a: {  	v54 =	vld [tilespmem:$0x150];
	v5 =	vadd.s32 v27, v29;
	v9 =	vadd.s32 v35, v37;
	v2 =	vadd.s32 v49, v2;
	[tilespmem:$0x500] =	vst v44  }
0x4b: {  	v30 =	vld [tilespmem:$0x110];
	v6 =	vsel vm1, v62, v61;
	v29 =	vshll.u32 v47, $0x9;
	v33 =	vand.u32 $0x1, v25;
	[tilespmem:$0x330] =	vst v60  }
0x4c: {  	v46 =	vld [tilespmem:$0x130];
	v37 =	vperm.xlane v63, v0;
	[tilespmem:$0x340] =	vst v3;
	v13 =	vperm.xlane v36, v0;
	v31 =	vshra.s32 v6, $0x1  }
0x4d: {  	v34 =	vld [tilespmem:$0x110];
	[tilespmem:$0x2F0] =	vst v5;
	v6 =	vand.u32 $0x1, v6;
	v35 =	vsel vm1, v32, v14;
	v63 =	vsel vm1, v57, v56  }
0x4e: {  	v24 =	vld [tilespmem:$0x170];
	[tilespmem:$0x320] =	vst v2;
	v8 =	vadd.s32 v29, v31;
	v2 =	vshra.s32 v35, $0x1;
	v43 =	vand.u32 $0x1, v35  }
0x4f: {  	v27 =	vld [tilespmem:$0x100];
	[tilespmem:$0x300] =	vst v9;
	v44 =	vsel vm1, v38, v37;
	v22 =	vshra.s32 v63, $0x1;
	v37 =	vperm.xlane v21, v1  }
0x50: {  	v49 =	vld [tilespmem:$0x140];
	[tilespmem:$0x540] =	vst v33;
	v2 =	vadd.s32 v12, v2;
	v40 =	vperm.xlane v30, v0;
	v47 =	vshra.s32 v44, $0x1  }
0x51: {  	v61 =	vld [tilespmem:$0x160];
	[tilespmem:$0x550] =	vst v6;
	v51 =	vand.u32 $0x1, v44;
	v60 =	vperm.xlane v46, v1;
	v23 =	vshll.u32 v46, $0x9  }
0x52: {  	v57 =	vld [tilespmem:$0x1C0];
	[tilespmem:$0x560] =	vst v43;
	v12 =	vperm.xlane v54, v0;
	v43 =	vshll.u32 v21, $0x9;
	v50 =	vperm.xlane v34, v1  }
0x53: {  	[tilespmem:$0x350] =	vst v8;
	v7 =	vadd.s32 v45, v47;
	v11 =	vshll.u32 v34, $0x9;
	v34 =	vperm.xlane v58, v1  }
0x54: {  	[tilespmem:$0x360] =	vst v2;
	v36 =	vperm.xlane v24, v0;
	v41 =	vperm.xlane v27, v1;
	v48 =	vshll.u32 v27, $0x9  }
0x55: {  	v32 =	vld [tilespmem:$0x180];
	[tilespmem:$0x570] =	vst v51;
	v59 =	vperm.xlane v49, v0;
	v27 =	vand.u32 $0x1, v63;
	v31 =	vsel vm1, v26, v12  }
0x56: {  	v29 =	vld [tilespmem:$0x170];
	[tilespmem:$0x370] =	vst v7;
	v33 =	vperm.xlane v61, v0;
	v53 =	vsel vm1, v50, v13;
	v5 =	vsel vm1, v37, v36  }
0x57: {  	v38 =	vld [tilespmem:$0x190];
	[tilespmem:$0x5A0] =	vst v27;
	v24 =	vperm.xlane v57, v0;
	v4 =	vsel vm1, v41, v40;
	v62 =	vand.u32 $0x1, v53  }
0x58: {  	v35 =	vld [tilespmem:$0x180];
	v55 =	vshra.s32 v53, $0x1;
	v3 =	vshra.s32 v4, $0x1;
	v4 =	vand.u32 $0x1, v4;
	[tilespmem:$0x590] =	vst v62  }
0x59: {  	v44 =	vld [tilespmem:$0x1A0];
	v6 =	vsel vm1, v60, v59;
	v39 =	vsel vm1, v34, v33;
	v2 =	vadd.s32 v11, v55;
	[tilespmem:$0x580] =	vst v4  }
0x5a: {  	v21 =	vld [tilespmem:$0x1D0];
	v40 =	vshll.u32 v58, $0x9;
	v45 =	vshra.s32 v5, $0x1;
	v30 =	vand.u32 $0x1, v6;
	[tilespmem:$0x390] =	vst v2  }
0x5b: {  	v54 =	vld [tilespmem:$0x1B0];
	v46 =	vperm.xlane v29, v1;
	v25 =	vshra.s32 v6, $0x1;
	v6 =	vand.u32 $0x1, v39;
	[tilespmem:$0x5B0] =	vst v30  }
0x5c: {  	v51 =	vld [tilespmem:$0x1B0];
	v9 =	vshll.u32 v29, $0x9;
	v52 =	vperm.xlane v38, v0;
	v3 =	vadd.s32 v48, v3;
	[tilespmem:$0x5D0] =	vst v6  }
0x5d: {  	v49 =	vld [tilespmem:$0x1A0];
	v53 =	vperm.xlane v35, v1;
	v42 =	vshra.s32 v39, $0x1;
	v28 =	vadd.s32 v23, v25;
	[tilespmem:$0x380] =	vst v3  }
0x5e: {  	v63 =	vld [tilespmem:$0x1D0];
	v59 =	vshll.u32 v35, $0x9;
	v11 =	vperm.xlane v32, v0;
	v47 =	vadd.s32 v40, v42;
	[tilespmem:$0x3B0] =	vst v28  }
0x5f: {  	v26 =	vld [tilespmem:$0x1E0];
	v55 =	vperm.xlane v44, v0;
	v36 =	vperm.xlane v21, v1;
	v48 =	vadd.s32 v43, v45;
	[tilespmem:$0x3D0] =	vst v47  }
0x60: {  	v41 =	vld [tilespmem:$0x190];
	v2 =	vshra.s32 v31, $0x1;
	v58 =	vsel vm1, v53, v52;
	v3 =	vadd.s32 v20, v22;
	[tilespmem:$0x3E0] =	vst v48  }
0x61: {  	v25 =	vperm.xlane v54, v1;
	v2 =	vadd.s32 v10, v2;
	v50 =	vsel vm1, v46, v11;
	[tilespmem:$0x3A0] =	vst v3  }
0x62: {  	v61 =	vshra.s32 v58, $0x1;
	v10 =	vperm.xlane v51, v0;
	v6 =	vand.u32 $0x1, v58;
	[tilespmem:$0x3C0] =	vst v2  }
0x63: {  	v20 =	vperm.xlane v49, v1;
	v8 =	vshll.u32 v49, $0x9;
	v3 =	vand.u32 $0x1, v31;
	[tilespmem:$0x600] =	vst v6  }
0x64: {  	v60 =	vld [tilespmem:$0x1C0];
	v27 =	vperm.xlane v63, v0;
	v40 =	vperm.xlane v26, v1;
	v2 =	vand.u32 $0x1, v5;
	[tilespmem:$0x5C0] =	vst v3  }
0x65: {  	v29 =	vld [tilespmem:$0x1F0];
	v5 =	vand.u32 $0x1, v50;
	v3 =	vshra.s32 v50, $0x1;
	v56 =	vperm.xlane v41, v1;
	[tilespmem:$0x5E0] =	vst v2  }
0x66: {  	v35 =	vld [tilespmem:$0x200];
	v30 =	vsel vm1, v25, v24;
	v31 =	vshll.u32 v54, $0x9;
	[tilespmem:$0x5F0] =	vst v5;
	v3 =	vadd.s32 v9, v3  }
0x67: {  	v23 =	vld [tilespmem:$0x1E0];
	v62 =	vshll.u32 v41, $0x9;
	v4 =	vsel vm1, v56, v55;
	[tilespmem:$0x3F0] =	vst v3;
	v3 =	vadd.s32 v59, v61  }
0x68: {  	v32 =	vld [tilespmem:$0x1F0];
	v22 =	vsel vm1, v20, v10;
	v2 =	vshra.s32 v4, $0x1;
	v4 =	vand.u32 $0x1, v4;
	[tilespmem:$0x400] =	vst v3  }
0x69: {  	v28 =	vperm.xlane v60, v1;
	v3 =	vshra.s32 v22, $0x1;
	v2 =	vadd.s32 v62, v2;
	[tilespmem:$0x610] =	vst v4  }
0x6a: {  	v33 =	vshra.s32 v30, $0x1;
	v34 =	vshll.u32 v60, $0x9;
	v3 =	vadd.s32 v8, v3;
	[tilespmem:$0x410] =	vst v2  }
0x6b: {  	v39 =	vperm.xlane v29, v0;
	v6 =	vsel vm1, v28, v27;
	v2 =	vand.u32 $0x1, v22;
	[tilespmem:$0x420] =	vst v3  }
0x6c: {  	v9 =	vperm.xlane v23, v0;
	v3 =	vshra.s32 v6, $0x1;
	[tilespmem:$0x620] =	vst v2;
	v2 =	vadd.s32 v31, v33  }
0x6d: {  	v41 =	vperm.xlane v35, v0;
	v42 =	vperm.xlane v32, v1;
	v3 =	vadd.s32 v34, v3;
	[tilespmem:$0x430] =	vst v2  }
0x6e: {  	v43 =	vsel vm1, v40, v39;
	v38 =	vsel vm1, v36, v9;
	v2 =	vand.u32 $0x1, v30;
	[tilespmem:$0x440] =	vst v3  }
0x6f: {  	v37 =	vand.u32 $0x1, v6;
	v3 =	vshra.s32 v38, $0x1;
	[tilespmem:$0x630] =	vst v2;
	v2 =	vshll.u32 v21, $0x9  }
0x70: {  	v44 =	vshra.s32 v43, $0x1;
	[tilespmem:$0x640] =	vst v37;
	v2 =	vadd.s32 v2, v3  }
0x71: {  	v45 =	vsel vm1, v42, v41;
	v3 =	vand.u32 $0x1, v38;
	[tilespmem:$0x450] =	vst v2;
	v2 =	vshll.u32 v26, $0x9  }
0x72: {  	v46 =	vshra.s32 v45, $0x1;
	[tilespmem:$0x650] =	vst v3;
	v3 =	vshll.u32 v32, $0x9;
	v2 =	vadd.s32 v2, v44  }
0x73: {  	v3 =	vadd.s32 v3, v46;
	[tilespmem:$0x460] =	vst v2;
	v2 =	vand.u32 $0x1, v43  }
0x74: {  	[tilespmem:$0x660] =	vst v2;
	v2 =	vsel vm0, $0x0, v3  }
0x75: {  	[tilespmem:$0x470] =	vst v2;
	v2 =	vand.u32 $0x1, v45  }
0x76: {  	[tilespmem:$0x670] =	vst v2  }
0x77: {  	[tilespmem:s10], [sflag:$0x1] =	stream.indirect.gather [hbm4b:s2+s8], $0x1, s9, s8, $0xb8;
	[tilespmem:$0x900] =	vst v63  }
0x78: {  	_ = 	snop  }
0x79: {  	[tilespmem:s12], [sflag:$0x1] =	stream.indirect.gather [hbm4b:s2+s8], $0x1, s11, s8, $0xb8;
	[tilespmem:$0x900] =	vst v63  }
0x7a: {  	_ = 	snop  }
0x7b: {  	[tilespmem:s14], [sflag:$0x1] =	stream.indirect.gather [hbm4b:s2+s8], $0x1, s13, s8, $0xb8;
	[tilespmem:$0x900] =	vst v63  }
0x7c: {  	_ = 	snop  }
0x7d: {  	[tilespmem:s16], [sflag:$0x1] =	stream.indirect.gather [hbm4b:s2+s8], $0x1, s15, s8, $0xb8;
	[tilespmem:$0x900] =	vst v63  }
0x7e: {  	_ =	swait.ge [sflag:s17], $0x80  }
0x7f: {  	[sflag:s17] =	ssyncset.done $0x0  }
0x80: {  	[sflag:s17] =	ssyncadd.s32 $0xFFFFFF80  }
0x81: {  	_ =	swait.ge [sflag:s17], $0x80  }
0x82: {  	[sflag:s17] =	ssyncset.done $0x0  }
0x83: {  	[sflag:s17] =	ssyncadd.s32 $0xFFFFFF80  }
0x84: {  	_ =	swait.ge [sflag:s17], $0x80  }
0x85: {  	[sflag:s17] =	ssyncset.done $0x0  }
0x86: {  	[sflag:s17] =	ssyncadd.s32 $0xFFFFFF80  }
0x87: {  	_ =	swait.ge [sflag:s17], $0x80  }
0x88: {  	[sflag:s17] =	ssyncset.done $0x0  }
0x89: {  	[sflag:s17] =	ssyncadd.s32 $0xFFFFFF80  }
0x8a: {  	v2 =	vld [tilespmem:$0x680]  }
0x8b: {  	v3 =	vld [tilespmem:$0x480]  }
0x8c: {  	v47 =	vld [tilespmem:$0x690]  }
0x8d: {  	v48 =	vld [tilespmem:$0x490]  }
0x8e: {  	v49 =	vld [tilespmem:$0x6A0]  }
0x8f: {  	v50 =	vld [tilespmem:$0x4A0]  }
0x90: {  	v51 =	vld [tilespmem:$0x6B0]  }
0x91: {  	v53 =	vld [tilespmem:$0x6C0];
	vm2 =	veq.s32 v3, $0x0;
	v3 =	vand.u32 $0xFFFF0000, v2;
	v2 =	vshll.u32 v2, $0x10  }
0x92: {  	v52 =	vand.u32 $0xFFFF0000, v47;
	v2 =	vsel vm2, v2, v3;
	v3 =	vld [tilespmem:$0x4B0]  }
0x93: {  	v54 =	vld [tilespmem:$0x4C0];
	v4 =	vshll.u32 v47, $0x10;
	vm2 =	veq.s32 v48, $0x0;
	v2 =	vadd.f32 $0.0e+00, v2  }
0x94: {  	v56 =	vld [tilespmem:$0x6D0];
	v55 =	vand.u32 $0xFFFF0000, v49;
	v4 =	vsel vm2, v4, v52  }
0x95: {  	v58 =	vld [tilespmem:$0x4D0];
	v6 =	vshll.u32 v49, $0x10;
	vm2 =	veq.s32 v50, $0x0;
	v2 =	vadd.f32 v4, v2  }
0x96: {  	v60 =	vld [tilespmem:$0x6E0];
	v59 =	vshll.u32 v51, $0x10;
	v57 =	vsel vm2, v6, v55  }
0x97: {  	v61 =	vld [tilespmem:$0x4E0];
	vm2 =	veq.s32 v3, $0x0;
	v3 =	vand.u32 $0xFFFF0000, v51;
	v2 =	vadd.f32 v57, v2  }
0x98: {  	v12 =	vld [tilespmem:$0x6F0];
	v62 =	vand.u32 $0xFFFF0000, v53;
	v3 =	vsel vm2, v59, v3  }
0x99: {  	v13 =	vld [tilespmem:$0x4F0];
	v63 =	vshll.u32 v53, $0x10;
	vm2 =	veq.s32 v54, $0x0;
	v2 =	vadd.f32 v3, v2  }
0x9a: {  	v16 =	vld [tilespmem:$0x700];
	v14 =	vand.u32 $0xFFFF0000, v56;
	v3 =	vsel vm2, v63, v62  }
0x9b: {  	v17 =	vld [tilespmem:$0x500];
	v15 =	vshll.u32 v56, $0x10;
	vm2 =	veq.s32 v58, $0x0;
	v2 =	vadd.f32 v3, v2  }
0x9c: {  	v20 =	vld [tilespmem:$0x710];
	v18 =	vand.u32 $0xFFFF0000, v60;
	v3 =	vsel vm2, v15, v14  }
0x9d: {  	v21 =	vld [tilespmem:$0x510];
	v19 =	vshll.u32 v60, $0x10;
	vm2 =	veq.s32 v61, $0x0;
	v2 =	vadd.f32 v3, v2  }
0x9e: {  	v24 =	vld [tilespmem:$0x720];
	v22 =	vand.u32 $0xFFFF0000, v12;
	v3 =	vsel vm2, v19, v18  }
0x9f: {  	v25 =	vld [tilespmem:$0x520];
	v23 =	vshll.u32 v12, $0x10;
	vm2 =	veq.s32 v13, $0x0;
	v2 =	vadd.f32 v3, v2  }
0xa0: {  	v28 =	vld [tilespmem:$0x730];
	v26 =	vand.u32 $0xFFFF0000, v16;
	v3 =	vsel vm2, v23, v22  }
0xa1: {  	v29 =	vld [tilespmem:$0x530];
	v27 =	vshll.u32 v16, $0x10;
	vm2 =	veq.s32 v17, $0x0;
	v2 =	vadd.f32 v3, v2  }
0xa2: {  	v32 =	vld [tilespmem:$0x740];
	v30 =	vand.u32 $0xFFFF0000, v20;
	v3 =	vsel vm2, v27, v26  }
0xa3: {  	v33 =	vld [tilespmem:$0x540];
	v31 =	vshll.u32 v20, $0x10;
	vm2 =	veq.s32 v21, $0x0;
	v2 =	vadd.f32 v3, v2  }
0xa4: {  	v36 =	vld [tilespmem:$0x750];
	v34 =	vand.u32 $0xFFFF0000, v24;
	v3 =	vsel vm2, v31, v30  }
0xa5: {  	v37 =	vld [tilespmem:$0x550];
	v35 =	vshll.u32 v24, $0x10;
	vm2 =	veq.s32 v25, $0x0;
	v2 =	vadd.f32 v3, v2  }
0xa6: {  	v40 =	vld [tilespmem:$0x760];
	v38 =	vand.u32 $0xFFFF0000, v28;
	v3 =	vsel vm2, v35, v34  }
0xa7: {  	v41 =	vld [tilespmem:$0x560];
	v39 =	vshll.u32 v28, $0x10;
	vm2 =	veq.s32 v29, $0x0;
	v2 =	vadd.f32 v3, v2  }
0xa8: {  	v44 =	vld [tilespmem:$0x770];
	v42 =	vand.u32 $0xFFFF0000, v32;
	v3 =	vsel vm2, v39, v38  }
0xa9: {  	v45 =	vld [tilespmem:$0x570];
	v43 =	vshll.u32 v32, $0x10;
	vm2 =	veq.s32 v33, $0x0;
	v2 =	vadd.f32 v3, v2  }
0xaa: {  	v46 =	vand.u32 $0xFFFF0000, v36;
	v49 =	vld [tilespmem:$0x580];
	v3 =	vsel vm2, v43, v42  }
0xab: {  	v47 =	vshll.u32 v36, $0x10;
	v48 =	vld [tilespmem:$0x780];
	vm2 =	veq.s32 v37, $0x0;
	v2 =	vadd.f32 v3, v2  }
0xac: {  	v53 =	vld [tilespmem:$0x590];
	v50 =	vand.u32 $0xFFFF0000, v40;
	v3 =	vsel vm2, v47, v46  }
0xad: {  	v52 =	vld [tilespmem:$0x790];
	v51 =	vshll.u32 v40, $0x10;
	vm2 =	veq.s32 v41, $0x0;
	v2 =	vadd.f32 v3, v2  }
0xae: {  	v56 =	vld [tilespmem:$0x7A0];
	v55 =	vshll.u32 v44, $0x10;
	v3 =	vsel vm2, v51, v50  }
0xaf: {  	v60 =	vld [tilespmem:$0x7B0];
	v54 =	vand.u32 $0xFFFF0000, v44;
	vm2 =	veq.s32 v45, $0x0;
	v2 =	vadd.f32 v3, v2  }
0xb0: {  	v57 =	vld [tilespmem:$0x5A0];
	v59 =	vshll.u32 v48, $0x10;
	v3 =	vsel vm2, v55, v54  }
0xb1: {  	v12 =	vld [tilespmem:$0x7C0];
	v58 =	vand.u32 $0xFFFF0000, v48;
	vm2 =	veq.s32 v49, $0x0;
	v2 =	vadd.f32 v3, v2  }
0xb2: {  	v62 =	vand.u32 $0xFFFF0000, v52;
	v61 =	vld [tilespmem:$0x5B0];
	v3 =	vsel vm2, v59, v58  }
0xb3: {  	v16 =	vld [tilespmem:$0x7D0];
	v63 =	vshll.u32 v52, $0x10;
	vm2 =	veq.s32 v53, $0x0;
	v2 =	vadd.f32 v3, v2  }
0xb4: {  	v14 =	vand.u32 $0xFFFF0000, v56;
	v13 =	vld [tilespmem:$0x5C0];
	v3 =	vsel vm2, v63, v62  }
0xb5: {  	v20 =	vld [tilespmem:$0x7E0];
	v15 =	vshll.u32 v56, $0x10;
	vm2 =	veq.s32 v57, $0x0;
	v2 =	vadd.f32 v3, v2  }
0xb6: {  	v18 =	vand.u32 $0xFFFF0000, v60;
	v17 =	vld [tilespmem:$0x5D0];
	v3 =	vsel vm2, v15, v14  }
0xb7: {  	v24 =	vld [tilespmem:$0x7F0];
	v19 =	vshll.u32 v60, $0x10;
	vm2 =	veq.s32 v61, $0x0;
	v2 =	vadd.f32 v3, v2  }
0xb8: {  	v22 =	vand.u32 $0xFFFF0000, v12;
	v21 =	vld [tilespmem:$0x5E0];
	v3 =	vsel vm2, v19, v18  }
0xb9: {  	v28 =	vld [tilespmem:$0x800];
	v23 =	vshll.u32 v12, $0x10;
	vm2 =	veq.s32 v13, $0x0;
	v2 =	vadd.f32 v3, v2  }
0xba: {  	v26 =	vand.u32 $0xFFFF0000, v16;
	v25 =	vld [tilespmem:$0x5F0];
	v3 =	vsel vm2, v23, v22  }
0xbb: {  	v32 =	vld [tilespmem:$0x810];
	v27 =	vshll.u32 v16, $0x10;
	vm2 =	veq.s32 v17, $0x0;
	v2 =	vadd.f32 v3, v2  }
0xbc: {  	v30 =	vand.u32 $0xFFFF0000, v20;
	v29 =	vld [tilespmem:$0x600];
	v3 =	vsel vm2, v27, v26  }
0xbd: {  	v36 =	vld [tilespmem:$0x820];
	v31 =	vshll.u32 v20, $0x10;
	vm2 =	veq.s32 v21, $0x0;
	v2 =	vadd.f32 v3, v2  }
0xbe: {  	v34 =	vand.u32 $0xFFFF0000, v24;
	v33 =	vld [tilespmem:$0x610];
	v3 =	vsel vm2, v31, v30  }
0xbf: {  	v40 =	vld [tilespmem:$0x830];
	v35 =	vshll.u32 v24, $0x10;
	vm2 =	veq.s32 v25, $0x0;
	v2 =	vadd.f32 v3, v2  }
0xc0: {  	v38 =	vand.u32 $0xFFFF0000, v28;
	v37 =	vld [tilespmem:$0x620];
	v3 =	vsel vm2, v35, v34  }
0xc1: {  	v44 =	vld [tilespmem:$0x840];
	v39 =	vshll.u32 v28, $0x10;
	vm2 =	veq.s32 v29, $0x0;
	v2 =	vadd.f32 v3, v2  }
0xc2: {  	v42 =	vand.u32 $0xFFFF0000, v32;
	v41 =	vld [tilespmem:$0x630];
	v3 =	vsel vm2, v39, v38  }
0xc3: {  	v48 =	vld [tilespmem:$0x850];
	v43 =	vshll.u32 v32, $0x10;
	vm2 =	veq.s32 v33, $0x0;
	v2 =	vadd.f32 v3, v2  }
0xc4: {  	v46 =	vand.u32 $0xFFFF0000, v36;
	v45 =	vld [tilespmem:$0x640];
	v3 =	vsel vm2, v43, v42  }
0xc5: {  	v52 =	vld [tilespmem:$0x860];
	v47 =	vshll.u32 v36, $0x10;
	vm2 =	veq.s32 v37, $0x0;
	v2 =	vadd.f32 v3, v2  }
0xc6: {  	v50 =	vand.u32 $0xFFFF0000, v40;
	v49 =	vld [tilespmem:$0x650];
	v3 =	vsel vm2, v47, v46  }
0xc7: {  	v56 =	vld [tilespmem:$0x870];
	v51 =	vshll.u32 v40, $0x10;
	vm2 =	veq.s32 v41, $0x0;
	v2 =	vadd.f32 v3, v2  }
0xc8: {  	v54 =	vand.u32 $0xFFFF0000, v44;
	v53 =	vld [tilespmem:$0x660];
	v3 =	vsel vm2, v51, v50  }
0xc9: {  	v55 =	vshll.u32 v44, $0x10;
	v57 =	vld [tilespmem:$0x670];
	vm2 =	veq.s32 v45, $0x0;
	v2 =	vadd.f32 v3, v2  }
0xca: {  	v58 =	vand.u32 $0xFFFF0000, v48;
	v3 =	vsel vm2, v55, v54  }
0xcb: {  	v59 =	vshll.u32 v48, $0x10;
	vm2 =	veq.s32 v49, $0x0;
	v2 =	vadd.f32 v3, v2  }
0xcc: {  	v60 =	vand.u32 $0xFFFF0000, v52;
	v62 =	vand.u32 $0xFFFF0000, v56;
	v3 =	vsel vm2, v59, v58  }
0xcd: {  	v61 =	vshll.u32 v52, $0x10;
	vm2 =	veq.s32 v53, $0x0;
	v2 =	vadd.f32 v3, v2  }
0xce: {  	v63 =	vshll.u32 v56, $0x10;
	v3 =	vsel vm2, v61, v60;
	vm2 =	veq.s32 v57, $0x0  }
0xcf: {  	v2 =	vadd.f32 v3, v2;
	v3 =	vsel vm2, v63, v62  }
0xd0: {  	v3 =	vsel vm0, $0x0, v3  }
0xd1: {  	s7 =	sadd.s32 $0xFFFFFFFF, s7;
	v2 =	vadd.f32 v3, v2  }
0xd2: {  	p1 =	sne.s32 s7, $0x0  }
.Ltmp0:
0xd3: {  	[tilespmem:$0x880] =	vst v2;
	(pc) =	sbr.rel @p1 .LBB2_1-.Ltmp0, $4  }
0xd4: {  	[hbm4b:s6+s3] =	stream.linear.scatter [tilespmem:s18], [sflag:$0x2], $0x80, $0x38;
	[tilespmem:$0x900] =	vst v63  }
0xd5: {  	_ =	swait.ge [sflag:s19], $0x80  }
0xd6: {  	[sflag:s19] =	ssyncset.done $0x0  }
0xd7: {  	[sflag:s19] =	ssyncadd.s32 $0xFFFFFF80  }
0xd8: {  	_ =	sfence.sel $0x180000  }
0xd9: {  	[bflag:$0x0] =	sbarrier.arrive $0xFFFF  }
0xda: {  	p0 =	sne.s32 s1, $0x0;
	_ =	strace $0x90000047  }
0xdb: {  	s0 =	sadd.s32 @!p0 $0x100000, s0;
	[bflag:$0x2] =	sbarrier.arrive $0xFFFF  }
0xdc: {  	[sflag:s0] =	ssyncadd.tile.s32 @!p0 $0x1;
	_ =	shalt  }
.Lfunc_end2:
_tile_overlayer_lowered:
.L_overlay_start_2:
0xdd: {  	(tag) =	ssettag $0x2  }
0xde: {  	s0 =	rddreg [dreg:$0x0];
	s2 =	stileid.u32  }
0xdf: {  	s1 =	rddreg [dreg:$0x1];
	p0 =	sne.s32 s2, $0x0  }
0xe0: {  	s3 =	rddreg [dreg:$0x2];
	[bflag:$0x3] =	sbarrier.arrive $0xFFFF;
	s2 =	simm.s32 @!p0 $0x1C02  }
0xe1: {  	[timem:s3], [sflag:s2] =	dma.local @!p0 [hbm:s0], s1  }
0xe2: {  	s0 =	simm.s32 @!p0 $0x2  }
0xe3: {  	_ =	swait.ge @!p0 [sflag:s0], s1  }
0xe4: {  	s1 =	ssub.s32 @!p0 $0x0, s1;
	[sflag:s0] =	ssyncset.done @!p0 $0x0  }
0xe5: {  	[sflag:s0] =	ssyncadd.s32 @!p0 s1  }
0xe6: {  	[bflag:$0x3] =	sbarrier.arrive $0xFFFF  }
0xe7: {  	_ =	shalt  }

</sc_bundles>
